<compile_context>
chip_gen: v7x
topology: tpu7x:2x2x1
jax: 0.10.2.dev20260603
libtpu: 0.0.44.dev20260713+nightly
codegen_flags: <defaults>
</compile_context>

<pallas_src>
import functools

import jax
import jax.numpy as jnp
import numpy as np
from jax import lax
from jax.experimental import pallas as pl
from jax.experimental.pallas import tpu as pltpu
from jax.experimental.pallas import tpu_sc as plsc

N = 10000
E = 320000
H = 128
RANK = 10
WDIM = 128

NC = 2
NS = 16
NW = NC * NS
CH = 128
NCH = 80
G = 16
NG = NCH // G
E_PAD = NW * NCH * CH
ACC_ROWS = 10240
PAD_ROW = N


def _sc_segment_sum(src3, dst3, W_edge):
  mesh = plsc.VectorSubcoreMesh(core_axis_name="c", subcore_axis_name="s")

  @functools.partial(
      pl.kernel,
      out_type=jax.ShapeDtypeStruct((NC, ACC_ROWS, H), jnp.float32),
      mesh=mesh,
      scratch_types=[
          pltpu.VMEM((2, 2 * G, CH), jnp.int32),
          pltpu.VMEM((CH, H), jnp.float32),
          pltpu.VMEM((CH, H), jnp.float32),
          pltpu.VMEM_SHARED((ACC_ROWS, H), jnp.float32),
          pltpu.SemaphoreType.DMA,
          pltpu.SemaphoreType.DMA,
          pltpu.SemaphoreType.DMA,
      ],
  )
  def seg_kernel(src_hbm, dst_hbm, wedge_hbm, out_hbm, idx_v, rows_a,
                 rows_b, acc_sh, sem_a, sem_b, isem):
    c = lax.axis_index("c")
    s = lax.axis_index("s")
    wid = s * NC + c

    def load_idx_group(g, buf):
      pltpu.async_copy(src_hbm.at[wid, pl.ds(g * G, G)],
                       idx_v.at[buf, pl.ds(0, G)], isem)
      pltpu.async_copy(dst_hbm.at[wid, pl.ds(g * G, G)],
                       idx_v.at[buf, pl.ds(G, G)], isem)

    def wait_idx_group(buf):
      for half in range(2):
        pltpu.make_async_copy(src_hbm.at[wid, pl.ds(0, G)],
                              idx_v.at[buf, pl.ds(half * G, G)], isem).wait()

    def zrow(r, _):
      for cc in range(H // 16):
        rows_a[r, pl.ds(cc * 16, 16)] = jnp.zeros((16,), jnp.float32)
      return 0

    lax.fori_loop(0, CH, zrow, 0)
    zrows = ACC_ROWS // NS
    for k in range(zrows // CH):
      pltpu.sync_copy(rows_a, acc_sh.at[pl.ds(s * zrows + k * CH, CH)])
    plsc.subcore_barrier()

    bufs = ((rows_a, sem_a), (rows_b, sem_b))

    def start_gather(buf, k, b):
      rows, sem = bufs[b]
      pltpu.async_copy(wedge_hbm.at[idx_v.at[buf, k]], rows, sem)

    load_idx_group(0, 0)
    wait_idx_group(0)
    start_gather(0, 0, 0)
    start_gather(0, 1, 1)
    if NG > 1:
      load_idx_group(1, 1)

    def group_body(g, _):
      pb = lax.rem(g, 2)
      qb = lax.rem(g + 1, 2)
      for k in range(G):
        b = k % 2
        rows, sem = bufs[b]
        pltpu.make_async_copy(wedge_hbm.at[idx_v.at[pb, k]], rows, sem).wait()
        pltpu.sync_copy(rows, acc_sh.at[idx_v.at[pb, G + k]], add=True)
        if k <= G - 3:
          start_gather(pb, k + 2, b)
        elif k == G - 2:
          @pl.when(g + 1 < NG)
          def _next0():
            wait_idx_group(qb)
            start_gather(qb, 0, b)
        else:
          @pl.when(g + 1 < NG)
          def _next1():
            start_gather(qb, 1, b)

          @pl.when(g + 2 < NG)
          def _load_ahead():
            load_idx_group(g + 2, pb)
      return 0

    lax.fori_loop(0, NG, group_body, 0)
    plsc.subcore_barrier()

    pltpu.sync_copy(acc_sh.at[pl.ds(s * zrows, zrows)],
                    out_hbm.at[c, pl.ds(s * zrows, zrows)])

  return seg_kernel(src3, dst3, W_edge)


def _dotT(a, b):
  return lax.dot_general(a, b, (((1,), (1,)), ((), ())),
                         preferred_element_type=jnp.float32)


def _leaky(x):
  return jnp.maximum(x, 0.01 * x)


BLK = 1000


def _dense_kernel(p_ref, x_ref, be_ref, wc1_ref, bc1_ref, wn_ref, bn_ref,
                  wc2_ref, bc2_ref, w_ref, alw0_ref, arw0_ref, alb0_ref,
                  arb0_ref, syn0_ref, sb0_ref, alw1_ref, arw1_ref, alb1_ref,
                  arb1_ref, syn1_ref, sb1_ref, out_ref, wm0_s, wm1_s):
  pid = pl.program_id(0)

  @pl.when(pid == 0)
  def _compute_styles():
    for (lyr, alw, arw, alb, arb, syn, wm_s) in (
        (0, alw0_ref, arw0_ref, alb0_ref, arb0_ref, syn0_ref, wm0_s),
        (1, alw1_ref, arw1_ref, alb1_ref, arb1_ref, syn1_ref, wm1_s)):
      wv = w_ref[lyr:lyr + 1, :]
      lrows = [_dotT(wv, alw[r]) + alb[r] for r in range(RANK)]
      rrows = [_dotT(wv, arw[r]) + arb[r] for r in range(RANK)]
      lt = jnp.concatenate(lrows, axis=0)
      rt = jnp.concatenate(rrows, axis=0)
      mod = lax.dot_general(lt, rt, (((0,), (0,)), ((), ())),
                            preferred_element_type=jnp.float32)
      wm = syn[...] * (mod * np.float32(1.0 / np.sqrt(RANK)) + 1.0)
      nrm = jnp.sqrt(jnp.sum(wm * wm, axis=1, keepdims=True)) + 1e-8
      wm_s[...] = wm / nrm

  p = p_ref[0] + p_ref[1] + be_ref[...]
  out = p + _dotT(p, wc1_ref[...]) + bc1_ref[...]
  xh = _dotT(x_ref[...], wn_ref[...]) + bn_ref[...]
  out = out + xh + _dotT(xh, wc2_ref[...]) + bc2_ref[...]
  out = _leaky(out)
  out = _leaky(_dotT(out, wm0_s[...]) + sb0_ref[...])
  out_ref[...] = _leaky(_dotT(out, wm1_s[...]) + sb1_ref[...])


def _dense(p, x, b_edge, W_c1, b_c1, W_node, b_node, W_c2, b_c2, w, alw0,
           arw0, alb0, arb0, syn_W0, syn_b0, alw1, arw1, alb1, arb1, syn_W1,
           syn_b1):
  full2 = lambda shape: pl.BlockSpec(shape, lambda i: (0, 0))
  full3 = lambda shape: pl.BlockSpec(shape, lambda i: (0, 0, 0))
  grid = N // BLK
  return pl.pallas_call(
      _dense_kernel,
      grid=(grid,),
      in_specs=[
          pl.BlockSpec((NC, BLK, H), lambda i: (0, i, 0)),
          pl.BlockSpec((BLK, H), lambda i: (i, 0)),
          full2((1, H)), full2((H, H)), full2((1, H)),
          full2((H, H)), full2((1, H)),
          full2((H, H)), full2((1, H)),
          full2((2, WDIM)),
          full3((RANK, H, WDIM)), full3((RANK, H, WDIM)),
          full3((RANK, 1, H)), full3((RANK, 1, H)),
          full2((H, H)), full2((1, H)),
          full3((RANK, H, WDIM)), full3((RANK, H, WDIM)),
          full3((RANK, 1, H)), full3((RANK, 1, H)),
          full2((H, H)), full2((1, H)),
      ],
      out_specs=pl.BlockSpec((BLK, H), lambda i: (i, 0)),
      out_shape=jax.ShapeDtypeStruct((N, H), jnp.float32),
      scratch_shapes=[
          pltpu.VMEM((H, H), jnp.float32),
          pltpu.VMEM((H, H), jnp.float32),
      ],
  )(p, x, b_edge, W_c1, b_c1, W_node, b_node, W_c2, b_c2, w, alw0, arw0,
    alb0, arb0, syn_W0, syn_b0, alw1, arw1, alb1, arb1, syn_W1, syn_b1)


def kernel(x, edge_index, w, W_edge, b_edge, W_node, b_node, W_c1, b_c1,
           W_c2, b_c2, aff_W0, aff_b0, syn_W0, syn_b0, aff_W1, aff_b1,
           syn_W1, syn_b1):
  src = edge_index[0]
  dst = edge_index[1]
  pad = E_PAD - E
  src3 = jnp.concatenate([src, jnp.zeros((pad,), jnp.int32)]).reshape(
      NW, NCH, CH)
  dst3 = jnp.concatenate([dst, jnp.full((pad,), PAD_ROW, jnp.int32)]).reshape(
      NW, NCH, CH)

  p = _sc_segment_sum(src3, dst3, W_edge)

  def split_aff(aff_W, aff_b):
    alw = aff_W[:H * RANK].reshape(H, RANK, WDIM).transpose(1, 0, 2)
    arw = aff_W[H * RANK:].reshape(RANK, H, WDIM)
    alb = aff_b[:H * RANK].reshape(H, RANK).T.reshape(RANK, 1, H)
    arb = aff_b[H * RANK:].reshape(RANK, 1, H)
    return alw, arw, alb, arb

  alw0, arw0, alb0, arb0 = split_aff(aff_W0, aff_b0)
  alw1, arw1, alb1, arb1 = split_aff(aff_W1, aff_b1)

  return _dense(p, x, b_edge.reshape(1, H), W_c1, b_c1.reshape(1, H),
                W_node, b_node.reshape(1, H), W_c2, b_c2.reshape(1, H), w,
                alw0, arw0, alb0, arb0, syn_W0, syn_b0, alw1, arw1, alb1,
                arb1, syn_W1, syn_b1)

# --- scband reference (transcript-rebuilt; emitter-appended) ---
"""Pipeline reference for scband-linkx-59133109731532 (READ-ONLY COPY).

The authoritative reference and input builder live on the scoring server;
editing this copy changes nothing except your own understanding.
"""

import jax, jax.numpy as jnp
import numpy as np

N = 10000
E = 320000
IN = 128
H = 128
OUT = 128
WDIM = 128
RANK = 10


def setup_inputs(seed: int = 0) -> dict:
    key = jax.random.key(seed)
    ks = jax.random.split(key, 16)
    s = 0.05
    inp = {}
    inp['x'] = jax.random.normal(ks[0], (N, IN), dtype=jnp.float32)
    inp['edge_index'] = jax.random.randint(ks[1], (2, E), 0, N, dtype=jnp.int32)
    inp['w'] = jax.random.normal(ks[2], (2, WDIM), dtype=jnp.float32)
    # SparseLinear (edge_lin): weight [num_nodes, hidden], bias [hidden]
    inp['W_edge'] = jax.random.normal(ks[3], (N, H), dtype=jnp.float32) * s
    inp['b_edge'] = jnp.zeros((H,), dtype=jnp.float32)
    # node_mlp single Linear (torch convention [out, in])
    inp['W_node'] = jax.random.normal(ks[4], (H, IN), dtype=jnp.float32) * s
    inp['b_node'] = jnp.zeros((H,), dtype=jnp.float32)
    inp['W_c1'] = jax.random.normal(ks[5], (H, H), dtype=jnp.float32) * s
    inp['b_c1'] = jnp.zeros((H,), dtype=jnp.float32)
    inp['W_c2'] = jax.random.normal(ks[6], (H, H), dtype=jnp.float32) * s
    inp['b_c2'] = jnp.zeros((H,), dtype=jnp.float32)
    # SynthesisLayer 0: H -> H
    inp['aff_W0'] = jax.random.normal(ks[7], ((H + H) * RANK, WDIM), dtype=jnp.float32) * s
    inp['aff_b0'] = jnp.zeros(((H + H) * RANK,), dtype=jnp.float32)
    inp['syn_W0'] = jax.random.normal(ks[8], (H, H), dtype=jnp.float32)
    inp['syn_b0'] = jnp.zeros((1, H), dtype=jnp.float32)
    # SynthesisLayer 1: H -> OUT
    inp['aff_W1'] = jax.random.normal(ks[9], ((H + OUT) * RANK, WDIM), dtype=jnp.float32) * s
    inp['aff_b1'] = jnp.zeros(((H + OUT) * RANK,), dtype=jnp.float32)
    inp['syn_W1'] = jax.random.normal(ks[10], (OUT, H), dtype=jnp.float32)
    inp['syn_b1'] = jnp.zeros((1, OUT), dtype=jnp.float32)
    return inp


def _synthesis(xin, wv, aff_W, aff_b, weight, bias, c_in, c_out):
    styles = aff_W @ wv + aff_b  # [(c_in+c_out)*RANK]
    left = styles[:c_out * RANK].reshape(c_out, RANK)
    right = styles[c_out * RANK:].reshape(RANK, c_in)
    modulation = (left @ right) / np.sqrt(RANK)
    Wm = weight * (modulation + 1.0)
    Wm = Wm / (jnp.linalg.norm(Wm, axis=1, keepdims=True) + 1e-08)
    o = xin @ Wm.T + bias
    return jax.nn.leaky_relu(o, negative_slope=0.01)


def reference(x, edge_index, w, W_edge, b_edge, W_node, b_node, W_c1, b_c1,
              W_c2, b_c2, aff_W0, aff_b0, syn_W0, syn_b0, aff_W1, aff_b1,
              syn_W1, syn_b1):
    src = edge_index[0]
    dst = edge_index[1]
    # SparseLinear: out[dst] += W_edge[src]  (A @ W_edge)
    out = jax.ops.segment_sum(jnp.take(W_edge, src, axis=0), dst, num_segments=N)
    out = out + b_edge
    # out = out + cat_lin1(out)
    out = out + (out @ W_c1.T + b_c1)
    # node path
    xh = x @ W_node.T + b_node
    out = out + xh
    out = out + (xh @ W_c2.T + b_c2)
    out = jax.nn.leaky_relu(out, negative_slope=0.01)
    out = _synthesis(out, w[0], aff_W0, aff_b0, syn_W0, syn_b0, H, H)
    out = _synthesis(out, w[1], aff_W1, aff_b1, syn_W1, syn_b1, H, OUT)
    return out

if __name__ == "__main__":
    import jax
    _d = setup_inputs()
    print(jax.jit(kernel)(*tuple(_d.values())))

</pallas_src>

<mosaic_0001>
#map = affine_map<(d0, d1) -> (0, 0, 0)>
#map1 = affine_map<(d0, d1) -> (0, 0)>
module attributes {stable_mosaic.version = 14 : i64} {
  func.func @seg_kernel(%arg0: i32, %arg1: i32, %arg2: memref<32x80x128xi32, #tpu.memory_space<hbm>>, %arg3: memref<32x80x128xi32, #tpu.memory_space<hbm>>, %arg4: memref<10000x128xf32, #tpu.memory_space<hbm>>, %arg5: memref<2x10240x128xf32, #tpu.memory_space<hbm>>, %arg6: memref<2x32x128xi32, #tpu.memory_space<vmem>>, %arg7: memref<128x128xf32, #tpu.memory_space<vmem>>, %arg8: memref<128x128xf32, #tpu.memory_space<vmem>>, %arg9: memref<10240x128xf32, #tpu.memory_space<vmem_shared>>, %arg10: memref<!tpu.dma_semaphore, #tpu.memory_space<semaphore_mem>>, %arg11: memref<!tpu.dma_semaphore, #tpu.memory_space<semaphore_mem>>, %arg12: memref<!tpu.dma_semaphore, #tpu.memory_space<semaphore_mem>>) attributes {dimension_semantics = [#tpu.dimension_semantics<core_parallel>, #tpu.dimension_semantics<subcore_parallel>], iteration_bounds = array<i64: 2, 16>, scalar_prefetch = 0 : i64, scratch_operands = 7 : i64, tpu.core_type = #tpu.core_type<sc_vector_subcore>, window_params = [{transform_indices = #map}, {transform_indices = #map}, {transform_indices = #map1}, {transform_indices = #map}]} {
    %mul3A = arith.constant 2 : i32
    %mul3A_0 = arith.muli %arg1, %mul3A : i32
    %add3A = arith.addi %mul3A_0, %arg0 : i32
    %scan3A = arith.constant 0 : i32
    %scan3A_1 = arith.constant 0 : i32
    %scan3A_2 = arith.constant 128 : i32
    %scan3A_3 = arith.addi %scan3A_1, %scan3A_2 : i32
    %scan3A_4 = arith.constant 1 : i32
    %scan3A_5 = scf.for %scan3A_155 = %scan3A_1 to %scan3A_3 step %scan3A_4 iter_args(%scan3A_156 = %scan3A) -> (i32)  : i32 {
      %broadcast_in_dim3A = arith.constant 0.000000e+00 : f32
      %broadcast_in_dim3A_157 = vector.broadcast %broadcast_in_dim3A : f32 to vector<16xf32>
      %swap3A = arith.index_cast %scan3A_155 : i32 to index
      %swap3A_158 = arith.constant 0 : index
      %swap3A_159 = tpu.vector_load %arg7[%swap3A, %swap3A_158] {strides = array<i32>} : memref<128x128xf32, #tpu.memory_space<vmem>>, vector<1x16xf32>,
      %swap3A_160 = vector.shape_cast %swap3A_159 : vector<1x16xf32> to vector<16xf32>
      %swap3A_161 = vector.shape_cast %broadcast_in_dim3A_157 : vector<16xf32> to vector<1x16xf32>
      tpu.vector_store %arg7[%swap3A, %swap3A_158], %swap3A_161 {strides = array<i32>} : memref<128x128xf32, #tpu.memory_space<vmem>>, vector<1x16xf32>,
      %broadcast_in_dim3A_162 = arith.constant 0.000000e+00 : f32
      %broadcast_in_dim3A_163 = vector.broadcast %broadcast_in_dim3A_162 : f32 to vector<16xf32>
      %swap3A_164 = arith.index_cast %scan3A_155 : i32 to index
      %swap3A_165 = arith.constant 16 : index
      %swap3A_166 = tpu.vector_load %arg7[%swap3A_164, %swap3A_165] {strides = array<i32>} : memref<128x128xf32, #tpu.memory_space<vmem>>, vector<1x16xf32>,
      %swap3A_167 = vector.shape_cast %swap3A_166 : vector<1x16xf32> to vector<16xf32>
      %swap3A_168 = vector.shape_cast %broadcast_in_dim3A_163 : vector<16xf32> to vector<1x16xf32>
      tpu.vector_store %arg7[%swap3A_164, %swap3A_165], %swap3A_168 {strides = array<i32>} : memref<128x128xf32, #tpu.memory_space<vmem>>, vector<1x16xf32>,
      %broadcast_in_dim3A_169 = arith.constant 0.000000e+00 : f32
      %broadcast_in_dim3A_170 = vector.broadcast %broadcast_in_dim3A_169 : f32 to vector<16xf32>
      %swap3A_171 = arith.index_cast %scan3A_155 : i32 to index
      %swap3A_172 = arith.constant 32 : index
      %swap3A_173 = tpu.vector_load %arg7[%swap3A_171, %swap3A_172] {strides = array<i32>} : memref<128x128xf32, #tpu.memory_space<vmem>>, vector<1x16xf32>,
      %swap3A_174 = vector.shape_cast %swap3A_173 : vector<1x16xf32> to vector<16xf32>
      %swap3A_175 = vector.shape_cast %broadcast_in_dim3A_170 : vector<16xf32> to vector<1x16xf32>
      tpu.vector_store %arg7[%swap3A_171, %swap3A_172], %swap3A_175 {strides = array<i32>} : memref<128x128xf32, #tpu.memory_space<vmem>>, vector<1x16xf32>,
      %broadcast_in_dim3A_176 = arith.constant 0.000000e+00 : f32
      %broadcast_in_dim3A_177 = vector.broadcast %broadcast_in_dim3A_176 : f32 to vector<16xf32>
      %swap3A_178 = arith.index_cast %scan3A_155 : i32 to index
      %swap3A_179 = arith.constant 48 : index
      %swap3A_180 = tpu.vector_load %arg7[%swap3A_178, %swap3A_179] {strides = array<i32>} : memref<128x128xf32, #tpu.memory_space<vmem>>, vector<1x16xf32>,
      %swap3A_181 = vector.shape_cast %swap3A_180 : vector<1x16xf32> to vector<16xf32>
      %swap3A_182 = vector.shape_cast %broadcast_in_dim3A_177 : vector<16xf32> to vector<1x16xf32>
      tpu.vector_store %arg7[%swap3A_178, %swap3A_179], %swap3A_182 {strides = array<i32>} : memref<128x128xf32, #tpu.memory_space<vmem>>, vector<1x16xf32>,
      %broadcast_in_dim3A_183 = arith.constant 0.000000e+00 : f32
      %broadcast_in_dim3A_184 = vector.broadcast %broadcast_in_dim3A_183 : f32 to vector<16xf32>
      %swap3A_185 = arith.index_cast %scan3A_155 : i32 to index
      %swap3A_186 = arith.constant 64 : index
      %swap3A_187 = tpu.vector_load %arg7[%swap3A_185, %swap3A_186] {strides = array<i32>} : memref<128x128xf32, #tpu.memory_space<vmem>>, vector<1x16xf32>,
      %swap3A_188 = vector.shape_cast %swap3A_187 : vector<1x16xf32> to vector<16xf32>
      %swap3A_189 = vector.shape_cast %broadcast_in_dim3A_184 : vector<16xf32> to vector<1x16xf32>
      tpu.vector_store %arg7[%swap3A_185, %swap3A_186], %swap3A_189 {strides = array<i32>} : memref<128x128xf32, #tpu.memory_space<vmem>>, vector<1x16xf32>,
      %broadcast_in_dim3A_190 = arith.constant 0.000000e+00 : f32
      %broadcast_in_dim3A_191 = vector.broadcast %broadcast_in_dim3A_190 : f32 to vector<16xf32>
      %swap3A_192 = arith.index_cast %scan3A_155 : i32 to index
      %swap3A_193 = arith.constant 80 : index
      %swap3A_194 = tpu.vector_load %arg7[%swap3A_192, %swap3A_193] {strides = array<i32>} : memref<128x128xf32, #tpu.memory_space<vmem>>, vector<1x16xf32>,
      %swap3A_195 = vector.shape_cast %swap3A_194 : vector<1x16xf32> to vector<16xf32>
      %swap3A_196 = vector.shape_cast %broadcast_in_dim3A_191 : vector<16xf32> to vector<1x16xf32>
      tpu.vector_store %arg7[%swap3A_192, %swap3A_193], %swap3A_196 {strides = array<i32>} : memref<128x128xf32, #tpu.memory_space<vmem>>, vector<1x16xf32>,
      %broadcast_in_dim3A_197 = arith.constant 0.000000e+00 : f32
      %broadcast_in_dim3A_198 = vector.broadcast %broadcast_in_dim3A_197 : f32 to vector<16xf32>
      %swap3A_199 = arith.index_cast %scan3A_155 : i32 to index
      %swap3A_200 = arith.constant 96 : index
      %swap3A_201 = tpu.vector_load %arg7[%swap3A_199, %swap3A_200] {strides = array<i32>} : memref<128x128xf32, #tpu.memory_space<vmem>>, vector<1x16xf32>,
      %swap3A_202 = vector.shape_cast %swap3A_201 : vector<1x16xf32> to vector<16xf32>
      %swap3A_203 = vector.shape_cast %broadcast_in_dim3A_198 : vector<16xf32> to vector<1x16xf32>
      tpu.vector_store %arg7[%swap3A_199, %swap3A_200], %swap3A_203 {strides = array<i32>} : memref<128x128xf32, #tpu.memory_space<vmem>>, vector<1x16xf32>,
      %broadcast_in_dim3A_204 = arith.constant 0.000000e+00 : f32
      %broadcast_in_dim3A_205 = vector.broadcast %broadcast_in_dim3A_204 : f32 to vector<16xf32>
      %swap3A_206 = arith.index_cast %scan3A_155 : i32 to index
      %swap3A_207 = arith.constant 112 : index
      %swap3A_208 = tpu.vector_load %arg7[%swap3A_206, %swap3A_207] {strides = array<i32>} : memref<128x128xf32, #tpu.memory_space<vmem>>, vector<1x16xf32>,
      %swap3A_209 = vector.shape_cast %swap3A_208 : vector<1x16xf32> to vector<16xf32>
      %swap3A_210 = vector.shape_cast %broadcast_in_dim3A_205 : vector<16xf32> to vector<1x16xf32>
      tpu.vector_store %arg7[%swap3A_206, %swap3A_207], %swap3A_210 {strides = array<i32>} : memref<128x128xf32, #tpu.memory_space<vmem>>, vector<1x16xf32>,
      %scan3A_211 = arith.constant 0 : i32
      scf.yield %scan3A_211 : i32
    }
    %scan3A_6 = arith.constant 128 : i32
    %mul3A_7 = arith.constant 640 : i32
    %mul3A_8 = arith.muli %arg1, %mul3A_7 : i32
    %add3A_9 = arith.constant 0 : i32
    %add3A_10 = arith.addi %mul3A_8, %add3A_9 : i32
    "tpu.region"() ({
      %run_scoped3A = tpu.sem_alloc : memref<!tpu.dma_semaphore, #tpu.memory_space<semaphore_mem>>
      %dma_start3A_155 = arith.constant 0 : i32
      %dma_start3A_156 = tpu.memref_slice %arg9[%add3A_10, %dma_start3A_155] : memref<10240x128xf32, #tpu.memory_space<vmem_shared>> -> memref<128x128xf32, #tpu.memory_space<vmem_shared>>
      %dma_start3A_157 = arith.constant 0 : i32
      %dma_start3A_158 = tpu.memref_slice %arg9[%add3A_10, %dma_start3A_157] : memref<10240x128xf32, #tpu.memory_space<vmem_shared>> -> memref<128x128xf32, #tpu.memory_space<vmem_shared>>
      tpu.enqueue_dma source(%arg7 : memref<128x128xf32, #tpu.memory_space<vmem>>) target(%dma_start3A_158 : memref<128x128xf32, #tpu.memory_space<vmem_shared>>) target_semaphore(%run_scoped3A : memref<!tpu.dma_semaphore, #tpu.memory_space<semaphore_mem>>)
      %dma_wait3A_159 = arith.constant 0 : i32
      %dma_wait3A_160 = tpu.memref_slice %arg9[%add3A_10, %dma_wait3A_159] : memref<10240x128xf32, #tpu.memory_space<vmem_shared>> -> memref<128x128xf32, #tpu.memory_space<vmem_shared>>
      %dma_wait3A_161 = arith.constant 0 : i32
      %dma_wait3A_162 = tpu.memref_slice %arg9[%add3A_10, %dma_wait3A_161] : memref<10240x128xf32, #tpu.memory_space<vmem_shared>> -> memref<128x128xf32, #tpu.memory_space<vmem_shared>>
      tpu.wait_dma2 semaphore(%run_scoped3A : memref<!tpu.dma_semaphore, #tpu.memory_space<semaphore_mem>>) src(%arg7 : memref<128x128xf32, #tpu.memory_space<vmem>>) dst(%dma_wait3A_162 : memref<128x128xf32, #tpu.memory_space<vmem_shared>>)
      tpu.yield
    }) : () -> ()
    %mul3A_11 = arith.constant 640 : i32
    %mul3A_12 = arith.muli %arg1, %mul3A_11 : i32
    %add3A_13 = arith.constant 128 : i32
    %add3A_14 = arith.addi %mul3A_12, %add3A_13 : i32
    "tpu.region"() ({
      %run_scoped3A = tpu.sem_alloc : memref<!tpu.dma_semaphore, #tpu.memory_space<semaphore_mem>>
      %dma_start3A_155 = arith.constant 0 : i32
      %dma_start3A_156 = tpu.memref_slice %arg9[%add3A_14, %dma_start3A_155] : memref<10240x128xf32, #tpu.memory_space<vmem_shared>> -> memref<128x128xf32, #tpu.memory_space<vmem_shared>>
      %dma_start3A_157 = arith.constant 0 : i32
      %dma_start3A_158 = tpu.memref_slice %arg9[%add3A_14, %dma_start3A_157] : memref<10240x128xf32, #tpu.memory_space<vmem_shared>> -> memref<128x128xf32, #tpu.memory_space<vmem_shared>>
      tpu.enqueue_dma source(%arg7 : memref<128x128xf32, #tpu.memory_space<vmem>>) target(%dma_start3A_158 : memref<128x128xf32, #tpu.memory_space<vmem_shared>>) target_semaphore(%run_scoped3A : memref<!tpu.dma_semaphore, #tpu.memory_space<semaphore_mem>>)
      %dma_wait3A_159 = arith.constant 0 : i32
      %dma_wait3A_160 = tpu.memref_slice %arg9[%add3A_14, %dma_wait3A_159] : memref<10240x128xf32, #tpu.memory_space<vmem_shared>> -> memref<128x128xf32, #tpu.memory_space<vmem_shared>>
      %dma_wait3A_161 = arith.constant 0 : i32
      %dma_wait3A_162 = tpu.memref_slice %arg9[%add3A_14, %dma_wait3A_161] : memref<10240x128xf32, #tpu.memory_space<vmem_shared>> -> memref<128x128xf32, #tpu.memory_space<vmem_shared>>
      tpu.wait_dma2 semaphore(%run_scoped3A : memref<!tpu.dma_semaphore, #tpu.memory_space<semaphore_mem>>) src(%arg7 : memref<128x128xf32, #tpu.memory_space<vmem>>) dst(%dma_wait3A_162 : memref<128x128xf32, #tpu.memory_space<vmem_shared>>)
      tpu.yield
    }) : () -> ()
    %mul3A_15 = arith.constant 640 : i32
    %mul3A_16 = arith.muli %arg1, %mul3A_15 : i32
    %add3A_17 = arith.constant 256 : i32
    %add3A_18 = arith.addi %mul3A_16, %add3A_17 : i32
    "tpu.region"() ({
      %run_scoped3A = tpu.sem_alloc : memref<!tpu.dma_semaphore, #tpu.memory_space<semaphore_mem>>
      %dma_start3A_155 = arith.constant 0 : i32
      %dma_start3A_156 = tpu.memref_slice %arg9[%add3A_18, %dma_start3A_155] : memref<10240x128xf32, #tpu.memory_space<vmem_shared>> -> memref<128x128xf32, #tpu.memory_space<vmem_shared>>
      %dma_start3A_157 = arith.constant 0 : i32
      %dma_start3A_158 = tpu.memref_slice %arg9[%add3A_18, %dma_start3A_157] : memref<10240x128xf32, #tpu.memory_space<vmem_shared>> -> memref<128x128xf32, #tpu.memory_space<vmem_shared>>
      tpu.enqueue_dma source(%arg7 : memref<128x128xf32, #tpu.memory_space<vmem>>) target(%dma_start3A_158 : memref<128x128xf32, #tpu.memory_space<vmem_shared>>) target_semaphore(%run_scoped3A : memref<!tpu.dma_semaphore, #tpu.memory_space<semaphore_mem>>)
      %dma_wait3A_159 = arith.constant 0 : i32
      %dma_wait3A_160 = tpu.memref_slice %arg9[%add3A_18, %dma_wait3A_159] : memref<10240x128xf32, #tpu.memory_space<vmem_shared>> -> memref<128x128xf32, #tpu.memory_space<vmem_shared>>
      %dma_wait3A_161 = arith.constant 0 : i32
      %dma_wait3A_162 = tpu.memref_slice %arg9[%add3A_18, %dma_wait3A_161] : memref<10240x128xf32, #tpu.memory_space<vmem_shared>> -> memref<128x128xf32, #tpu.memory_space<vmem_shared>>
      tpu.wait_dma2 semaphore(%run_scoped3A : memref<!tpu.dma_semaphore, #tpu.memory_space<semaphore_mem>>) src(%arg7 : memref<128x128xf32, #tpu.memory_space<vmem>>) dst(%dma_wait3A_162 : memref<128x128xf32, #tpu.memory_space<vmem_shared>>)
      tpu.yield
    }) : () -> ()
    %mul3A_19 = arith.constant 640 : i32
    %mul3A_20 = arith.muli %arg1, %mul3A_19 : i32
    %add3A_21 = arith.constant 384 : i32
    %add3A_22 = arith.addi %mul3A_20, %add3A_21 : i32
    "tpu.region"() ({
      %run_scoped3A = tpu.sem_alloc : memref<!tpu.dma_semaphore, #tpu.memory_space<semaphore_mem>>
      %dma_start3A_155 = arith.constant 0 : i32
      %dma_start3A_156 = tpu.memref_slice %arg9[%add3A_22, %dma_start3A_155] : memref<10240x128xf32, #tpu.memory_space<vmem_shared>> -> memref<128x128xf32, #tpu.memory_space<vmem_shared>>
      %dma_start3A_157 = arith.constant 0 : i32
      %dma_start3A_158 = tpu.memref_slice %arg9[%add3A_22, %dma_start3A_157] : memref<10240x128xf32, #tpu.memory_space<vmem_shared>> -> memref<128x128xf32, #tpu.memory_space<vmem_shared>>
      tpu.enqueue_dma source(%arg7 : memref<128x128xf32, #tpu.memory_space<vmem>>) target(%dma_start3A_158 : memref<128x128xf32, #tpu.memory_space<vmem_shared>>) target_semaphore(%run_scoped3A : memref<!tpu.dma_semaphore, #tpu.memory_space<semaphore_mem>>)
      %dma_wait3A_159 = arith.constant 0 : i32
      %dma_wait3A_160 = tpu.memref_slice %arg9[%add3A_22, %dma_wait3A_159] : memref<10240x128xf32, #tpu.memory_space<vmem_shared>> -> memref<128x128xf32, #tpu.memory_space<vmem_shared>>
      %dma_wait3A_161 = arith.constant 0 : i32
      %dma_wait3A_162 = tpu.memref_slice %arg9[%add3A_22, %dma_wait3A_161] : memref<10240x128xf32, #tpu.memory_space<vmem_shared>> -> memref<128x128xf32, #tpu.memory_space<vmem_shared>>
      tpu.wait_dma2 semaphore(%run_scoped3A : memref<!tpu.dma_semaphore, #tpu.memory_space<semaphore_mem>>) src(%arg7 : memref<128x128xf32, #tpu.memory_space<vmem>>) dst(%dma_wait3A_162 : memref<128x128xf32, #tpu.memory_space<vmem_shared>>)
      tpu.yield
    }) : () -> ()
    %mul3A_23 = arith.constant 640 : i32
    %mul3A_24 = arith.muli %arg1, %mul3A_23 : i32
    %add3A_25 = arith.constant 512 : i32
    %add3A_26 = arith.addi %mul3A_24, %add3A_25 : i32
    "tpu.region"() ({
      %run_scoped3A = tpu.sem_alloc : memref<!tpu.dma_semaphore, #tpu.memory_space<semaphore_mem>>
      %dma_start3A_155 = arith.constant 0 : i32
      %dma_start3A_156 = tpu.memref_slice %arg9[%add3A_26, %dma_start3A_155] : memref<10240x128xf32, #tpu.memory_space<vmem_shared>> -> memref<128x128xf32, #tpu.memory_space<vmem_shared>>
      %dma_start3A_157 = arith.constant 0 : i32
      %dma_start3A_158 = tpu.memref_slice %arg9[%add3A_26, %dma_start3A_157] : memref<10240x128xf32, #tpu.memory_space<vmem_shared>> -> memref<128x128xf32, #tpu.memory_space<vmem_shared>>
      tpu.enqueue_dma source(%arg7 : memref<128x128xf32, #tpu.memory_space<vmem>>) target(%dma_start3A_158 : memref<128x128xf32, #tpu.memory_space<vmem_shared>>) target_semaphore(%run_scoped3A : memref<!tpu.dma_semaphore, #tpu.memory_space<semaphore_mem>>)
      %dma_wait3A_159 = arith.constant 0 : i32
      %dma_wait3A_160 = tpu.memref_slice %arg9[%add3A_26, %dma_wait3A_159] : memref<10240x128xf32, #tpu.memory_space<vmem_shared>> -> memref<128x128xf32, #tpu.memory_space<vmem_shared>>
      %dma_wait3A_161 = arith.constant 0 : i32
      %dma_wait3A_162 = tpu.memref_slice %arg9[%add3A_26, %dma_wait3A_161] : memref<10240x128xf32, #tpu.memory_space<vmem_shared>> -> memref<128x128xf32, #tpu.memory_space<vmem_shared>>
      tpu.wait_dma2 semaphore(%run_scoped3A : memref<!tpu.dma_semaphore, #tpu.memory_space<semaphore_mem>>) src(%arg7 : memref<128x128xf32, #tpu.memory_space<vmem>>) dst(%dma_wait3A_162 : memref<128x128xf32, #tpu.memory_space<vmem_shared>>)
      tpu.yield
    }) : () -> ()
    %barrier3A = arith.constant 0 : index
    tpu.barrier barrier_id(%barrier3A)
    %dma_start3A = arith.constant 0 : i32
    %dma_start3A_27 = arith.constant 0 : i32
    %dma_start3A_28 = arith.constant 0 : i32
    %dma_start3A_29 = tpu.memref_slice %arg6[%dma_start3A, %dma_start3A_27, %dma_start3A_28] : memref<2x32x128xi32, #tpu.memory_space<vmem>> -> memref<1x16x128xi32, #tpu.memory_space<vmem>>
    %dma_start3A_30 = tpu.memref_squeeze %dma_start3A_29 : memref<1x16x128xi32, #tpu.memory_space<vmem>> -> memref<16x128xi32, #tpu.memory_space<vmem>>
    %dma_start3A_31 = arith.constant 0 : i32
    %dma_start3A_32 = arith.constant 0 : i32
    %dma_start3A_33 = tpu.memref_slice %arg2[%add3A, %dma_start3A_31, %dma_start3A_32] : memref<32x80x128xi32, #tpu.memory_space<hbm>> -> memref<1x16x128xi32, #tpu.memory_space<hbm>>
    %dma_start3A_34 = tpu.memref_squeeze %dma_start3A_33 : memref<1x16x128xi32, #tpu.memory_space<hbm>> -> memref<16x128xi32, #tpu.memory_space<hbm>>
    %dma_start3A_35 = arith.constant 0 : i32
    %dma_start3A_36 = arith.constant 0 : i32
    %dma_start3A_37 = tpu.memref_slice %arg6[%dma_start3A, %dma_start3A_35, %dma_start3A_36] : memref<2x32x128xi32, #tpu.memory_space<vmem>> -> memref<1x16x128xi32, #tpu.memory_space<vmem>>
    %dma_start3A_38 = tpu.memref_squeeze %dma_start3A_37 : memref<1x16x128xi32, #tpu.memory_space<vmem>> -> memref<16x128xi32, #tpu.memory_space<vmem>>
    %dma_start3A_39 = arith.constant 0 : i32
    %dma_start3A_40 = arith.constant 0 : i32
    %dma_start3A_41 = tpu.memref_slice %arg2[%add3A, %dma_start3A_39, %dma_start3A_40] : memref<32x80x128xi32, #tpu.memory_space<hbm>> -> memref<1x16x128xi32, #tpu.memory_space<hbm>>
    %dma_start3A_42 = tpu.memref_squeeze %dma_start3A_41 : memref<1x16x128xi32, #tpu.memory_space<hbm>> -> memref<16x128xi32, #tpu.memory_space<hbm>>
    tpu.enqueue_dma source(%dma_start3A_42 : memref<16x128xi32, #tpu.memory_space<hbm>>) target(%dma_start3A_38 : memref<16x128xi32, #tpu.memory_space<vmem>>) target_semaphore(%arg12 : memref<!tpu.dma_semaphore, #tpu.memory_space<semaphore_mem>>)
    %dma_start3A_43 = arith.constant 0 : i32
    %dma_start3A_44 = arith.constant 16 : i32
    %dma_start3A_45 = arith.constant 0 : i32
    %dma_start3A_46 = tpu.memref_slice %arg6[%dma_start3A_43, %dma_start3A_44, %dma_start3A_45] : memref<2x32x128xi32, #tpu.memory_space<vmem>> -> memref<1x16x128xi32, #tpu.memory_space<vmem>>
    %dma_start3A_47 = tpu.memref_squeeze %dma_start3A_46 : memref<1x16x128xi32, #tpu.memory_space<vmem>> -> memref<16x128xi32, #tpu.memory_space<vmem>>
    %dma_start3A_48 = arith.constant 0 : i32
    %dma_start3A_49 = arith.constant 0 : i32
    %dma_start3A_50 = tpu.memref_slice %arg3[%add3A, %dma_start3A_48, %dma_start3A_49] : memref<32x80x128xi32, #tpu.memory_space<hbm>> -> memref<1x16x128xi32, #tpu.memory_space<hbm>>
    %dma_start3A_51 = tpu.memref_squeeze %dma_start3A_50 : memref<1x16x128xi32, #tpu.memory_space<hbm>> -> memref<16x128xi32, #tpu.memory_space<hbm>>
    %dma_start3A_52 = arith.constant 16 : i32
    %dma_start3A_53 = arith.constant 0 : i32
    %dma_start3A_54 = tpu.memref_slice %arg6[%dma_start3A_43, %dma_start3A_52, %dma_start3A_53] : memref<2x32x128xi32, #tpu.memory_space<vmem>> -> memref<1x16x128xi32, #tpu.memory_space<vmem>>
    %dma_start3A_55 = tpu.memref_squeeze %dma_start3A_54 : memref<1x16x128xi32, #tpu.memory_space<vmem>> -> memref<16x128xi32, #tpu.memory_space<vmem>>
    %dma_start3A_56 = arith.constant 0 : i32
    %dma_start3A_57 = arith.constant 0 : i32
    %dma_start3A_58 = tpu.memref_slice %arg3[%add3A, %dma_start3A_56, %dma_start3A_57] : memref<32x80x128xi32, #tpu.memory_space<hbm>> -> memref<1x16x128xi32, #tpu.memory_space<hbm>>
    %dma_start3A_59 = tpu.memref_squeeze %dma_start3A_58 : memref<1x16x128xi32, #tpu.memory_space<hbm>> -> memref<16x128xi32, #tpu.memory_space<hbm>>
    tpu.enqueue_dma source(%dma_start3A_59 : memref<16x128xi32, #tpu.memory_space<hbm>>) target(%dma_start3A_55 : memref<16x128xi32, #tpu.memory_space<vmem>>) target_semaphore(%arg12 : memref<!tpu.dma_semaphore, #tpu.memory_space<semaphore_mem>>)
    %dma_wait3A = arith.constant 0 : i32
    %dma_wait3A_60 = arith.constant 0 : i32
    %dma_wait3A_61 = arith.constant 0 : i32
    %dma_wait3A_62 = tpu.memref_slice %arg6[%dma_wait3A, %dma_wait3A_60, %dma_wait3A_61] : memref<2x32x128xi32, #tpu.memory_space<vmem>> -> memref<1x16x128xi32, #tpu.memory_space<vmem>>
    %dma_wait3A_63 = tpu.memref_squeeze %dma_wait3A_62 : memref<1x16x128xi32, #tpu.memory_space<vmem>> -> memref<16x128xi32, #tpu.memory_space<vmem>>
    %dma_wait3A_64 = arith.constant 0 : i32
    %dma_wait3A_65 = arith.constant 0 : i32
    %dma_wait3A_66 = tpu.memref_slice %arg2[%add3A, %dma_wait3A_64, %dma_wait3A_65] : memref<32x80x128xi32, #tpu.memory_space<hbm>> -> memref<1x16x128xi32, #tpu.memory_space<hbm>>
    %dma_wait3A_67 = tpu.memref_squeeze %dma_wait3A_66 : memref<1x16x128xi32, #tpu.memory_space<hbm>> -> memref<16x128xi32, #tpu.memory_space<hbm>>
    %dma_wait3A_68 = arith.constant 0 : i32
    %dma_wait3A_69 = arith.constant 0 : i32
    %dma_wait3A_70 = tpu.memref_slice %arg6[%dma_wait3A, %dma_wait3A_68, %dma_wait3A_69] : memref<2x32x128xi32, #tpu.memory_space<vmem>> -> memref<1x16x128xi32, #tpu.memory_space<vmem>>
    %dma_wait3A_71 = tpu.memref_squeeze %dma_wait3A_70 : memref<1x16x128xi32, #tpu.memory_space<vmem>> -> memref<16x128xi32, #tpu.memory_space<vmem>>
    %dma_wait3A_72 = arith.constant 0 : i32
    %dma_wait3A_73 = arith.constant 0 : i32
    %dma_wait3A_74 = tpu.memref_slice %arg2[%add3A, %dma_wait3A_72, %dma_wait3A_73] : memref<32x80x128xi32, #tpu.memory_space<hbm>> -> memref<1x16x128xi32, #tpu.memory_space<hbm>>
    %dma_wait3A_75 = tpu.memref_squeeze %dma_wait3A_74 : memref<1x16x128xi32, #tpu.memory_space<hbm>> -> memref<16x128xi32, #tpu.memory_space<hbm>>
    tpu.wait_dma2 semaphore(%arg12 : memref<!tpu.dma_semaphore, #tpu.memory_space<semaphore_mem>>) src(%dma_wait3A_75 : memref<16x128xi32, #tpu.memory_space<hbm>>) dst(%dma_wait3A_71 : memref<16x128xi32, #tpu.memory_space<vmem>>)
    %dma_wait3A_76 = arith.constant 0 : i32
    %dma_wait3A_77 = arith.constant 16 : i32
    %dma_wait3A_78 = arith.constant 0 : i32
    %dma_wait3A_79 = tpu.memref_slice %arg6[%dma_wait3A_76, %dma_wait3A_77, %dma_wait3A_78] : memref<2x32x128xi32, #tpu.memory_space<vmem>> -> memref<1x16x128xi32, #tpu.memory_space<vmem>>
    %dma_wait3A_80 = tpu.memref_squeeze %dma_wait3A_79 : memref<1x16x128xi32, #tpu.memory_space<vmem>> -> memref<16x128xi32, #tpu.memory_space<vmem>>
    %dma_wait3A_81 = arith.constant 0 : i32
    %dma_wait3A_82 = arith.constant 0 : i32
    %dma_wait3A_83 = tpu.memref_slice %arg2[%add3A, %dma_wait3A_81, %dma_wait3A_82] : memref<32x80x128xi32, #tpu.memory_space<hbm>> -> memref<1x16x128xi32, #tpu.memory_space<hbm>>
    %dma_wait3A_84 = tpu.memref_squeeze %dma_wait3A_83 : memref<1x16x128xi32, #tpu.memory_space<hbm>> -> memref<16x128xi32, #tpu.memory_space<hbm>>
    %dma_wait3A_85 = arith.constant 16 : i32
    %dma_wait3A_86 = arith.constant 0 : i32
    %dma_wait3A_87 = tpu.memref_slice %arg6[%dma_wait3A_76, %dma_wait3A_85, %dma_wait3A_86] : memref<2x32x128xi32, #tpu.memory_space<vmem>> -> memref<1x16x128xi32, #tpu.memory_space<vmem>>
    %dma_wait3A_88 = tpu.memref_squeeze %dma_wait3A_87 : memref<1x16x128xi32, #tpu.memory_space<vmem>> -> memref<16x128xi32, #tpu.memory_space<vmem>>
    %dma_wait3A_89 = arith.constant 0 : i32
    %dma_wait3A_90 = arith.constant 0 : i32
    %dma_wait3A_91 = tpu.memref_slice %arg2[%add3A, %dma_wait3A_89, %dma_wait3A_90] : memref<32x80x128xi32, #tpu.memory_space<hbm>> -> memref<1x16x128xi32, #tpu.memory_space<hbm>>
    %dma_wait3A_92 = tpu.memref_squeeze %dma_wait3A_91 : memref<1x16x128xi32, #tpu.memory_space<hbm>> -> memref<16x128xi32, #tpu.memory_space<hbm>>
    tpu.wait_dma2 semaphore(%arg12 : memref<!tpu.dma_semaphore, #tpu.memory_space<semaphore_mem>>) src(%dma_wait3A_92 : memref<16x128xi32, #tpu.memory_space<hbm>>) dst(%dma_wait3A_88 : memref<16x128xi32, #tpu.memory_space<vmem>>)
    %dma_start3A_93 = arith.constant 0 : i32
    %dma_start3A_94 = arith.constant 0 : i32
    %dma_start3A_95 = arith.constant 0 : i32
    %dma_start3A_96 = tpu.memref_slice %arg6[%dma_start3A_93, %dma_start3A_94, %dma_start3A_95] : memref<2x32x128xi32, #tpu.memory_space<vmem>> -> memref<1x1x128xi32, #tpu.memory_space<vmem>>
    %dma_start3A_97 = tpu.memref_squeeze %dma_start3A_96 : memref<1x1x128xi32, #tpu.memory_space<vmem>> -> memref<128xi32, #tpu.memory_space<vmem>>
    %dma_start3A_98 = arith.constant 0 : i32
    %dma_start3A_99 = arith.constant 0 : i32
    %dma_start3A_100 = tpu.memref_slice %arg4[%dma_start3A_98, %dma_start3A_99] : memref<10000x128xf32, #tpu.memory_space<hbm>> -> memref<10000x128xf32, #tpu.memory_space<hbm>>
    tpu.enqueue_indirect_dma source(%dma_start3A_100 : memref<10000x128xf32, #tpu.memory_space<hbm>>) target(%arg7 : memref<128x128xf32, #tpu.memory_space<vmem>>) offsets(%dma_start3A_97 : memref<128xi32, #tpu.memory_space<vmem>>) semaphore(%arg10 : memref<!tpu.dma_semaphore, #tpu.memory_space<semaphore_mem>>)
    %dma_start3A_101 = arith.constant 0 : i32
    %dma_start3A_102 = arith.constant 1 : i32
    %dma_start3A_103 = arith.constant 0 : i32
    %dma_start3A_104 = tpu.memref_slice %arg6[%dma_start3A_101, %dma_start3A_102, %dma_start3A_103] : memref<2x32x128xi32, #tpu.memory_space<vmem>> -> memref<1x1x128xi32, #tpu.memory_space<vmem>>
    %dma_start3A_105 = tpu.memref_squeeze %dma_start3A_104 : memref<1x1x128xi32, #tpu.memory_space<vmem>> -> memref<128xi32, #tpu.memory_space<vmem>>
    %dma_start3A_106 = arith.constant 0 : i32
    %dma_start3A_107 = arith.constant 0 : i32
    %dma_start3A_108 = tpu.memref_slice %arg4[%dma_start3A_106, %dma_start3A_107] : memref<10000x128xf32, #tpu.memory_space<hbm>> -> memref<10000x128xf32, #tpu.memory_space<hbm>>
    tpu.enqueue_indirect_dma source(%dma_start3A_108 : memref<10000x128xf32, #tpu.memory_space<hbm>>) target(%arg8 : memref<128x128xf32, #tpu.memory_space<vmem>>) offsets(%dma_start3A_105 : memref<128xi32, #tpu.memory_space<vmem>>) semaphore(%arg11 : memref<!tpu.dma_semaphore, #tpu.memory_space<semaphore_mem>>)
    %dma_start3A_109 = arith.constant 1 : i32
    %dma_start3A_110 = arith.constant 0 : i32
    %dma_start3A_111 = arith.constant 0 : i32
    %dma_start3A_112 = tpu.memref_slice %arg6[%dma_start3A_109, %dma_start3A_110, %dma_start3A_111] : memref<2x32x128xi32, #tpu.memory_space<vmem>> -> memref<1x16x128xi32, #tpu.memory_space<vmem>>
    %dma_start3A_113 = tpu.memref_squeeze %dma_start3A_112 : memref<1x16x128xi32, #tpu.memory_space<vmem>> -> memref<16x128xi32, #tpu.memory_space<vmem>>
    %dma_start3A_114 = arith.constant 16 : i32
    %dma_start3A_115 = arith.constant 0 : i32
    %dma_start3A_116 = tpu.memref_slice %arg2[%add3A, %dma_start3A_114, %dma_start3A_115] : memref<32x80x128xi32, #tpu.memory_space<hbm>> -> memref<1x16x128xi32, #tpu.memory_space<hbm>>
    %dma_start3A_117 = tpu.memref_squeeze %dma_start3A_116 : memref<1x16x128xi32, #tpu.memory_space<hbm>> -> memref<16x128xi32, #tpu.memory_space<hbm>>
    %dma_start3A_118 = arith.constant 0 : i32
    %dma_start3A_119 = arith.constant 0 : i32
    %dma_start3A_120 = tpu.memref_slice %arg6[%dma_start3A_109, %dma_start3A_118, %dma_start3A_119] : memref<2x32x128xi32, #tpu.memory_space<vmem>> -> memref<1x16x128xi32, #tpu.memory_space<vmem>>
    %dma_start3A_121 = tpu.memref_squeeze %dma_start3A_120 : memref<1x16x128xi32, #tpu.memory_space<vmem>> -> memref<16x128xi32, #tpu.memory_space<vmem>>
    %dma_start3A_122 = arith.constant 16 : i32
    %dma_start3A_123 = arith.constant 0 : i32
    %dma_start3A_124 = tpu.memref_slice %arg2[%add3A, %dma_start3A_122, %dma_start3A_123] : memref<32x80x128xi32, #tpu.memory_space<hbm>> -> memref<1x16x128xi32, #tpu.memory_space<hbm>>
    %dma_start3A_125 = tpu.memref_squeeze %dma_start3A_124 : memref<1x16x128xi32, #tpu.memory_space<hbm>> -> memref<16x128xi32, #tpu.memory_space<hbm>>
    tpu.enqueue_dma source(%dma_start3A_125 : memref<16x128xi32, #tpu.memory_space<hbm>>) target(%dma_start3A_121 : memref<16x128xi32, #tpu.memory_space<vmem>>) target_semaphore(%arg12 : memref<!tpu.dma_semaphore, #tpu.memory_space<semaphore_mem>>)
    %dma_start3A_126 = arith.constant 1 : i32
    %dma_start3A_127 = arith.constant 16 : i32
    %dma_start3A_128 = arith.constant 0 : i32
    %dma_start3A_129 = tpu.memref_slice %arg6[%dma_start3A_126, %dma_start3A_127, %dma_start3A_128] : memref<2x32x128xi32, #tpu.memory_space<vmem>> -> memref<1x16x128xi32, #tpu.memory_space<vmem>>
    %dma_start3A_130 = tpu.memref_squeeze %dma_start3A_129 : memref<1x16x128xi32, #tpu.memory_space<vmem>> -> memref<16x128xi32, #tpu.memory_space<vmem>>
    %dma_start3A_131 = arith.constant 16 : i32
    %dma_start3A_132 = arith.constant 0 : i32
    %dma_start3A_133 = tpu.memref_slice %arg3[%add3A, %dma_start3A_131, %dma_start3A_132] : memref<32x80x128xi32, #tpu.memory_space<hbm>> -> memref<1x16x128xi32, #tpu.memory_space<hbm>>
    %dma_start3A_134 = tpu.memref_squeeze %dma_start3A_133 : memref<1x16x128xi32, #tpu.memory_space<hbm>> -> memref<16x128xi32, #tpu.memory_space<hbm>>
    %dma_start3A_135 = arith.constant 16 : i32
    %dma_start3A_136 = arith.constant 0 : i32
    %dma_start3A_137 = tpu.memref_slice %arg6[%dma_start3A_126, %dma_start3A_135, %dma_start3A_136] : memref<2x32x128xi32, #tpu.memory_space<vmem>> -> memref<1x16x128xi32, #tpu.memory_space<vmem>>
    %dma_start3A_138 = tpu.memref_squeeze %dma_start3A_137 : memref<1x16x128xi32, #tpu.memory_space<vmem>> -> memref<16x128xi32, #tpu.memory_space<vmem>>
    %dma_start3A_139 = arith.constant 16 : i32
    %dma_start3A_140 = arith.constant 0 : i32
    %dma_start3A_141 = tpu.memref_slice %arg3[%add3A, %dma_start3A_139, %dma_start3A_140] : memref<32x80x128xi32, #tpu.memory_space<hbm>> -> memref<1x16x128xi32, #tpu.memory_space<hbm>>
    %dma_start3A_142 = tpu.memref_squeeze %dma_start3A_141 : memref<1x16x128xi32, #tpu.memory_space<hbm>> -> memref<16x128xi32, #tpu.memory_space<hbm>>
    tpu.enqueue_dma source(%dma_start3A_142 : memref<16x128xi32, #tpu.memory_space<hbm>>) target(%dma_start3A_138 : memref<16x128xi32, #tpu.memory_space<vmem>>) target_semaphore(%arg12 : memref<!tpu.dma_semaphore, #tpu.memory_space<semaphore_mem>>)
    %scan3A_143 = arith.constant 0 : i32
    %scan3A_144 = arith.constant 0 : i32
    %scan3A_145 = arith.constant 5 : i32
    %scan3A_146 = arith.addi %scan3A_144, %scan3A_145 : i32
    %scan3A_147 = arith.constant 1 : i32
    %scan3A_148 = scf.for %scan3A_155 = %scan3A_144 to %scan3A_146 step %scan3A_147 iter_args(%scan3A_156 = %scan3A_143) -> (i32)  : i32 {
      %rem3A = arith.constant 2 : i32
      %rem3A_157 = arith.remsi %scan3A_155, %rem3A : i32
      %add3A_158 = arith.constant 1 : i32
      %add3A_159 = arith.addi %scan3A_155, %add3A_158 : i32
      %rem3A_160 = arith.constant 2 : i32
      %rem3A_161 = arith.remsi %add3A_159, %rem3A_160 : i32
      %dma_wait3A_162 = arith.constant 0 : i32
      %dma_wait3A_163 = arith.constant 0 : i32
      %dma_wait3A_164 = tpu.memref_slice %arg6[%rem3A_157, %dma_wait3A_162, %dma_wait3A_163] : memref<2x32x128xi32, #tpu.memory_space<vmem>> -> memref<1x1x128xi32, #tpu.memory_space<vmem>>
      %dma_wait3A_165 = tpu.memref_squeeze %dma_wait3A_164 : memref<1x1x128xi32, #tpu.memory_space<vmem>> -> memref<128xi32, #tpu.memory_space<vmem>>
      %dma_wait3A_166 = arith.constant 0 : i32
      %dma_wait3A_167 = arith.constant 0 : i32
      %dma_wait3A_168 = tpu.memref_slice %arg4[%dma_wait3A_166, %dma_wait3A_167] : memref<10000x128xf32, #tpu.memory_space<hbm>> -> memref<10000x128xf32, #tpu.memory_space<hbm>>
      tpu.wait_indirect_dma semaphore(%arg10 : memref<!tpu.dma_semaphore, #tpu.memory_space<semaphore_mem>>) src(%dma_wait3A_168 : memref<10000x128xf32, #tpu.memory_space<hbm>>) dst(%arg7 : memref<128x128xf32, #tpu.memory_space<vmem>>)
      %run_scoped3A = arith.constant 16 : i32
      "tpu.region"() ({
        %run_scoped3A_406 = tpu.sem_alloc : memref<!tpu.dma_semaphore, #tpu.memory_space<semaphore_mem>>
        %dma_start3A_407 = arith.constant 0 : i32
        %dma_start3A_408 = tpu.memref_slice %arg6[%rem3A_157, %run_scoped3A, %dma_start3A_407] : memref<2x32x128xi32, #tpu.memory_space<vmem>> -> memref<1x1x128xi32, #tpu.memory_space<vmem>>
        %dma_start3A_409 = tpu.memref_squeeze %dma_start3A_408 : memref<1x1x128xi32, #tpu.memory_space<vmem>> -> memref<128xi32, #tpu.memory_space<vmem>>
        %dma_start3A_410 = arith.constant 0 : i32
        %dma_start3A_411 = arith.constant 0 : i32
        %dma_start3A_412 = tpu.memref_slice %arg9[%dma_start3A_410, %dma_start3A_411] : memref<10240x128xf32, #tpu.memory_space<vmem_shared>> -> memref<10240x128xf32, #tpu.memory_space<vmem_shared>>
        tpu.enqueue_indirect_dma source(%arg7 : memref<128x128xf32, #tpu.memory_space<vmem>>) target(%dma_start3A_412 : memref<10240x128xf32, #tpu.memory_space<vmem_shared>>) offsets(%dma_start3A_409 : memref<128xi32, #tpu.memory_space<vmem>>) semaphore(%run_scoped3A_406 : memref<!tpu.dma_semaphore, #tpu.memory_space<semaphore_mem>>) {add = true}
        %dma_wait3A_413 = arith.constant 0 : i32
        %dma_wait3A_414 = tpu.memref_slice %arg6[%rem3A_157, %run_scoped3A, %dma_wait3A_413] : memref<2x32x128xi32, #tpu.memory_space<vmem>> -> memref<1x1x128xi32, #tpu.memory_space<vmem>>
        %dma_wait3A_415 = tpu.memref_squeeze %dma_wait3A_414 : memref<1x1x128xi32, #tpu.memory_space<vmem>> -> memref<128xi32, #tpu.memory_space<vmem>>
        %dma_wait3A_416 = arith.constant 0 : i32
        %dma_wait3A_417 = arith.constant 0 : i32
        %dma_wait3A_418 = tpu.memref_slice %arg9[%dma_wait3A_416, %dma_wait3A_417] : memref<10240x128xf32, #tpu.memory_space<vmem_shared>> -> memref<10240x128xf32, #tpu.memory_space<vmem_shared>>
        tpu.wait_indirect_dma semaphore(%run_scoped3A_406 : memref<!tpu.dma_semaphore, #tpu.memory_space<semaphore_mem>>) src(%arg7 : memref<128x128xf32, #tpu.memory_space<vmem>>) dst(%dma_wait3A_418 : memref<10240x128xf32, #tpu.memory_space<vmem_shared>>)
        tpu.yield
      }) : () -> ()
      %dma_start3A_169 = arith.constant 2 : i32
      %dma_start3A_170 = arith.constant 0 : i32
      %dma_start3A_171 = tpu.memref_slice %arg6[%rem3A_157, %dma_start3A_169, %dma_start3A_170] : memref<2x32x128xi32, #tpu.memory_space<vmem>> -> memref<1x1x128xi32, #tpu.memory_space<vmem>>
      %dma_start3A_172 = tpu.memref_squeeze %dma_start3A_171 : memref<1x1x128xi32, #tpu.memory_space<vmem>> -> memref<128xi32, #tpu.memory_space<vmem>>
      %dma_start3A_173 = arith.constant 0 : i32
      %dma_start3A_174 = arith.constant 0 : i32
      %dma_start3A_175 = tpu.memref_slice %arg4[%dma_start3A_173, %dma_start3A_174] : memref<10000x128xf32, #tpu.memory_space<hbm>> -> memref<10000x128xf32, #tpu.memory_space<hbm>>
      tpu.enqueue_indirect_dma source(%dma_start3A_175 : memref<10000x128xf32, #tpu.memory_space<hbm>>) target(%arg7 : memref<128x128xf32, #tpu.memory_space<vmem>>) offsets(%dma_start3A_172 : memref<128xi32, #tpu.memory_space<vmem>>) semaphore(%arg10 : memref<!tpu.dma_semaphore, #tpu.memory_space<semaphore_mem>>)
      %dma_wait3A_176 = arith.constant 1 : i32
      %dma_wait3A_177 = arith.constant 0 : i32
      %dma_wait3A_178 = tpu.memref_slice %arg6[%rem3A_157, %dma_wait3A_176, %dma_wait3A_177] : memref<2x32x128xi32, #tpu.memory_space<vmem>> -> memref<1x1x128xi32, #tpu.memory_space<vmem>>
      %dma_wait3A_179 = tpu.memref_squeeze %dma_wait3A_178 : memref<1x1x128xi32, #tpu.memory_space<vmem>> -> memref<128xi32, #tpu.memory_space<vmem>>
      %dma_wait3A_180 = arith.constant 0 : i32
      %dma_wait3A_181 = arith.constant 0 : i32
      %dma_wait3A_182 = tpu.memref_slice %arg4[%dma_wait3A_180, %dma_wait3A_181] : memref<10000x128xf32, #tpu.memory_space<hbm>> -> memref<10000x128xf32, #tpu.memory_space<hbm>>
      tpu.wait_indirect_dma semaphore(%arg11 : memref<!tpu.dma_semaphore, #tpu.memory_space<semaphore_mem>>) src(%dma_wait3A_182 : memref<10000x128xf32, #tpu.memory_space<hbm>>) dst(%arg8 : memref<128x128xf32, #tpu.memory_space<vmem>>)
      %run_scoped3A_183 = arith.constant 17 : i32
      "tpu.region"() ({
        %run_scoped3A_406 = tpu.sem_alloc : memref<!tpu.dma_semaphore, #tpu.memory_space<semaphore_mem>>
        %dma_start3A_407 = arith.constant 0 : i32
        %dma_start3A_408 = tpu.memref_slice %arg6[%rem3A_157, %run_scoped3A_183, %dma_start3A_407] : memref<2x32x128xi32, #tpu.memory_space<vmem>> -> memref<1x1x128xi32, #tpu.memory_space<vmem>>
        %dma_start3A_409 = tpu.memref_squeeze %dma_start3A_408 : memref<1x1x128xi32, #tpu.memory_space<vmem>> -> memref<128xi32, #tpu.memory_space<vmem>>
        %dma_start3A_410 = arith.constant 0 : i32
        %dma_start3A_411 = arith.constant 0 : i32
        %dma_start3A_412 = tpu.memref_slice %arg9[%dma_start3A_410, %dma_start3A_411] : memref<10240x128xf32, #tpu.memory_space<vmem_shared>> -> memref<10240x128xf32, #tpu.memory_space<vmem_shared>>
        tpu.enqueue_indirect_dma source(%arg8 : memref<128x128xf32, #tpu.memory_space<vmem>>) target(%dma_start3A_412 : memref<10240x128xf32, #tpu.memory_space<vmem_shared>>) offsets(%dma_start3A_409 : memref<128xi32, #tpu.memory_space<vmem>>) semaphore(%run_scoped3A_406 : memref<!tpu.dma_semaphore, #tpu.memory_space<semaphore_mem>>) {add = true}
        %dma_wait3A_413 = arith.constant 0 : i32
        %dma_wait3A_414 = tpu.memref_slice %arg6[%rem3A_157, %run_scoped3A_183, %dma_wait3A_413] : memref<2x32x128xi32, #tpu.memory_space<vmem>> -> memref<1x1x128xi32, #tpu.memory_space<vmem>>
        %dma_wait3A_415 = tpu.memref_squeeze %dma_wait3A_414 : memref<1x1x128xi32, #tpu.memory_space<vmem>> -> memref<128xi32, #tpu.memory_space<vmem>>
        %dma_wait3A_416 = arith.constant 0 : i32
        %dma_wait3A_417 = arith.constant 0 : i32
        %dma_wait3A_418 = tpu.memref_slice %arg9[%dma_wait3A_416, %dma_wait3A_417] : memref<10240x128xf32, #tpu.memory_space<vmem_shared>> -> memref<10240x128xf32, #tpu.memory_space<vmem_shared>>
        tpu.wait_indirect_dma semaphore(%run_scoped3A_406 : memref<!tpu.dma_semaphore, #tpu.memory_space<semaphore_mem>>) src(%arg8 : memref<128x128xf32, #tpu.memory_space<vmem>>) dst(%dma_wait3A_418 : memref<10240x128xf32, #tpu.memory_space<vmem_shared>>)
        tpu.yield
      }) : () -> ()
      %dma_start3A_184 = arith.constant 3 : i32
      %dma_start3A_185 = arith.constant 0 : i32
      %dma_start3A_186 = tpu.memref_slice %arg6[%rem3A_157, %dma_start3A_184, %dma_start3A_185] : memref<2x32x128xi32, #tpu.memory_space<vmem>> -> memref<1x1x128xi32, #tpu.memory_space<vmem>>
      %dma_start3A_187 = tpu.memref_squeeze %dma_start3A_186 : memref<1x1x128xi32, #tpu.memory_space<vmem>> -> memref<128xi32, #tpu.memory_space<vmem>>
      %dma_start3A_188 = arith.constant 0 : i32
      %dma_start3A_189 = arith.constant 0 : i32
      %dma_start3A_190 = tpu.memref_slice %arg4[%dma_start3A_188, %dma_start3A_189] : memref<10000x128xf32, #tpu.memory_space<hbm>> -> memref<10000x128xf32, #tpu.memory_space<hbm>>
      tpu.enqueue_indirect_dma source(%dma_start3A_190 : memref<10000x128xf32, #tpu.memory_space<hbm>>) target(%arg8 : memref<128x128xf32, #tpu.memory_space<vmem>>) offsets(%dma_start3A_187 : memref<128xi32, #tpu.memory_space<vmem>>) semaphore(%arg11 : memref<!tpu.dma_semaphore, #tpu.memory_space<semaphore_mem>>)
      %dma_wait3A_191 = arith.constant 2 : i32
      %dma_wait3A_192 = arith.constant 0 : i32
      %dma_wait3A_193 = tpu.memref_slice %arg6[%rem3A_157, %dma_wait3A_191, %dma_wait3A_192] : memref<2x32x128xi32, #tpu.memory_space<vmem>> -> memref<1x1x128xi32, #tpu.memory_space<vmem>>
      %dma_wait3A_194 = tpu.memref_squeeze %dma_wait3A_193 : memref<1x1x128xi32, #tpu.memory_space<vmem>> -> memref<128xi32, #tpu.memory_space<vmem>>
      %dma_wait3A_195 = arith.constant 0 : i32
      %dma_wait3A_196 = arith.constant 0 : i32
      %dma_wait3A_197 = tpu.memref_slice %arg4[%dma_wait3A_195, %dma_wait3A_196] : memref<10000x128xf32, #tpu.memory_space<hbm>> -> memref<10000x128xf32, #tpu.memory_space<hbm>>
      tpu.wait_indirect_dma semaphore(%arg10 : memref<!tpu.dma_semaphore, #tpu.memory_space<semaphore_mem>>) src(%dma_wait3A_197 : memref<10000x128xf32, #tpu.memory_space<hbm>>) dst(%arg7 : memref<128x128xf32, #tpu.memory_space<vmem>>)
      %run_scoped3A_198 = arith.constant 18 : i32
      "tpu.region"() ({
        %run_scoped3A_406 = tpu.sem_alloc : memref<!tpu.dma_semaphore, #tpu.memory_space<semaphore_mem>>
        %dma_start3A_407 = arith.constant 0 : i32
        %dma_start3A_408 = tpu.memref_slice %arg6[%rem3A_157, %run_scoped3A_198, %dma_start3A_407] : memref<2x32x128xi32, #tpu.memory_space<vmem>> -> memref<1x1x128xi32, #tpu.memory_space<vmem>>
        %dma_start3A_409 = tpu.memref_squeeze %dma_start3A_408 : memref<1x1x128xi32, #tpu.memory_space<vmem>> -> memref<128xi32, #tpu.memory_space<vmem>>
        %dma_start3A_410 = arith.constant 0 : i32
        %dma_start3A_411 = arith.constant 0 : i32
        %dma_start3A_412 = tpu.memref_slice %arg9[%dma_start3A_410, %dma_start3A_411] : memref<10240x128xf32, #tpu.memory_space<vmem_shared>> -> memref<10240x128xf32, #tpu.memory_space<vmem_shared>>
        tpu.enqueue_indirect_dma source(%arg7 : memref<128x128xf32, #tpu.memory_space<vmem>>) target(%dma_start3A_412 : memref<10240x128xf32, #tpu.memory_space<vmem_shared>>) offsets(%dma_start3A_409 : memref<128xi32, #tpu.memory_space<vmem>>) semaphore(%run_scoped3A_406 : memref<!tpu.dma_semaphore, #tpu.memory_space<semaphore_mem>>) {add = true}
        %dma_wait3A_413 = arith.constant 0 : i32
        %dma_wait3A_414 = tpu.memref_slice %arg6[%rem3A_157, %run_scoped3A_198, %dma_wait3A_413] : memref<2x32x128xi32, #tpu.memory_space<vmem>> -> memref<1x1x128xi32, #tpu.memory_space<vmem>>
        %dma_wait3A_415 = tpu.memref_squeeze %dma_wait3A_414 : memref<1x1x128xi32, #tpu.memory_space<vmem>> -> memref<128xi32, #tpu.memory_space<vmem>>
        %dma_wait3A_416 = arith.constant 0 : i32
        %dma_wait3A_417 = arith.constant 0 : i32
        %dma_wait3A_418 = tpu.memref_slice %arg9[%dma_wait3A_416, %dma_wait3A_417] : memref<10240x128xf32, #tpu.memory_space<vmem_shared>> -> memref<10240x128xf32, #tpu.memory_space<vmem_shared>>
        tpu.wait_indirect_dma semaphore(%run_scoped3A_406 : memref<!tpu.dma_semaphore, #tpu.memory_space<semaphore_mem>>) src(%arg7 : memref<128x128xf32, #tpu.memory_space<vmem>>) dst(%dma_wait3A_418 : memref<10240x128xf32, #tpu.memory_space<vmem_shared>>)
        tpu.yield
      }) : () -> ()
      %dma_start3A_199 = arith.constant 4 : i32
      %dma_start3A_200 = arith.constant 0 : i32
      %dma_start3A_201 = tpu.memref_slice %arg6[%rem3A_157, %dma_start3A_199, %dma_start3A_200] : memref<2x32x128xi32, #tpu.memory_space<vmem>> -> memref<1x1x128xi32, #tpu.memory_space<vmem>>
      %dma_start3A_202 = tpu.memref_squeeze %dma_start3A_201 : memref<1x1x128xi32, #tpu.memory_space<vmem>> -> memref<128xi32, #tpu.memory_space<vmem>>
      %dma_start3A_203 = arith.constant 0 : i32
      %dma_start3A_204 = arith.constant 0 : i32
      %dma_start3A_205 = tpu.memref_slice %arg4[%dma_start3A_203, %dma_start3A_204] : memref<10000x128xf32, #tpu.memory_space<hbm>> -> memref<10000x128xf32, #tpu.memory_space<hbm>>
      tpu.enqueue_indirect_dma source(%dma_start3A_205 : memref<10000x128xf32, #tpu.memory_space<hbm>>) target(%arg7 : memref<128x128xf32, #tpu.memory_space<vmem>>) offsets(%dma_start3A_202 : memref<128xi32, #tpu.memory_space<vmem>>) semaphore(%arg10 : memref<!tpu.dma_semaphore, #tpu.memory_space<semaphore_mem>>)
      %dma_wait3A_206 = arith.constant 3 : i32
      %dma_wait3A_207 = arith.constant 0 : i32
      %dma_wait3A_208 = tpu.memref_slice %arg6[%rem3A_157, %dma_wait3A_206, %dma_wait3A_207] : memref<2x32x128xi32, #tpu.memory_space<vmem>> -> memref<1x1x128xi32, #tpu.memory_space<vmem>>
      %dma_wait3A_209 = tpu.memref_squeeze %dma_wait3A_208 : memref<1x1x128xi32, #tpu.memory_space<vmem>> -> memref<128xi32, #tpu.memory_space<vmem>>
      %dma_wait3A_210 = arith.constant 0 : i32
      %dma_wait3A_211 = arith.constant 0 : i32
      %dma_wait3A_212 = tpu.memref_slice %arg4[%dma_wait3A_210, %dma_wait3A_211] : memref<10000x128xf32, #tpu.memory_space<hbm>> -> memref<10000x128xf32, #tpu.memory_space<hbm>>
      tpu.wait_indirect_dma semaphore(%arg11 : memref<!tpu.dma_semaphore, #tpu.memory_space<semaphore_mem>>) src(%dma_wait3A_212 : memref<10000x128xf32, #tpu.memory_space<hbm>>) dst(%arg8 : memref<128x128xf32, #tpu.memory_space<vmem>>)
      %run_scoped3A_213 = arith.constant 19 : i32
      "tpu.region"() ({
        %run_scoped3A_406 = tpu.sem_alloc : memref<!tpu.dma_semaphore, #tpu.memory_space<semaphore_mem>>
        %dma_start3A_407 = arith.constant 0 : i32
        %dma_start3A_408 = tpu.memref_slice %arg6[%rem3A_157, %run_scoped3A_213, %dma_start3A_407] : memref<2x32x128xi32, #tpu.memory_space<vmem>> -> memref<1x1x128xi32, #tpu.memory_space<vmem>>
        %dma_start3A_409 = tpu.memref_squeeze %dma_start3A_408 : memref<1x1x128xi32, #tpu.memory_space<vmem>> -> memref<128xi32, #tpu.memory_space<vmem>>
        %dma_start3A_410 = arith.constant 0 : i32
        %dma_start3A_411 = arith.constant 0 : i32
        %dma_start3A_412 = tpu.memref_slice %arg9[%dma_start3A_410, %dma_start3A_411] : memref<10240x128xf32, #tpu.memory_space<vmem_shared>> -> memref<10240x128xf32, #tpu.memory_space<vmem_shared>>
        tpu.enqueue_indirect_dma source(%arg8 : memref<128x128xf32, #tpu.memory_space<vmem>>) target(%dma_start3A_412 : memref<10240x128xf32, #tpu.memory_space<vmem_shared>>) offsets(%dma_start3A_409 : memref<128xi32, #tpu.memory_space<vmem>>) semaphore(%run_scoped3A_406 : memref<!tpu.dma_semaphore, #tpu.memory_space<semaphore_mem>>) {add = true}
        %dma_wait3A_413 = arith.constant 0 : i32
        %dma_wait3A_414 = tpu.memref_slice %arg6[%rem3A_157, %run_scoped3A_213, %dma_wait3A_413] : memref<2x32x128xi32, #tpu.memory_space<vmem>> -> memref<1x1x128xi32, #tpu.memory_space<vmem>>
        %dma_wait3A_415 = tpu.memref_squeeze %dma_wait3A_414 : memref<1x1x128xi32, #tpu.memory_space<vmem>> -> memref<128xi32, #tpu.memory_space<vmem>>
        %dma_wait3A_416 = arith.constant 0 : i32
        %dma_wait3A_417 = arith.constant 0 : i32
        %dma_wait3A_418 = tpu.memref_slice %arg9[%dma_wait3A_416, %dma_wait3A_417] : memref<10240x128xf32, #tpu.memory_space<vmem_shared>> -> memref<10240x128xf32, #tpu.memory_space<vmem_shared>>
        tpu.wait_indirect_dma semaphore(%run_scoped3A_406 : memref<!tpu.dma_semaphore, #tpu.memory_space<semaphore_mem>>) src(%arg8 : memref<128x128xf32, #tpu.memory_space<vmem>>) dst(%dma_wait3A_418 : memref<10240x128xf32, #tpu.memory_space<vmem_shared>>)
        tpu.yield
      }) : () -> ()
      %dma_start3A_214 = arith.constant 5 : i32
      %dma_start3A_215 = arith.constant 0 : i32
      %dma_start3A_216 = tpu.memref_slice %arg6[%rem3A_157, %dma_start3A_214, %dma_start3A_215] : memref<2x32x128xi32, #tpu.memory_space<vmem>> -> memref<1x1x128xi32, #tpu.memory_space<vmem>>
      %dma_start3A_217 = tpu.memref_squeeze %dma_start3A_216 : memref<1x1x128xi32, #tpu.memory_space<vmem>> -> memref<128xi32, #tpu.memory_space<vmem>>
      %dma_start3A_218 = arith.constant 0 : i32
      %dma_start3A_219 = arith.constant 0 : i32
      %dma_start3A_220 = tpu.memref_slice %arg4[%dma_start3A_218, %dma_start3A_219] : memref<10000x128xf32, #tpu.memory_space<hbm>> -> memref<10000x128xf32, #tpu.memory_space<hbm>>
      tpu.enqueue_indirect_dma source(%dma_start3A_220 : memref<10000x128xf32, #tpu.memory_space<hbm>>) target(%arg8 : memref<128x128xf32, #tpu.memory_space<vmem>>) offsets(%dma_start3A_217 : memref<128xi32, #tpu.memory_space<vmem>>) semaphore(%arg11 : memref<!tpu.dma_semaphore, #tpu.memory_space<semaphore_mem>>)
      %dma_wait3A_221 = arith.constant 4 : i32
      %dma_wait3A_222 = arith.constant 0 : i32
      %dma_wait3A_223 = tpu.memref_slice %arg6[%rem3A_157, %dma_wait3A_221, %dma_wait3A_222] : memref<2x32x128xi32, #tpu.memory_space<vmem>> -> memref<1x1x128xi32, #tpu.memory_space<vmem>>
      %dma_wait3A_224 = tpu.memref_squeeze %dma_wait3A_223 : memref<1x1x128xi32, #tpu.memory_space<vmem>> -> memref<128xi32, #tpu.memory_space<vmem>>
      %dma_wait3A_225 = arith.constant 0 : i32
      %dma_wait3A_226 = arith.constant 0 : i32
      %dma_wait3A_227 = tpu.memref_slice %arg4[%dma_wait3A_225, %dma_wait3A_226] : memref<10000x128xf32, #tpu.memory_space<hbm>> -> memref<10000x128xf32, #tpu.memory_space<hbm>>
      tpu.wait_indirect_dma semaphore(%arg10 : memref<!tpu.dma_semaphore, #tpu.memory_space<semaphore_mem>>) src(%dma_wait3A_227 : memref<10000x128xf32, #tpu.memory_space<hbm>>) dst(%arg7 : memref<128x128xf32, #tpu.memory_space<vmem>>)
      %run_scoped3A_228 = arith.constant 20 : i32
      "tpu.region"() ({
        %run_scoped3A_406 = tpu.sem_alloc : memref<!tpu.dma_semaphore, #tpu.memory_space<semaphore_mem>>
        %dma_start3A_407 = arith.constant 0 : i32
        %dma_start3A_408 = tpu.memref_slice %arg6[%rem3A_157, %run_scoped3A_228, %dma_start3A_407] : memref<2x32x128xi32, #tpu.memory_space<vmem>> -> memref<1x1x128xi32, #tpu.memory_space<vmem>>
        %dma_start3A_409 = tpu.memref_squeeze %dma_start3A_408 : memref<1x1x128xi32, #tpu.memory_space<vmem>> -> memref<128xi32, #tpu.memory_space<vmem>>
        %dma_start3A_410 = arith.constant 0 : i32
        %dma_start3A_411 = arith.constant 0 : i32
        %dma_start3A_412 = tpu.memref_slice %arg9[%dma_start3A_410, %dma_start3A_411] : memref<10240x128xf32, #tpu.memory_space<vmem_shared>> -> memref<10240x128xf32, #tpu.memory_space<vmem_shared>>
        tpu.enqueue_indirect_dma source(%arg7 : memref<128x128xf32, #tpu.memory_space<vmem>>) target(%dma_start3A_412 : memref<10240x128xf32, #tpu.memory_space<vmem_shared>>) offsets(%dma_start3A_409 : memref<128xi32, #tpu.memory_space<vmem>>) semaphore(%run_scoped3A_406 : memref<!tpu.dma_semaphore, #tpu.memory_space<semaphore_mem>>) {add = true}
        %dma_wait3A_413 = arith.constant 0 : i32
        %dma_wait3A_414 = tpu.memref_slice %arg6[%rem3A_157, %run_scoped3A_228, %dma_wait3A_413] : memref<2x32x128xi32, #tpu.memory_space<vmem>> -> memref<1x1x128xi32, #tpu.memory_space<vmem>>
        %dma_wait3A_415 = tpu.memref_squeeze %dma_wait3A_414 : memref<1x1x128xi32, #tpu.memory_space<vmem>> -> memref<128xi32, #tpu.memory_space<vmem>>
        %dma_wait3A_416 = arith.constant 0 : i32
        %dma_wait3A_417 = arith.constant 0 : i32
        %dma_wait3A_418 = tpu.memref_slice %arg9[%dma_wait3A_416, %dma_wait3A_417] : memref<10240x128xf32, #tpu.memory_space<vmem_shared>> -> memref<10240x128xf32, #tpu.memory_space<vmem_shared>>
        tpu.wait_indirect_dma semaphore(%run_scoped3A_406 : memref<!tpu.dma_semaphore, #tpu.memory_space<semaphore_mem>>) src(%arg7 : memref<128x128xf32, #tpu.memory_space<vmem>>) dst(%dma_wait3A_418 : memref<10240x128xf32, #tpu.memory_space<vmem_shared>>)
        tpu.yield
      }) : () -> ()
      %dma_start3A_229 = arith.constant 6 : i32
      %dma_start3A_230 = arith.constant 0 : i32
      %dma_start3A_231 = tpu.memref_slice %arg6[%rem3A_157, %dma_start3A_229, %dma_start3A_230] : memref<2x32x128xi32, #tpu.memory_space<vmem>> -> memref<1x1x128xi32, #tpu.memory_space<vmem>>
      %dma_start3A_232 = tpu.memref_squeeze %dma_start3A_231 : memref<1x1x128xi32, #tpu.memory_space<vmem>> -> memref<128xi32, #tpu.memory_space<vmem>>
      %dma_start3A_233 = arith.constant 0 : i32
      %dma_start3A_234 = arith.constant 0 : i32
      %dma_start3A_235 = tpu.memref_slice %arg4[%dma_start3A_233, %dma_start3A_234] : memref<10000x128xf32, #tpu.memory_space<hbm>> -> memref<10000x128xf32, #tpu.memory_space<hbm>>
      tpu.enqueue_indirect_dma source(%dma_start3A_235 : memref<10000x128xf32, #tpu.memory_space<hbm>>) target(%arg7 : memref<128x128xf32, #tpu.memory_space<vmem>>) offsets(%dma_start3A_232 : memref<128xi32, #tpu.memory_space<vmem>>) semaphore(%arg10 : memref<!tpu.dma_semaphore, #tpu.memory_space<semaphore_mem>>)
      %dma_wait3A_236 = arith.constant 5 : i32
      %dma_wait3A_237 = arith.constant 0 : i32
      %dma_wait3A_238 = tpu.memref_slice %arg6[%rem3A_157, %dma_wait3A_236, %dma_wait3A_237] : memref<2x32x128xi32, #tpu.memory_space<vmem>> -> memref<1x1x128xi32, #tpu.memory_space<vmem>>
      %dma_wait3A_239 = tpu.memref_squeeze %dma_wait3A_238 : memref<1x1x128xi32, #tpu.memory_space<vmem>> -> memref<128xi32, #tpu.memory_space<vmem>>
      %dma_wait3A_240 = arith.constant 0 : i32
      %dma_wait3A_241 = arith.constant 0 : i32
      %dma_wait3A_242 = tpu.memref_slice %arg4[%dma_wait3A_240, %dma_wait3A_241] : memref<10000x128xf32, #tpu.memory_space<hbm>> -> memref<10000x128xf32, #tpu.memory_space<hbm>>
      tpu.wait_indirect_dma semaphore(%arg11 : memref<!tpu.dma_semaphore, #tpu.memory_space<semaphore_mem>>) src(%dma_wait3A_242 : memref<10000x128xf32, #tpu.memory_space<hbm>>) dst(%arg8 : memref<128x128xf32, #tpu.memory_space<vmem>>)
      %run_scoped3A_243 = arith.constant 21 : i32
      "tpu.region"() ({
        %run_scoped3A_406 = tpu.sem_alloc : memref<!tpu.dma_semaphore, #tpu.memory_space<semaphore_mem>>
        %dma_start3A_407 = arith.constant 0 : i32
        %dma_start3A_408 = tpu.memref_slice %arg6[%rem3A_157, %run_scoped3A_243, %dma_start3A_407] : memref<2x32x128xi32, #tpu.memory_space<vmem>> -> memref<1x1x128xi32, #tpu.memory_space<vmem>>
        %dma_start3A_409 = tpu.memref_squeeze %dma_start3A_408 : memref<1x1x128xi32, #tpu.memory_space<vmem>> -> memref<128xi32, #tpu.memory_space<vmem>>
        %dma_start3A_410 = arith.constant 0 : i32
        %dma_start3A_411 = arith.constant 0 : i32
        %dma_start3A_412 = tpu.memref_slice %arg9[%dma_start3A_410, %dma_start3A_411] : memref<10240x128xf32, #tpu.memory_space<vmem_shared>> -> memref<10240x128xf32, #tpu.memory_space<vmem_shared>>
        tpu.enqueue_indirect_dma source(%arg8 : memref<128x128xf32, #tpu.memory_space<vmem>>) target(%dma_start3A_412 : memref<10240x128xf32, #tpu.memory_space<vmem_shared>>) offsets(%dma_start3A_409 : memref<128xi32, #tpu.memory_space<vmem>>) semaphore(%run_scoped3A_406 : memref<!tpu.dma_semaphore, #tpu.memory_space<semaphore_mem>>) {add = true}
        %dma_wait3A_413 = arith.constant 0 : i32
        %dma_wait3A_414 = tpu.memref_slice %arg6[%rem3A_157, %run_scoped3A_243, %dma_wait3A_413] : memref<2x32x128xi32, #tpu.memory_space<vmem>> -> memref<1x1x128xi32, #tpu.memory_space<vmem>>
        %dma_wait3A_415 = tpu.memref_squeeze %dma_wait3A_414 : memref<1x1x128xi32, #tpu.memory_space<vmem>> -> memref<128xi32, #tpu.memory_space<vmem>>
        %dma_wait3A_416 = arith.constant 0 : i32
        %dma_wait3A_417 = arith.constant 0 : i32
        %dma_wait3A_418 = tpu.memref_slice %arg9[%dma_wait3A_416, %dma_wait3A_417] : memref<10240x128xf32, #tpu.memory_space<vmem_shared>> -> memref<10240x128xf32, #tpu.memory_space<vmem_shared>>
        tpu.wait_indirect_dma semaphore(%run_scoped3A_406 : memref<!tpu.dma_semaphore, #tpu.memory_space<semaphore_mem>>) src(%arg8 : memref<128x128xf32, #tpu.memory_space<vmem>>) dst(%dma_wait3A_418 : memref<10240x128xf32, #tpu.memory_space<vmem_shared>>)
        tpu.yield
      }) : () -> ()
      %dma_start3A_244 = arith.constant 7 : i32
      %dma_start3A_245 = arith.constant 0 : i32
      %dma_start3A_246 = tpu.memref_slice %arg6[%rem3A_157, %dma_start3A_244, %dma_start3A_245] : memref<2x32x128xi32, #tpu.memory_space<vmem>> -> memref<1x1x128xi32, #tpu.memory_space<vmem>>
      %dma_start3A_247 = tpu.memref_squeeze %dma_start3A_246 : memref<1x1x128xi32, #tpu.memory_space<vmem>> -> memref<128xi32, #tpu.memory_space<vmem>>
      %dma_start3A_248 = arith.constant 0 : i32
      %dma_start3A_249 = arith.constant 0 : i32
      %dma_start3A_250 = tpu.memref_slice %arg4[%dma_start3A_248, %dma_start3A_249] : memref<10000x128xf32, #tpu.memory_space<hbm>> -> memref<10000x128xf32, #tpu.memory_space<hbm>>
      tpu.enqueue_indirect_dma source(%dma_start3A_250 : memref<10000x128xf32, #tpu.memory_space<hbm>>) target(%arg8 : memref<128x128xf32, #tpu.memory_space<vmem>>) offsets(%dma_start3A_247 : memref<128xi32, #tpu.memory_space<vmem>>) semaphore(%arg11 : memref<!tpu.dma_semaphore, #tpu.memory_space<semaphore_mem>>)
      %dma_wait3A_251 = arith.constant 6 : i32
      %dma_wait3A_252 = arith.constant 0 : i32
      %dma_wait3A_253 = tpu.memref_slice %arg6[%rem3A_157, %dma_wait3A_251, %dma_wait3A_252] : memref<2x32x128xi32, #tpu.memory_space<vmem>> -> memref<1x1x128xi32, #tpu.memory_space<vmem>>
      %dma_wait3A_254 = tpu.memref_squeeze %dma_wait3A_253 : memref<1x1x128xi32, #tpu.memory_space<vmem>> -> memref<128xi32, #tpu.memory_space<vmem>>
      %dma_wait3A_255 = arith.constant 0 : i32
      %dma_wait3A_256 = arith.constant 0 : i32
      %dma_wait3A_257 = tpu.memref_slice %arg4[%dma_wait3A_255, %dma_wait3A_256] : memref<10000x128xf32, #tpu.memory_space<hbm>> -> memref<10000x128xf32, #tpu.memory_space<hbm>>
      tpu.wait_indirect_dma semaphore(%arg10 : memref<!tpu.dma_semaphore, #tpu.memory_space<semaphore_mem>>) src(%dma_wait3A_257 : memref<10000x128xf32, #tpu.memory_space<hbm>>) dst(%arg7 : memref<128x128xf32, #tpu.memory_space<vmem>>)
      %run_scoped3A_258 = arith.constant 22 : i32
      "tpu.region"() ({
        %run_scoped3A_406 = tpu.sem_alloc : memref<!tpu.dma_semaphore, #tpu.memory_space<semaphore_mem>>
        %dma_start3A_407 = arith.constant 0 : i32
        %dma_start3A_408 = tpu.memref_slice %arg6[%rem3A_157, %run_scoped3A_258, %dma_start3A_407] : memref<2x32x128xi32, #tpu.memory_space<vmem>> -> memref<1x1x128xi32, #tpu.memory_space<vmem>>
        %dma_start3A_409 = tpu.memref_squeeze %dma_start3A_408 : memref<1x1x128xi32, #tpu.memory_space<vmem>> -> memref<128xi32, #tpu.memory_space<vmem>>
        %dma_start3A_410 = arith.constant 0 : i32
        %dma_start3A_411 = arith.constant 0 : i32
        %dma_start3A_412 = tpu.memref_slice %arg9[%dma_start3A_410, %dma_start3A_411] : memref<10240x128xf32, #tpu.memory_space<vmem_shared>> -> memref<10240x128xf32, #tpu.memory_space<vmem_shared>>
        tpu.enqueue_indirect_dma source(%arg7 : memref<128x128xf32, #tpu.memory_space<vmem>>) target(%dma_start3A_412 : memref<10240x128xf32, #tpu.memory_space<vmem_shared>>) offsets(%dma_start3A_409 : memref<128xi32, #tpu.memory_space<vmem>>) semaphore(%run_scoped3A_406 : memref<!tpu.dma_semaphore, #tpu.memory_space<semaphore_mem>>) {add = true}
        %dma_wait3A_413 = arith.constant 0 : i32
        %dma_wait3A_414 = tpu.memref_slice %arg6[%rem3A_157, %run_scoped3A_258, %dma_wait3A_413] : memref<2x32x128xi32, #tpu.memory_space<vmem>> -> memref<1x1x128xi32, #tpu.memory_space<vmem>>
        %dma_wait3A_415 = tpu.memref_squeeze %dma_wait3A_414 : memref<1x1x128xi32, #tpu.memory_space<vmem>> -> memref<128xi32, #tpu.memory_space<vmem>>
        %dma_wait3A_416 = arith.constant 0 : i32
        %dma_wait3A_417 = arith.constant 0 : i32
        %dma_wait3A_418 = tpu.memref_slice %arg9[%dma_wait3A_416, %dma_wait3A_417] : memref<10240x128xf32, #tpu.memory_space<vmem_shared>> -> memref<10240x128xf32, #tpu.memory_space<vmem_shared>>
        tpu.wait_indirect_dma semaphore(%run_scoped3A_406 : memref<!tpu.dma_semaphore, #tpu.memory_space<semaphore_mem>>) src(%arg7 : memref<128x128xf32, #tpu.memory_space<vmem>>) dst(%dma_wait3A_418 : memref<10240x128xf32, #tpu.memory_space<vmem_shared>>)
        tpu.yield
      }) : () -> ()
      %dma_start3A_259 = arith.constant 8 : i32
      %dma_start3A_260 = arith.constant 0 : i32
      %dma_start3A_261 = tpu.memref_slice %arg6[%rem3A_157, %dma_start3A_259, %dma_start3A_260] : memref<2x32x128xi32, #tpu.memory_space<vmem>> -> memref<1x1x128xi32, #tpu.memory_space<vmem>>
      %dma_start3A_262 = tpu.memref_squeeze %dma_start3A_261 : memref<1x1x128xi32, #tpu.memory_space<vmem>> -> memref<128xi32, #tpu.memory_space<vmem>>
      %dma_start3A_263 = arith.constant 0 : i32
      %dma_start3A_264 = arith.constant 0 : i32
      %dma_start3A_265 = tpu.memref_slice %arg4[%dma_start3A_263, %dma_start3A_264] : memref<10000x128xf32, #tpu.memory_space<hbm>> -> memref<10000x128xf32, #tpu.memory_space<hbm>>
      tpu.enqueue_indirect_dma source(%dma_start3A_265 : memref<10000x128xf32, #tpu.memory_space<hbm>>) target(%arg7 : memref<128x128xf32, #tpu.memory_space<vmem>>) offsets(%dma_start3A_262 : memref<128xi32, #tpu.memory_space<vmem>>) semaphore(%arg10 : memref<!tpu.dma_semaphore, #tpu.memory_space<semaphore_mem>>)
      %dma_wait3A_266 = arith.constant 7 : i32
      %dma_wait3A_267 = arith.constant 0 : i32
      %dma_wait3A_268 = tpu.memref_slice %arg6[%rem3A_157, %dma_wait3A_266, %dma_wait3A_267] : memref<2x32x128xi32, #tpu.memory_space<vmem>> -> memref<1x1x128xi32, #tpu.memory_space<vmem>>
      %dma_wait3A_269 = tpu.memref_squeeze %dma_wait3A_268 : memref<1x1x128xi32, #tpu.memory_space<vmem>> -> memref<128xi32, #tpu.memory_space<vmem>>
      %dma_wait3A_270 = arith.constant 0 : i32
      %dma_wait3A_271 = arith.constant 0 : i32
      %dma_wait3A_272 = tpu.memref_slice %arg4[%dma_wait3A_270, %dma_wait3A_271] : memref<10000x128xf32, #tpu.memory_space<hbm>> -> memref<10000x128xf32, #tpu.memory_space<hbm>>
      tpu.wait_indirect_dma semaphore(%arg11 : memref<!tpu.dma_semaphore, #tpu.memory_space<semaphore_mem>>) src(%dma_wait3A_272 : memref<10000x128xf32, #tpu.memory_space<hbm>>) dst(%arg8 : memref<128x128xf32, #tpu.memory_space<vmem>>)
      %run_scoped3A_273 = arith.constant 23 : i32
      "tpu.region"() ({
        %run_scoped3A_406 = tpu.sem_alloc : memref<!tpu.dma_semaphore, #tpu.memory_space<semaphore_mem>>
        %dma_start3A_407 = arith.constant 0 : i32
        %dma_start3A_408 = tpu.memref_slice %arg6[%rem3A_157, %run_scoped3A_273, %dma_start3A_407] : memref<2x32x128xi32, #tpu.memory_space<vmem>> -> memref<1x1x128xi32, #tpu.memory_space<vmem>>
        %dma_start3A_409 = tpu.memref_squeeze %dma_start3A_408 : memref<1x1x128xi32, #tpu.memory_space<vmem>> -> memref<128xi32, #tpu.memory_space<vmem>>
        %dma_start3A_410 = arith.constant 0 : i32
        %dma_start3A_411 = arith.constant 0 : i32
        %dma_start3A_412 = tpu.memref_slice %arg9[%dma_start3A_410, %dma_start3A_411] : memref<10240x128xf32, #tpu.memory_space<vmem_shared>> -> memref<10240x128xf32, #tpu.memory_space<vmem_shared>>
        tpu.enqueue_indirect_dma source(%arg8 : memref<128x128xf32, #tpu.memory_space<vmem>>) target(%dma_start3A_412 : memref<10240x128xf32, #tpu.memory_space<vmem_shared>>) offsets(%dma_start3A_409 : memref<128xi32, #tpu.memory_space<vmem>>) semaphore(%run_scoped3A_406 : memref<!tpu.dma_semaphore, #tpu.memory_space<semaphore_mem>>) {add = true}
        %dma_wait3A_413 = arith.constant 0 : i32
        %dma_wait3A_414 = tpu.memref_slice %arg6[%rem3A_157, %run_scoped3A_273, %dma_wait3A_413] : memref<2x32x128xi32, #tpu.memory_space<vmem>> -> memref<1x1x128xi32, #tpu.memory_space<vmem>>
        %dma_wait3A_415 = tpu.memref_squeeze %dma_wait3A_414 : memref<1x1x128xi32, #tpu.memory_space<vmem>> -> memref<128xi32, #tpu.memory_space<vmem>>
        %dma_wait3A_416 = arith.constant 0 : i32
        %dma_wait3A_417 = arith.constant 0 : i32
        %dma_wait3A_418 = tpu.memref_slice %arg9[%dma_wait3A_416, %dma_wait3A_417] : memref<10240x128xf32, #tpu.memory_space<vmem_shared>> -> memref<10240x128xf32, #tpu.memory_space<vmem_shared>>
        tpu.wait_indirect_dma semaphore(%run_scoped3A_406 : memref<!tpu.dma_semaphore, #tpu.memory_space<semaphore_mem>>) src(%arg8 : memref<128x128xf32, #tpu.memory_space<vmem>>) dst(%dma_wait3A_418 : memref<10240x128xf32, #tpu.memory_space<vmem_shared>>)
        tpu.yield
      }) : () -> ()
      %dma_start3A_274 = arith.constant 9 : i32
      %dma_start3A_275 = arith.constant 0 : i32
      %dma_start3A_276 = tpu.memref_slice %arg6[%rem3A_157, %dma_start3A_274, %dma_start3A_275] : memref<2x32x128xi32, #tpu.memory_space<vmem>> -> memref<1x1x128xi32, #tpu.memory_space<vmem>>
      %dma_start3A_277 = tpu.memref_squeeze %dma_start3A_276 : memref<1x1x128xi32, #tpu.memory_space<vmem>> -> memref<128xi32, #tpu.memory_space<vmem>>
      %dma_start3A_278 = arith.constant 0 : i32
      %dma_start3A_279 = arith.constant 0 : i32
      %dma_start3A_280 = tpu.memref_slice %arg4[%dma_start3A_278, %dma_start3A_279] : memref<10000x128xf32, #tpu.memory_space<hbm>> -> memref<10000x128xf32, #tpu.memory_space<hbm>>
      tpu.enqueue_indirect_dma source(%dma_start3A_280 : memref<10000x128xf32, #tpu.memory_space<hbm>>) target(%arg8 : memref<128x128xf32, #tpu.memory_space<vmem>>) offsets(%dma_start3A_277 : memref<128xi32, #tpu.memory_space<vmem>>) semaphore(%arg11 : memref<!tpu.dma_semaphore, #tpu.memory_space<semaphore_mem>>)
      %dma_wait3A_281 = arith.constant 8 : i32
      %dma_wait3A_282 = arith.constant 0 : i32
      %dma_wait3A_283 = tpu.memref_slice %arg6[%rem3A_157, %dma_wait3A_281, %dma_wait3A_282] : memref<2x32x128xi32, #tpu.memory_space<vmem>> -> memref<1x1x128xi32, #tpu.memory_space<vmem>>
      %dma_wait3A_284 = tpu.memref_squeeze %dma_wait3A_283 : memref<1x1x128xi32, #tpu.memory_space<vmem>> -> memref<128xi32, #tpu.memory_space<vmem>>
      %dma_wait3A_285 = arith.constant 0 : i32
      %dma_wait3A_286 = arith.constant 0 : i32
      %dma_wait3A_287 = tpu.memref_slice %arg4[%dma_wait3A_285, %dma_wait3A_286] : memref<10000x128xf32, #tpu.memory_space<hbm>> -> memref<10000x128xf32, #tpu.memory_space<hbm>>
      tpu.wait_indirect_dma semaphore(%arg10 : memref<!tpu.dma_semaphore, #tpu.memory_space<semaphore_mem>>) src(%dma_wait3A_287 : memref<10000x128xf32, #tpu.memory_space<hbm>>) dst(%arg7 : memref<128x128xf32, #tpu.memory_space<vmem>>)
      %run_scoped3A_288 = arith.constant 24 : i32
      "tpu.region"() ({
        %run_scoped3A_406 = tpu.sem_alloc : memref<!tpu.dma_semaphore, #tpu.memory_space<semaphore_mem>>
        %dma_start3A_407 = arith.constant 0 : i32
        %dma_start3A_408 = tpu.memref_slice %arg6[%rem3A_157, %run_scoped3A_288, %dma_start3A_407] : memref<2x32x128xi32, #tpu.memory_space<vmem>> -> memref<1x1x128xi32, #tpu.memory_space<vmem>>
        %dma_start3A_409 = tpu.memref_squeeze %dma_start3A_408 : memref<1x1x128xi32, #tpu.memory_space<vmem>> -> memref<128xi32, #tpu.memory_space<vmem>>
        %dma_start3A_410 = arith.constant 0 : i32
        %dma_start3A_411 = arith.constant 0 : i32
        %dma_start3A_412 = tpu.memref_slice %arg9[%dma_start3A_410, %dma_start3A_411] : memref<10240x128xf32, #tpu.memory_space<vmem_shared>> -> memref<10240x128xf32, #tpu.memory_space<vmem_shared>>
        tpu.enqueue_indirect_dma source(%arg7 : memref<128x128xf32, #tpu.memory_space<vmem>>) target(%dma_start3A_412 : memref<10240x128xf32, #tpu.memory_space<vmem_shared>>) offsets(%dma_start3A_409 : memref<128xi32, #tpu.memory_space<vmem>>) semaphore(%run_scoped3A_406 : memref<!tpu.dma_semaphore, #tpu.memory_space<semaphore_mem>>) {add = true}
        %dma_wait3A_413 = arith.constant 0 : i32
        %dma_wait3A_414 = tpu.memref_slice %arg6[%rem3A_157, %run_scoped3A_288, %dma_wait3A_413] : memref<2x32x128xi32, #tpu.memory_space<vmem>> -> memref<1x1x128xi32, #tpu.memory_space<vmem>>
        %dma_wait3A_415 = tpu.memref_squeeze %dma_wait3A_414 : memref<1x1x128xi32, #tpu.memory_space<vmem>> -> memref<128xi32, #tpu.memory_space<vmem>>
        %dma_wait3A_416 = arith.constant 0 : i32
        %dma_wait3A_417 = arith.constant 0 : i32
        %dma_wait3A_418 = tpu.memref_slice %arg9[%dma_wait3A_416, %dma_wait3A_417] : memref<10240x128xf32, #tpu.memory_space<vmem_shared>> -> memref<10240x128xf32, #tpu.memory_space<vmem_shared>>
        tpu.wait_indirect_dma semaphore(%run_scoped3A_406 : memref<!tpu.dma_semaphore, #tpu.memory_space<semaphore_mem>>) src(%arg7 : memref<128x128xf32, #tpu.memory_space<vmem>>) dst(%dma_wait3A_418 : memref<10240x128xf32, #tpu.memory_space<vmem_shared>>)
        tpu.yield
      }) : () -> ()
      %dma_start3A_289 = arith.constant 10 : i32
      %dma_start3A_290 = arith.constant 0 : i32
      %dma_start3A_291 = tpu.memref_slice %arg6[%rem3A_157, %dma_start3A_289, %dma_start3A_290] : memref<2x32x128xi32, #tpu.memory_space<vmem>> -> memref<1x1x128xi32, #tpu.memory_space<vmem>>
      %dma_start3A_292 = tpu.memref_squeeze %dma_start3A_291 : memref<1x1x128xi32, #tpu.memory_space<vmem>> -> memref<128xi32, #tpu.memory_space<vmem>>
      %dma_start3A_293 = arith.constant 0 : i32
      %dma_start3A_294 = arith.constant 0 : i32
      %dma_start3A_295 = tpu.memref_slice %arg4[%dma_start3A_293, %dma_start3A_294] : memref<10000x128xf32, #tpu.memory_space<hbm>> -> memref<10000x128xf32, #tpu.memory_space<hbm>>
      tpu.enqueue_indirect_dma source(%dma_start3A_295 : memref<10000x128xf32, #tpu.memory_space<hbm>>) target(%arg7 : memref<128x128xf32, #tpu.memory_space<vmem>>) offsets(%dma_start3A_292 : memref<128xi32, #tpu.memory_space<vmem>>) semaphore(%arg10 : memref<!tpu.dma_semaphore, #tpu.memory_space<semaphore_mem>>)
      %dma_wait3A_296 = arith.constant 9 : i32
      %dma_wait3A_297 = arith.constant 0 : i32
      %dma_wait3A_298 = tpu.memref_slice %arg6[%rem3A_157, %dma_wait3A_296, %dma_wait3A_297] : memref<2x32x128xi32, #tpu.memory_space<vmem>> -> memref<1x1x128xi32, #tpu.memory_space<vmem>>
      %dma_wait3A_299 = tpu.memref_squeeze %dma_wait3A_298 : memref<1x1x128xi32, #tpu.memory_space<vmem>> -> memref<128xi32, #tpu.memory_space<vmem>>
      %dma_wait3A_300 = arith.constant 0 : i32
      %dma_wait3A_301 = arith.constant 0 : i32
      %dma_wait3A_302 = tpu.memref_slice %arg4[%dma_wait3A_300, %dma_wait3A_301] : memref<10000x128xf32, #tpu.memory_space<hbm>> -> memref<10000x128xf32, #tpu.memory_space<hbm>>
      tpu.wait_indirect_dma semaphore(%arg11 : memref<!tpu.dma_semaphore, #tpu.memory_space<semaphore_mem>>) src(%dma_wait3A_302 : memref<10000x128xf32, #tpu.memory_space<hbm>>) dst(%arg8 : memref<128x128xf32, #tpu.memory_space<vmem>>)
      %run_scoped3A_303 = arith.constant 25 : i32
      "tpu.region"() ({
        %run_scoped3A_406 = tpu.sem_alloc : memref<!tpu.dma_semaphore, #tpu.memory_space<semaphore_mem>>
        %dma_start3A_407 = arith.constant 0 : i32
        %dma_start3A_408 = tpu.memref_slice %arg6[%rem3A_157, %run_scoped3A_303, %dma_start3A_407] : memref<2x32x128xi32, #tpu.memory_space<vmem>> -> memref<1x1x128xi32, #tpu.memory_space<vmem>>
        %dma_start3A_409 = tpu.memref_squeeze %dma_start3A_408 : memref<1x1x128xi32, #tpu.memory_space<vmem>> -> memref<128xi32, #tpu.memory_space<vmem>>
        %dma_start3A_410 = arith.constant 0 : i32
        %dma_start3A_411 = arith.constant 0 : i32
        %dma_start3A_412 = tpu.memref_slice %arg9[%dma_start3A_410, %dma_start3A_411] : memref<10240x128xf32, #tpu.memory_space<vmem_shared>> -> memref<10240x128xf32, #tpu.memory_space<vmem_shared>>
        tpu.enqueue_indirect_dma source(%arg8 : memref<128x128xf32, #tpu.memory_space<vmem>>) target(%dma_start3A_412 : memref<10240x128xf32, #tpu.memory_space<vmem_shared>>) offsets(%dma_start3A_409 : memref<128xi32, #tpu.memory_space<vmem>>) semaphore(%run_scoped3A_406 : memref<!tpu.dma_semaphore, #tpu.memory_space<semaphore_mem>>) {add = true}
        %dma_wait3A_413 = arith.constant 0 : i32
        %dma_wait3A_414 = tpu.memref_slice %arg6[%rem3A_157, %run_scoped3A_303, %dma_wait3A_413] : memref<2x32x128xi32, #tpu.memory_space<vmem>> -> memref<1x1x128xi32, #tpu.memory_space<vmem>>
        %dma_wait3A_415 = tpu.memref_squeeze %dma_wait3A_414 : memref<1x1x128xi32, #tpu.memory_space<vmem>> -> memref<128xi32, #tpu.memory_space<vmem>>
        %dma_wait3A_416 = arith.constant 0 : i32
        %dma_wait3A_417 = arith.constant 0 : i32
        %dma_wait3A_418 = tpu.memref_slice %arg9[%dma_wait3A_416, %dma_wait3A_417] : memref<10240x128xf32, #tpu.memory_space<vmem_shared>> -> memref<10240x128xf32, #tpu.memory_space<vmem_shared>>
        tpu.wait_indirect_dma semaphore(%run_scoped3A_406 : memref<!tpu.dma_semaphore, #tpu.memory_space<semaphore_mem>>) src(%arg8 : memref<128x128xf32, #tpu.memory_space<vmem>>) dst(%dma_wait3A_418 : memref<10240x128xf32, #tpu.memory_space<vmem_shared>>)
        tpu.yield
      }) : () -> ()
      %dma_start3A_304 = arith.constant 11 : i32
      %dma_start3A_305 = arith.constant 0 : i32
      %dma_start3A_306 = tpu.memref_slice %arg6[%rem3A_157, %dma_start3A_304, %dma_start3A_305] : memref<2x32x128xi32, #tpu.memory_space<vmem>> -> memref<1x1x128xi32, #tpu.memory_space<vmem>>
      %dma_start3A_307 = tpu.memref_squeeze %dma_start3A_306 : memref<1x1x128xi32, #tpu.memory_space<vmem>> -> memref<128xi32, #tpu.memory_space<vmem>>
      %dma_start3A_308 = arith.constant 0 : i32
      %dma_start3A_309 = arith.constant 0 : i32
      %dma_start3A_310 = tpu.memref_slice %arg4[%dma_start3A_308, %dma_start3A_309] : memref<10000x128xf32, #tpu.memory_space<hbm>> -> memref<10000x128xf32, #tpu.memory_space<hbm>>
      tpu.enqueue_indirect_dma source(%dma_start3A_310 : memref<10000x128xf32, #tpu.memory_space<hbm>>) target(%arg8 : memref<128x128xf32, #tpu.memory_space<vmem>>) offsets(%dma_start3A_307 : memref<128xi32, #tpu.memory_space<vmem>>) semaphore(%arg11 : memref<!tpu.dma_semaphore, #tpu.memory_space<semaphore_mem>>)
      %dma_wait3A_311 = arith.constant 10 : i32
      %dma_wait3A_312 = arith.constant 0 : i32
      %dma_wait3A_313 = tpu.memref_slice %arg6[%rem3A_157, %dma_wait3A_311, %dma_wait3A_312] : memref<2x32x128xi32, #tpu.memory_space<vmem>> -> memref<1x1x128xi32, #tpu.memory_space<vmem>>
      %dma_wait3A_314 = tpu.memref_squeeze %dma_wait3A_313 : memref<1x1x128xi32, #tpu.memory_space<vmem>> -> memref<128xi32, #tpu.memory_space<vmem>>
      %dma_wait3A_315 = arith.constant 0 : i32
      %dma_wait3A_316 = arith.constant 0 : i32
      %dma_wait3A_317 = tpu.memref_slice %arg4[%dma_wait3A_315, %dma_wait3A_316] : memref<10000x128xf32, #tpu.memory_space<hbm>> -> memref<10000x128xf32, #tpu.memory_space<hbm>>
      tpu.wait_indirect_dma semaphore(%arg10 : memref<!tpu.dma_semaphore, #tpu.memory_space<semaphore_mem>>) src(%dma_wait3A_317 : memref<10000x128xf32, #tpu.memory_space<hbm>>) dst(%arg7 : memref<128x128xf32, #tpu.memory_space<vmem>>)
      %run_scoped3A_318 = arith.constant 26 : i32
      "tpu.region"() ({
        %run_scoped3A_406 = tpu.sem_alloc : memref<!tpu.dma_semaphore, #tpu.memory_space<semaphore_mem>>
        %dma_start3A_407 = arith.constant 0 : i32
        %dma_start3A_408 = tpu.memref_slice %arg6[%rem3A_157, %run_scoped3A_318, %dma_start3A_407] : memref<2x32x128xi32, #tpu.memory_space<vmem>> -> memref<1x1x128xi32, #tpu.memory_space<vmem>>
        %dma_start3A_409 = tpu.memref_squeeze %dma_start3A_408 : memref<1x1x128xi32, #tpu.memory_space<vmem>> -> memref<128xi32, #tpu.memory_space<vmem>>
        %dma_start3A_410 = arith.constant 0 : i32
        %dma_start3A_411 = arith.constant 0 : i32
        %dma_start3A_412 = tpu.memref_slice %arg9[%dma_start3A_410, %dma_start3A_411] : memref<10240x128xf32, #tpu.memory_space<vmem_shared>> -> memref<10240x128xf32, #tpu.memory_space<vmem_shared>>
        tpu.enqueue_indirect_dma source(%arg7 : memref<128x128xf32, #tpu.memory_space<vmem>>) target(%dma_start3A_412 : memref<10240x128xf32, #tpu.memory_space<vmem_shared>>) offsets(%dma_start3A_409 : memref<128xi32, #tpu.memory_space<vmem>>) semaphore(%run_scoped3A_406 : memref<!tpu.dma_semaphore, #tpu.memory_space<semaphore_mem>>) {add = true}
        %dma_wait3A_413 = arith.constant 0 : i32
        %dma_wait3A_414 = tpu.memref_slice %arg6[%rem3A_157, %run_scoped3A_318, %dma_wait3A_413] : memref<2x32x128xi32, #tpu.memory_space<vmem>> -> memref<1x1x128xi32, #tpu.memory_space<vmem>>
        %dma_wait3A_415 = tpu.memref_squeeze %dma_wait3A_414 : memref<1x1x128xi32, #tpu.memory_space<vmem>> -> memref<128xi32, #tpu.memory_space<vmem>>
        %dma_wait3A_416 = arith.constant 0 : i32
        %dma_wait3A_417 = arith.constant 0 : i32
        %dma_wait3A_418 = tpu.memref_slice %arg9[%dma_wait3A_416, %dma_wait3A_417] : memref<10240x128xf32, #tpu.memory_space<vmem_shared>> -> memref<10240x128xf32, #tpu.memory_space<vmem_shared>>
        tpu.wait_indirect_dma semaphore(%run_scoped3A_406 : memref<!tpu.dma_semaphore, #tpu.memory_space<semaphore_mem>>) src(%arg7 : memref<128x128xf32, #tpu.memory_space<vmem>>) dst(%dma_wait3A_418 : memref<10240x128xf32, #tpu.memory_space<vmem_shared>>)
        tpu.yield
      }) : () -> ()
      %dma_start3A_319 = arith.constant 12 : i32
      %dma_start3A_320 = arith.constant 0 : i32
      %dma_start3A_321 = tpu.memref_slice %arg6[%rem3A_157, %dma_start3A_319, %dma_start3A_320] : memref<2x32x128xi32, #tpu.memory_space<vmem>> -> memref<1x1x128xi32, #tpu.memory_space<vmem>>
      %dma_start3A_322 = tpu.memref_squeeze %dma_start3A_321 : memref<1x1x128xi32, #tpu.memory_space<vmem>> -> memref<128xi32, #tpu.memory_space<vmem>>
      %dma_start3A_323 = arith.constant 0 : i32
      %dma_start3A_324 = arith.constant 0 : i32
      %dma_start3A_325 = tpu.memref_slice %arg4[%dma_start3A_323, %dma_start3A_324] : memref<10000x128xf32, #tpu.memory_space<hbm>> -> memref<10000x128xf32, #tpu.memory_space<hbm>>
      tpu.enqueue_indirect_dma source(%dma_start3A_325 : memref<10000x128xf32, #tpu.memory_space<hbm>>) target(%arg7 : memref<128x128xf32, #tpu.memory_space<vmem>>) offsets(%dma_start3A_322 : memref<128xi32, #tpu.memory_space<vmem>>) semaphore(%arg10 : memref<!tpu.dma_semaphore, #tpu.memory_space<semaphore_mem>>)
      %dma_wait3A_326 = arith.constant 11 : i32
      %dma_wait3A_327 = arith.constant 0 : i32
      %dma_wait3A_328 = tpu.memref_slice %arg6[%rem3A_157, %dma_wait3A_326, %dma_wait3A_327] : memref<2x32x128xi32, #tpu.memory_space<vmem>> -> memref<1x1x128xi32, #tpu.memory_space<vmem>>
      %dma_wait3A_329 = tpu.memref_squeeze %dma_wait3A_328 : memref<1x1x128xi32, #tpu.memory_space<vmem>> -> memref<128xi32, #tpu.memory_space<vmem>>
      %dma_wait3A_330 = arith.constant 0 : i32
      %dma_wait3A_331 = arith.constant 0 : i32
      %dma_wait3A_332 = tpu.memref_slice %arg4[%dma_wait3A_330, %dma_wait3A_331] : memref<10000x128xf32, #tpu.memory_space<hbm>> -> memref<10000x128xf32, #tpu.memory_space<hbm>>
      tpu.wait_indirect_dma semaphore(%arg11 : memref<!tpu.dma_semaphore, #tpu.memory_space<semaphore_mem>>) src(%dma_wait3A_332 : memref<10000x128xf32, #tpu.memory_space<hbm>>) dst(%arg8 : memref<128x128xf32, #tpu.memory_space<vmem>>)
      %run_scoped3A_333 = arith.constant 27 : i32
      "tpu.region"() ({
        %run_scoped3A_406 = tpu.sem_alloc : memref<!tpu.dma_semaphore, #tpu.memory_space<semaphore_mem>>
        %dma_start3A_407 = arith.constant 0 : i32
        %dma_start3A_408 = tpu.memref_slice %arg6[%rem3A_157, %run_scoped3A_333, %dma_start3A_407] : memref<2x32x128xi32, #tpu.memory_space<vmem>> -> memref<1x1x128xi32, #tpu.memory_space<vmem>>
        %dma_start3A_409 = tpu.memref_squeeze %dma_start3A_408 : memref<1x1x128xi32, #tpu.memory_space<vmem>> -> memref<128xi32, #tpu.memory_space<vmem>>
        %dma_start3A_410 = arith.constant 0 : i32
        %dma_start3A_411 = arith.constant 0 : i32
        %dma_start3A_412 = tpu.memref_slice %arg9[%dma_start3A_410, %dma_start3A_411] : memref<10240x128xf32, #tpu.memory_space<vmem_shared>> -> memref<10240x128xf32, #tpu.memory_space<vmem_shared>>
        tpu.enqueue_indirect_dma source(%arg8 : memref<128x128xf32, #tpu.memory_space<vmem>>) target(%dma_start3A_412 : memref<10240x128xf32, #tpu.memory_space<vmem_shared>>) offsets(%dma_start3A_409 : memref<128xi32, #tpu.memory_space<vmem>>) semaphore(%run_scoped3A_406 : memref<!tpu.dma_semaphore, #tpu.memory_space<semaphore_mem>>) {add = true}
        %dma_wait3A_413 = arith.constant 0 : i32
        %dma_wait3A_414 = tpu.memref_slice %arg6[%rem3A_157, %run_scoped3A_333, %dma_wait3A_413] : memref<2x32x128xi32, #tpu.memory_space<vmem>> -> memref<1x1x128xi32, #tpu.memory_space<vmem>>
        %dma_wait3A_415 = tpu.memref_squeeze %dma_wait3A_414 : memref<1x1x128xi32, #tpu.memory_space<vmem>> -> memref<128xi32, #tpu.memory_space<vmem>>
        %dma_wait3A_416 = arith.constant 0 : i32
        %dma_wait3A_417 = arith.constant 0 : i32
        %dma_wait3A_418 = tpu.memref_slice %arg9[%dma_wait3A_416, %dma_wait3A_417] : memref<10240x128xf32, #tpu.memory_space<vmem_shared>> -> memref<10240x128xf32, #tpu.memory_space<vmem_shared>>
        tpu.wait_indirect_dma semaphore(%run_scoped3A_406 : memref<!tpu.dma_semaphore, #tpu.memory_space<semaphore_mem>>) src(%arg8 : memref<128x128xf32, #tpu.memory_space<vmem>>) dst(%dma_wait3A_418 : memref<10240x128xf32, #tpu.memory_space<vmem_shared>>)
        tpu.yield
      }) : () -> ()
      %dma_start3A_334 = arith.constant 13 : i32
      %dma_start3A_335 = arith.constant 0 : i32
      %dma_start3A_336 = tpu.memref_slice %arg6[%rem3A_157, %dma_start3A_334, %dma_start3A_335] : memref<2x32x128xi32, #tpu.memory_space<vmem>> -> memref<1x1x128xi32, #tpu.memory_space<vmem>>
      %dma_start3A_337 = tpu.memref_squeeze %dma_start3A_336 : memref<1x1x128xi32, #tpu.memory_space<vmem>> -> memref<128xi32, #tpu.memory_space<vmem>>
      %dma_start3A_338 = arith.constant 0 : i32
      %dma_start3A_339 = arith.constant 0 : i32
      %dma_start3A_340 = tpu.memref_slice %arg4[%dma_start3A_338, %dma_start3A_339] : memref<10000x128xf32, #tpu.memory_space<hbm>> -> memref<10000x128xf32, #tpu.memory_space<hbm>>
      tpu.enqueue_indirect_dma source(%dma_start3A_340 : memref<10000x128xf32, #tpu.memory_space<hbm>>) target(%arg8 : memref<128x128xf32, #tpu.memory_space<vmem>>) offsets(%dma_start3A_337 : memref<128xi32, #tpu.memory_space<vmem>>) semaphore(%arg11 : memref<!tpu.dma_semaphore, #tpu.memory_space<semaphore_mem>>)
      %dma_wait3A_341 = arith.constant 12 : i32
      %dma_wait3A_342 = arith.constant 0 : i32
      %dma_wait3A_343 = tpu.memref_slice %arg6[%rem3A_157, %dma_wait3A_341, %dma_wait3A_342] : memref<2x32x128xi32, #tpu.memory_space<vmem>> -> memref<1x1x128xi32, #tpu.memory_space<vmem>>
      %dma_wait3A_344 = tpu.memref_squeeze %dma_wait3A_343 : memref<1x1x128xi32, #tpu.memory_space<vmem>> -> memref<128xi32, #tpu.memory_space<vmem>>
      %dma_wait3A_345 = arith.constant 0 : i32
      %dma_wait3A_346 = arith.constant 0 : i32
      %dma_wait3A_347 = tpu.memref_slice %arg4[%dma_wait3A_345, %dma_wait3A_346] : memref<10000x128xf32, #tpu.memory_space<hbm>> -> memref<10000x128xf32, #tpu.memory_space<hbm>>
      tpu.wait_indirect_dma semaphore(%arg10 : memref<!tpu.dma_semaphore, #tpu.memory_space<semaphore_mem>>) src(%dma_wait3A_347 : memref<10000x128xf32, #tpu.memory_space<hbm>>) dst(%arg7 : memref<128x128xf32, #tpu.memory_space<vmem>>)
      %run_scoped3A_348 = arith.constant 28 : i32
      "tpu.region"() ({
        %run_scoped3A_406 = tpu.sem_alloc : memref<!tpu.dma_semaphore, #tpu.memory_space<semaphore_mem>>
        %dma_start3A_407 = arith.constant 0 : i32
        %dma_start3A_408 = tpu.memref_slice %arg6[%rem3A_157, %run_scoped3A_348, %dma_start3A_407] : memref<2x32x128xi32, #tpu.memory_space<vmem>> -> memref<1x1x128xi32, #tpu.memory_space<vmem>>
        %dma_start3A_409 = tpu.memref_squeeze %dma_start3A_408 : memref<1x1x128xi32, #tpu.memory_space<vmem>> -> memref<128xi32, #tpu.memory_space<vmem>>
        %dma_start3A_410 = arith.constant 0 : i32
        %dma_start3A_411 = arith.constant 0 : i32
        %dma_start3A_412 = tpu.memref_slice %arg9[%dma_start3A_410, %dma_start3A_411] : memref<10240x128xf32, #tpu.memory_space<vmem_shared>> -> memref<10240x128xf32, #tpu.memory_space<vmem_shared>>
        tpu.enqueue_indirect_dma source(%arg7 : memref<128x128xf32, #tpu.memory_space<vmem>>) target(%dma_start3A_412 : memref<10240x128xf32, #tpu.memory_space<vmem_shared>>) offsets(%dma_start3A_409 : memref<128xi32, #tpu.memory_space<vmem>>) semaphore(%run_scoped3A_406 : memref<!tpu.dma_semaphore, #tpu.memory_space<semaphore_mem>>) {add = true}
        %dma_wait3A_413 = arith.constant 0 : i32
        %dma_wait3A_414 = tpu.memref_slice %arg6[%rem3A_157, %run_scoped3A_348, %dma_wait3A_413] : memref<2x32x128xi32, #tpu.memory_space<vmem>> -> memref<1x1x128xi32, #tpu.memory_space<vmem>>
        %dma_wait3A_415 = tpu.memref_squeeze %dma_wait3A_414 : memref<1x1x128xi32, #tpu.memory_space<vmem>> -> memref<128xi32, #tpu.memory_space<vmem>>
        %dma_wait3A_416 = arith.constant 0 : i32
        %dma_wait3A_417 = arith.constant 0 : i32
        %dma_wait3A_418 = tpu.memref_slice %arg9[%dma_wait3A_416, %dma_wait3A_417] : memref<10240x128xf32, #tpu.memory_space<vmem_shared>> -> memref<10240x128xf32, #tpu.memory_space<vmem_shared>>
        tpu.wait_indirect_dma semaphore(%run_scoped3A_406 : memref<!tpu.dma_semaphore, #tpu.memory_space<semaphore_mem>>) src(%arg7 : memref<128x128xf32, #tpu.memory_space<vmem>>) dst(%dma_wait3A_418 : memref<10240x128xf32, #tpu.memory_space<vmem_shared>>)
        tpu.yield
      }) : () -> ()
      %dma_start3A_349 = arith.constant 14 : i32
      %dma_start3A_350 = arith.constant 0 : i32
      %dma_start3A_351 = tpu.memref_slice %arg6[%rem3A_157, %dma_start3A_349, %dma_start3A_350] : memref<2x32x128xi32, #tpu.memory_space<vmem>> -> memref<1x1x128xi32, #tpu.memory_space<vmem>>
      %dma_start3A_352 = tpu.memref_squeeze %dma_start3A_351 : memref<1x1x128xi32, #tpu.memory_space<vmem>> -> memref<128xi32, #tpu.memory_space<vmem>>
      %dma_start3A_353 = arith.constant 0 : i32
      %dma_start3A_354 = arith.constant 0 : i32
      %dma_start3A_355 = tpu.memref_slice %arg4[%dma_start3A_353, %dma_start3A_354] : memref<10000x128xf32, #tpu.memory_space<hbm>> -> memref<10000x128xf32, #tpu.memory_space<hbm>>
      tpu.enqueue_indirect_dma source(%dma_start3A_355 : memref<10000x128xf32, #tpu.memory_space<hbm>>) target(%arg7 : memref<128x128xf32, #tpu.memory_space<vmem>>) offsets(%dma_start3A_352 : memref<128xi32, #tpu.memory_space<vmem>>) semaphore(%arg10 : memref<!tpu.dma_semaphore, #tpu.memory_space<semaphore_mem>>)
      %dma_wait3A_356 = arith.constant 13 : i32
      %dma_wait3A_357 = arith.constant 0 : i32
      %dma_wait3A_358 = tpu.memref_slice %arg6[%rem3A_157, %dma_wait3A_356, %dma_wait3A_357] : memref<2x32x128xi32, #tpu.memory_space<vmem>> -> memref<1x1x128xi32, #tpu.memory_space<vmem>>
      %dma_wait3A_359 = tpu.memref_squeeze %dma_wait3A_358 : memref<1x1x128xi32, #tpu.memory_space<vmem>> -> memref<128xi32, #tpu.memory_space<vmem>>
      %dma_wait3A_360 = arith.constant 0 : i32
      %dma_wait3A_361 = arith.constant 0 : i32
      %dma_wait3A_362 = tpu.memref_slice %arg4[%dma_wait3A_360, %dma_wait3A_361] : memref<10000x128xf32, #tpu.memory_space<hbm>> -> memref<10000x128xf32, #tpu.memory_space<hbm>>
      tpu.wait_indirect_dma semaphore(%arg11 : memref<!tpu.dma_semaphore, #tpu.memory_space<semaphore_mem>>) src(%dma_wait3A_362 : memref<10000x128xf32, #tpu.memory_space<hbm>>) dst(%arg8 : memref<128x128xf32, #tpu.memory_space<vmem>>)
      %run_scoped3A_363 = arith.constant 29 : i32
      "tpu.region"() ({
        %run_scoped3A_406 = tpu.sem_alloc : memref<!tpu.dma_semaphore, #tpu.memory_space<semaphore_mem>>
        %dma_start3A_407 = arith.constant 0 : i32
        %dma_start3A_408 = tpu.memref_slice %arg6[%rem3A_157, %run_scoped3A_363, %dma_start3A_407] : memref<2x32x128xi32, #tpu.memory_space<vmem>> -> memref<1x1x128xi32, #tpu.memory_space<vmem>>
        %dma_start3A_409 = tpu.memref_squeeze %dma_start3A_408 : memref<1x1x128xi32, #tpu.memory_space<vmem>> -> memref<128xi32, #tpu.memory_space<vmem>>
        %dma_start3A_410 = arith.constant 0 : i32
        %dma_start3A_411 = arith.constant 0 : i32
        %dma_start3A_412 = tpu.memref_slice %arg9[%dma_start3A_410, %dma_start3A_411] : memref<10240x128xf32, #tpu.memory_space<vmem_shared>> -> memref<10240x128xf32, #tpu.memory_space<vmem_shared>>
        tpu.enqueue_indirect_dma source(%arg8 : memref<128x128xf32, #tpu.memory_space<vmem>>) target(%dma_start3A_412 : memref<10240x128xf32, #tpu.memory_space<vmem_shared>>) offsets(%dma_start3A_409 : memref<128xi32, #tpu.memory_space<vmem>>) semaphore(%run_scoped3A_406 : memref<!tpu.dma_semaphore, #tpu.memory_space<semaphore_mem>>) {add = true}
        %dma_wait3A_413 = arith.constant 0 : i32
        %dma_wait3A_414 = tpu.memref_slice %arg6[%rem3A_157, %run_scoped3A_363, %dma_wait3A_413] : memref<2x32x128xi32, #tpu.memory_space<vmem>> -> memref<1x1x128xi32, #tpu.memory_space<vmem>>
        %dma_wait3A_415 = tpu.memref_squeeze %dma_wait3A_414 : memref<1x1x128xi32, #tpu.memory_space<vmem>> -> memref<128xi32, #tpu.memory_space<vmem>>
        %dma_wait3A_416 = arith.constant 0 : i32
        %dma_wait3A_417 = arith.constant 0 : i32
        %dma_wait3A_418 = tpu.memref_slice %arg9[%dma_wait3A_416, %dma_wait3A_417] : memref<10240x128xf32, #tpu.memory_space<vmem_shared>> -> memref<10240x128xf32, #tpu.memory_space<vmem_shared>>
        tpu.wait_indirect_dma semaphore(%run_scoped3A_406 : memref<!tpu.dma_semaphore, #tpu.memory_space<semaphore_mem>>) src(%arg8 : memref<128x128xf32, #tpu.memory_space<vmem>>) dst(%dma_wait3A_418 : memref<10240x128xf32, #tpu.memory_space<vmem_shared>>)
        tpu.yield
      }) : () -> ()
      %dma_start3A_364 = arith.constant 15 : i32
      %dma_start3A_365 = arith.constant 0 : i32
      %dma_start3A_366 = tpu.memref_slice %arg6[%rem3A_157, %dma_start3A_364, %dma_start3A_365] : memref<2x32x128xi32, #tpu.memory_space<vmem>> -> memref<1x1x128xi32, #tpu.memory_space<vmem>>
      %dma_start3A_367 = tpu.memref_squeeze %dma_start3A_366 : memref<1x1x128xi32, #tpu.memory_space<vmem>> -> memref<128xi32, #tpu.memory_space<vmem>>
      %dma_start3A_368 = arith.constant 0 : i32
      %dma_start3A_369 = arith.constant 0 : i32
      %dma_start3A_370 = tpu.memref_slice %arg4[%dma_start3A_368, %dma_start3A_369] : memref<10000x128xf32, #tpu.memory_space<hbm>> -> memref<10000x128xf32, #tpu.memory_space<hbm>>
      tpu.enqueue_indirect_dma source(%dma_start3A_370 : memref<10000x128xf32, #tpu.memory_space<hbm>>) target(%arg8 : memref<128x128xf32, #tpu.memory_space<vmem>>) offsets(%dma_start3A_367 : memref<128xi32, #tpu.memory_space<vmem>>) semaphore(%arg11 : memref<!tpu.dma_semaphore, #tpu.memory_space<semaphore_mem>>)
      %dma_wait3A_371 = arith.constant 14 : i32
      %dma_wait3A_372 = arith.constant 0 : i32
      %dma_wait3A_373 = tpu.memref_slice %arg6[%rem3A_157, %dma_wait3A_371, %dma_wait3A_372] : memref<2x32x128xi32, #tpu.memory_space<vmem>> -> memref<1x1x128xi32, #tpu.memory_space<vmem>>
      %dma_wait3A_374 = tpu.memref_squeeze %dma_wait3A_373 : memref<1x1x128xi32, #tpu.memory_space<vmem>> -> memref<128xi32, #tpu.memory_space<vmem>>
      %dma_wait3A_375 = arith.constant 0 : i32
      %dma_wait3A_376 = arith.constant 0 : i32
      %dma_wait3A_377 = tpu.memref_slice %arg4[%dma_wait3A_375, %dma_wait3A_376] : memref<10000x128xf32, #tpu.memory_space<hbm>> -> memref<10000x128xf32, #tpu.memory_space<hbm>>
      tpu.wait_indirect_dma semaphore(%arg10 : memref<!tpu.dma_semaphore, #tpu.memory_space<semaphore_mem>>) src(%dma_wait3A_377 : memref<10000x128xf32, #tpu.memory_space<hbm>>) dst(%arg7 : memref<128x128xf32, #tpu.memory_space<vmem>>)
      %run_scoped3A_378 = arith.constant 30 : i32
      "tpu.region"() ({
        %run_scoped3A_406 = tpu.sem_alloc : memref<!tpu.dma_semaphore, #tpu.memory_space<semaphore_mem>>
        %dma_start3A_407 = arith.constant 0 : i32
        %dma_start3A_408 = tpu.memref_slice %arg6[%rem3A_157, %run_scoped3A_378, %dma_start3A_407] : memref<2x32x128xi32, #tpu.memory_space<vmem>> -> memref<1x1x128xi32, #tpu.memory_space<vmem>>
        %dma_start3A_409 = tpu.memref_squeeze %dma_start3A_408 : memref<1x1x128xi32, #tpu.memory_space<vmem>> -> memref<128xi32, #tpu.memory_space<vmem>>
        %dma_start3A_410 = arith.constant 0 : i32
        %dma_start3A_411 = arith.constant 0 : i32
        %dma_start3A_412 = tpu.memref_slice %arg9[%dma_start3A_410, %dma_start3A_411] : memref<10240x128xf32, #tpu.memory_space<vmem_shared>> -> memref<10240x128xf32, #tpu.memory_space<vmem_shared>>
        tpu.enqueue_indirect_dma source(%arg7 : memref<128x128xf32, #tpu.memory_space<vmem>>) target(%dma_start3A_412 : memref<10240x128xf32, #tpu.memory_space<vmem_shared>>) offsets(%dma_start3A_409 : memref<128xi32, #tpu.memory_space<vmem>>) semaphore(%run_scoped3A_406 : memref<!tpu.dma_semaphore, #tpu.memory_space<semaphore_mem>>) {add = true}
        %dma_wait3A_413 = arith.constant 0 : i32
        %dma_wait3A_414 = tpu.memref_slice %arg6[%rem3A_157, %run_scoped3A_378, %dma_wait3A_413] : memref<2x32x128xi32, #tpu.memory_space<vmem>> -> memref<1x1x128xi32, #tpu.memory_space<vmem>>
        %dma_wait3A_415 = tpu.memref_squeeze %dma_wait3A_414 : memref<1x1x128xi32, #tpu.memory_space<vmem>> -> memref<128xi32, #tpu.memory_space<vmem>>
        %dma_wait3A_416 = arith.constant 0 : i32
        %dma_wait3A_417 = arith.constant 0 : i32
        %dma_wait3A_418 = tpu.memref_slice %arg9[%dma_wait3A_416, %dma_wait3A_417] : memref<10240x128xf32, #tpu.memory_space<vmem_shared>> -> memref<10240x128xf32, #tpu.memory_space<vmem_shared>>
        tpu.wait_indirect_dma semaphore(%run_scoped3A_406 : memref<!tpu.dma_semaphore, #tpu.memory_space<semaphore_mem>>) src(%arg7 : memref<128x128xf32, #tpu.memory_space<vmem>>) dst(%dma_wait3A_418 : memref<10240x128xf32, #tpu.memory_space<vmem_shared>>)
        tpu.yield
      }) : () -> ()
      %add3A_379 = arith.constant 1 : i32
      %add3A_380 = arith.addi %scan3A_155, %add3A_379 : i32
      %lt3A = arith.constant 5 : i32
      %lt3A_381 = arith.cmpi slt, %add3A_380, %lt3A : i32
      %convert_element_type3A = arith.extui %lt3A_381 : i1 to i32
      %cond3A = arith.constant 0 : i32
      %cond3A_382 = arith.cmpi ne, %convert_element_type3A, %cond3A : i32
      scf.if %cond3A_382 {
        %dma_wait3A_406 = arith.constant 0 : i32
        %dma_wait3A_407 = arith.constant 0 : i32
        %dma_wait3A_408 = tpu.memref_slice %arg6[%rem3A_161, %dma_wait3A_406, %dma_wait3A_407] : memref<2x32x128xi32, #tpu.memory_space<vmem>> -> memref<1x16x128xi32, #tpu.memory_space<vmem>>
        %dma_wait3A_409 = tpu.memref_squeeze %dma_wait3A_408 : memref<1x16x128xi32, #tpu.memory_space<vmem>> -> memref<16x128xi32, #tpu.memory_space<vmem>>
        %dma_wait3A_410 = arith.constant 0 : i32
        %dma_wait3A_411 = arith.constant 0 : i32
        %dma_wait3A_412 = tpu.memref_slice %arg2[%add3A, %dma_wait3A_410, %dma_wait3A_411] : memref<32x80x128xi32, #tpu.memory_space<hbm>> -> memref<1x16x128xi32, #tpu.memory_space<hbm>>
        %dma_wait3A_413 = tpu.memref_squeeze %dma_wait3A_412 : memref<1x16x128xi32, #tpu.memory_space<hbm>> -> memref<16x128xi32, #tpu.memory_space<hbm>>
        %dma_wait3A_414 = arith.constant 0 : i32
        %dma_wait3A_415 = arith.constant 0 : i32
        %dma_wait3A_416 = tpu.memref_slice %arg6[%rem3A_161, %dma_wait3A_414, %dma_wait3A_415] : memref<2x32x128xi32, #tpu.memory_space<vmem>> -> memref<1x16x128xi32, #tpu.memory_space<vmem>>
        %dma_wait3A_417 = tpu.memref_squeeze %dma_wait3A_416 : memref<1x16x128xi32, #tpu.memory_space<vmem>> -> memref<16x128xi32, #tpu.memory_space<vmem>>
        %dma_wait3A_418 = arith.constant 0 : i32
        %dma_wait3A_419 = arith.constant 0 : i32
        %dma_wait3A_420 = tpu.memref_slice %arg2[%add3A, %dma_wait3A_418, %dma_wait3A_419] : memref<32x80x128xi32, #tpu.memory_space<hbm>> -> memref<1x16x128xi32, #tpu.memory_space<hbm>>
        %dma_wait3A_421 = tpu.memref_squeeze %dma_wait3A_420 : memref<1x16x128xi32, #tpu.memory_space<hbm>> -> memref<16x128xi32, #tpu.memory_space<hbm>>
        tpu.wait_dma2 semaphore(%arg12 : memref<!tpu.dma_semaphore, #tpu.memory_space<semaphore_mem>>) src(%dma_wait3A_421 : memref<16x128xi32, #tpu.memory_space<hbm>>) dst(%dma_wait3A_417 : memref<16x128xi32, #tpu.memory_space<vmem>>)
        %dma_wait3A_422 = arith.constant 16 : i32
        %dma_wait3A_423 = arith.constant 0 : i32
        %dma_wait3A_424 = tpu.memref_slice %arg6[%rem3A_161, %dma_wait3A_422, %dma_wait3A_423] : memref<2x32x128xi32, #tpu.memory_space<vmem>> -> memref<1x16x128xi32, #tpu.memory_space<vmem>>
        %dma_wait3A_425 = tpu.memref_squeeze %dma_wait3A_424 : memref<1x16x128xi32, #tpu.memory_space<vmem>> -> memref<16x128xi32, #tpu.memory_space<vmem>>
        %dma_wait3A_426 = arith.constant 0 : i32
        %dma_wait3A_427 = arith.constant 0 : i32
        %dma_wait3A_428 = tpu.memref_slice %arg2[%add3A, %dma_wait3A_426, %dma_wait3A_427] : memref<32x80x128xi32, #tpu.memory_space<hbm>> -> memref<1x16x128xi32, #tpu.memory_space<hbm>>
        %dma_wait3A_429 = tpu.memref_squeeze %dma_wait3A_428 : memref<1x16x128xi32, #tpu.memory_space<hbm>> -> memref<16x128xi32, #tpu.memory_space<hbm>>
        %dma_wait3A_430 = arith.constant 16 : i32
        %dma_wait3A_431 = arith.constant 0 : i32
        %dma_wait3A_432 = tpu.memref_slice %arg6[%rem3A_161, %dma_wait3A_430, %dma_wait3A_431] : memref<2x32x128xi32, #tpu.memory_space<vmem>> -> memref<1x16x128xi32, #tpu.memory_space<vmem>>
        %dma_wait3A_433 = tpu.memref_squeeze %dma_wait3A_432 : memref<1x16x128xi32, #tpu.memory_space<vmem>> -> memref<16x128xi32, #tpu.memory_space<vmem>>
        %dma_wait3A_434 = arith.constant 0 : i32
        %dma_wait3A_435 = arith.constant 0 : i32
        %dma_wait3A_436 = tpu.memref_slice %arg2[%add3A, %dma_wait3A_434, %dma_wait3A_435] : memref<32x80x128xi32, #tpu.memory_space<hbm>> -> memref<1x16x128xi32, #tpu.memory_space<hbm>>
        %dma_wait3A_437 = tpu.memref_squeeze %dma_wait3A_436 : memref<1x16x128xi32, #tpu.memory_space<hbm>> -> memref<16x128xi32, #tpu.memory_space<hbm>>
        tpu.wait_dma2 semaphore(%arg12 : memref<!tpu.dma_semaphore, #tpu.memory_space<semaphore_mem>>) src(%dma_wait3A_437 : memref<16x128xi32, #tpu.memory_space<hbm>>) dst(%dma_wait3A_433 : memref<16x128xi32, #tpu.memory_space<vmem>>)
        %dma_start3A_438 = arith.constant 0 : i32
        %dma_start3A_439 = arith.constant 0 : i32
        %dma_start3A_440 = tpu.memref_slice %arg6[%rem3A_161, %dma_start3A_438, %dma_start3A_439] : memref<2x32x128xi32, #tpu.memory_space<vmem>> -> memref<1x1x128xi32, #tpu.memory_space<vmem>>
        %dma_start3A_441 = tpu.memref_squeeze %dma_start3A_440 : memref<1x1x128xi32, #tpu.memory_space<vmem>> -> memref<128xi32, #tpu.memory_space<vmem>>
        %dma_start3A_442 = arith.constant 0 : i32
        %dma_start3A_443 = arith.constant 0 : i32
        %dma_start3A_444 = tpu.memref_slice %arg4[%dma_start3A_442, %dma_start3A_443] : memref<10000x128xf32, #tpu.memory_space<hbm>> -> memref<10000x128xf32, #tpu.memory_space<hbm>>
        tpu.enqueue_indirect_dma source(%dma_start3A_444 : memref<10000x128xf32, #tpu.memory_space<hbm>>) target(%arg7 : memref<128x128xf32, #tpu.memory_space<vmem>>) offsets(%dma_start3A_441 : memref<128xi32, #tpu.memory_space<vmem>>) semaphore(%arg10 : memref<!tpu.dma_semaphore, #tpu.memory_space<semaphore_mem>>)
      } else {
      }
      %dma_wait3A_383 = arith.constant 15 : i32
      %dma_wait3A_384 = arith.constant 0 : i32
      %dma_wait3A_385 = tpu.memref_slice %arg6[%rem3A_157, %dma_wait3A_383, %dma_wait3A_384] : memref<2x32x128xi32, #tpu.memory_space<vmem>> -> memref<1x1x128xi32, #tpu.memory_space<vmem>>
      %dma_wait3A_386 = tpu.memref_squeeze %dma_wait3A_385 : memref<1x1x128xi32, #tpu.memory_space<vmem>> -> memref<128xi32, #tpu.memory_space<vmem>>
      %dma_wait3A_387 = arith.constant 0 : i32
      %dma_wait3A_388 = arith.constant 0 : i32
      %dma_wait3A_389 = tpu.memref_slice %arg4[%dma_wait3A_387, %dma_wait3A_388] : memref<10000x128xf32, #tpu.memory_space<hbm>> -> memref<10000x128xf32, #tpu.memory_space<hbm>>
      tpu.wait_indirect_dma semaphore(%arg11 : memref<!tpu.dma_semaphore, #tpu.memory_space<semaphore_mem>>) src(%dma_wait3A_389 : memref<10000x128xf32, #tpu.memory_space<hbm>>) dst(%arg8 : memref<128x128xf32, #tpu.memory_space<vmem>>)
      %run_scoped3A_390 = arith.constant 31 : i32
      "tpu.region"() ({
        %run_scoped3A_406 = tpu.sem_alloc : memref<!tpu.dma_semaphore, #tpu.memory_space<semaphore_mem>>
        %dma_start3A_407 = arith.constant 0 : i32
        %dma_start3A_408 = tpu.memref_slice %arg6[%rem3A_157, %run_scoped3A_390, %dma_start3A_407] : memref<2x32x128xi32, #tpu.memory_space<vmem>> -> memref<1x1x128xi32, #tpu.memory_space<vmem>>
        %dma_start3A_409 = tpu.memref_squeeze %dma_start3A_408 : memref<1x1x128xi32, #tpu.memory_space<vmem>> -> memref<128xi32, #tpu.memory_space<vmem>>
        %dma_start3A_410 = arith.constant 0 : i32
        %dma_start3A_411 = arith.constant 0 : i32
        %dma_start3A_412 = tpu.memref_slice %arg9[%dma_start3A_410, %dma_start3A_411] : memref<10240x128xf32, #tpu.memory_space<vmem_shared>> -> memref<10240x128xf32, #tpu.memory_space<vmem_shared>>
        tpu.enqueue_indirect_dma source(%arg8 : memref<128x128xf32, #tpu.memory_space<vmem>>) target(%dma_start3A_412 : memref<10240x128xf32, #tpu.memory_space<vmem_shared>>) offsets(%dma_start3A_409 : memref<128xi32, #tpu.memory_space<vmem>>) semaphore(%run_scoped3A_406 : memref<!tpu.dma_semaphore, #tpu.memory_space<semaphore_mem>>) {add = true}
        %dma_wait3A_413 = arith.constant 0 : i32
        %dma_wait3A_414 = tpu.memref_slice %arg6[%rem3A_157, %run_scoped3A_390, %dma_wait3A_413] : memref<2x32x128xi32, #tpu.memory_space<vmem>> -> memref<1x1x128xi32, #tpu.memory_space<vmem>>
        %dma_wait3A_415 = tpu.memref_squeeze %dma_wait3A_414 : memref<1x1x128xi32, #tpu.memory_space<vmem>> -> memref<128xi32, #tpu.memory_space<vmem>>
        %dma_wait3A_416 = arith.constant 0 : i32
        %dma_wait3A_417 = arith.constant 0 : i32
        %dma_wait3A_418 = tpu.memref_slice %arg9[%dma_wait3A_416, %dma_wait3A_417] : memref<10240x128xf32, #tpu.memory_space<vmem_shared>> -> memref<10240x128xf32, #tpu.memory_space<vmem_shared>>
        tpu.wait_indirect_dma semaphore(%run_scoped3A_406 : memref<!tpu.dma_semaphore, #tpu.memory_space<semaphore_mem>>) src(%arg8 : memref<128x128xf32, #tpu.memory_space<vmem>>) dst(%dma_wait3A_418 : memref<10240x128xf32, #tpu.memory_space<vmem_shared>>)
        tpu.yield
      }) : () -> ()
      %add3A_391 = arith.constant 1 : i32
      %add3A_392 = arith.addi %scan3A_155, %add3A_391 : i32
      %lt3A_393 = arith.constant 5 : i32
      %lt3A_394 = arith.cmpi slt, %add3A_392, %lt3A_393 : i32
      %convert_element_type3A_395 = arith.extui %lt3A_394 : i1 to i32
      %cond3A_396 = arith.constant 0 : i32
      %cond3A_397 = arith.cmpi ne, %convert_element_type3A_395, %cond3A_396 : i32
      scf.if %cond3A_397 {
        %dma_start3A_406 = arith.constant 1 : i32
        %dma_start3A_407 = arith.constant 0 : i32
        %dma_start3A_408 = tpu.memref_slice %arg6[%rem3A_161, %dma_start3A_406, %dma_start3A_407] : memref<2x32x128xi32, #tpu.memory_space<vmem>> -> memref<1x1x128xi32, #tpu.memory_space<vmem>>
        %dma_start3A_409 = tpu.memref_squeeze %dma_start3A_408 : memref<1x1x128xi32, #tpu.memory_space<vmem>> -> memref<128xi32, #tpu.memory_space<vmem>>
        %dma_start3A_410 = arith.constant 0 : i32
        %dma_start3A_411 = arith.constant 0 : i32
        %dma_start3A_412 = tpu.memref_slice %arg4[%dma_start3A_410, %dma_start3A_411] : memref<10000x128xf32, #tpu.memory_space<hbm>> -> memref<10000x128xf32, #tpu.memory_space<hbm>>
        tpu.enqueue_indirect_dma source(%dma_start3A_412 : memref<10000x128xf32, #tpu.memory_space<hbm>>) target(%arg8 : memref<128x128xf32, #tpu.memory_space<vmem>>) offsets(%dma_start3A_409 : memref<128xi32, #tpu.memory_space<vmem>>) semaphore(%arg11 : memref<!tpu.dma_semaphore, #tpu.memory_space<semaphore_mem>>)
      } else {
      }
      %add3A_398 = arith.constant 2 : i32
      %add3A_399 = arith.addi %scan3A_155, %add3A_398 : i32
      %lt3A_400 = arith.constant 5 : i32
      %lt3A_401 = arith.cmpi slt, %add3A_399, %lt3A_400 : i32
      %convert_element_type3A_402 = arith.extui %lt3A_401 : i1 to i32
      %cond3A_403 = arith.constant 0 : i32
      %cond3A_404 = arith.cmpi ne, %convert_element_type3A_402, %cond3A_403 : i32
      scf.if %cond3A_404 {
        %add3A_406 = arith.constant 2 : i32
        %add3A_407 = arith.addi %scan3A_155, %add3A_406 : i32
        %mul3A_408 = arith.constant 16 : i32
        %mul3A_409 = arith.muli %add3A_407, %mul3A_408 : i32
        %dma_start3A_410 = arith.constant 0 : i32
        %dma_start3A_411 = arith.constant 0 : i32
        %dma_start3A_412 = tpu.memref_slice %arg6[%rem3A_157, %dma_start3A_410, %dma_start3A_411] : memref<2x32x128xi32, #tpu.memory_space<vmem>> -> memref<1x16x128xi32, #tpu.memory_space<vmem>>
        %dma_start3A_413 = tpu.memref_squeeze %dma_start3A_412 : memref<1x16x128xi32, #tpu.memory_space<vmem>> -> memref<16x128xi32, #tpu.memory_space<vmem>>
        %dma_start3A_414 = arith.constant 0 : i32
        %dma_start3A_415 = tpu.memref_slice %arg2[%add3A, %mul3A_409, %dma_start3A_414] : memref<32x80x128xi32, #tpu.memory_space<hbm>> -> memref<1x16x128xi32, #tpu.memory_space<hbm>>
        %dma_start3A_416 = tpu.memref_squeeze %dma_start3A_415 : memref<1x16x128xi32, #tpu.memory_space<hbm>> -> memref<16x128xi32, #tpu.memory_space<hbm>>
        %dma_start3A_417 = arith.constant 0 : i32
        %dma_start3A_418 = arith.constant 0 : i32
        %dma_start3A_419 = tpu.memref_slice %arg6[%rem3A_157, %dma_start3A_417, %dma_start3A_418] : memref<2x32x128xi32, #tpu.memory_space<vmem>> -> memref<1x16x128xi32, #tpu.memory_space<vmem>>
        %dma_start3A_420 = tpu.memref_squeeze %dma_start3A_419 : memref<1x16x128xi32, #tpu.memory_space<vmem>> -> memref<16x128xi32, #tpu.memory_space<vmem>>
        %dma_start3A_421 = arith.constant 0 : i32
        %dma_start3A_422 = tpu.memref_slice %arg2[%add3A, %mul3A_409, %dma_start3A_421] : memref<32x80x128xi32, #tpu.memory_space<hbm>> -> memref<1x16x128xi32, #tpu.memory_space<hbm>>
        %dma_start3A_423 = tpu.memref_squeeze %dma_start3A_422 : memref<1x16x128xi32, #tpu.memory_space<hbm>> -> memref<16x128xi32, #tpu.memory_space<hbm>>
        tpu.enqueue_dma source(%dma_start3A_423 : memref<16x128xi32, #tpu.memory_space<hbm>>) target(%dma_start3A_420 : memref<16x128xi32, #tpu.memory_space<vmem>>) target_semaphore(%arg12 : memref<!tpu.dma_semaphore, #tpu.memory_space<semaphore_mem>>)
        %mul3A_424 = arith.constant 16 : i32
        %mul3A_425 = arith.muli %add3A_407, %mul3A_424 : i32
        %dma_start3A_426 = arith.constant 16 : i32
        %dma_start3A_427 = arith.constant 0 : i32
        %dma_start3A_428 = tpu.memref_slice %arg6[%rem3A_157, %dma_start3A_426, %dma_start3A_427] : memref<2x32x128xi32, #tpu.memory_space<vmem>> -> memref<1x16x128xi32, #tpu.memory_space<vmem>>
        %dma_start3A_429 = tpu.memref_squeeze %dma_start3A_428 : memref<1x16x128xi32, #tpu.memory_space<vmem>> -> memref<16x128xi32, #tpu.memory_space<vmem>>
        %dma_start3A_430 = arith.constant 0 : i32
        %dma_start3A_431 = tpu.memref_slice %arg3[%add3A, %mul3A_425, %dma_start3A_430] : memref<32x80x128xi32, #tpu.memory_space<hbm>> -> memref<1x16x128xi32, #tpu.memory_space<hbm>>
        %dma_start3A_432 = tpu.memref_squeeze %dma_start3A_431 : memref<1x16x128xi32, #tpu.memory_space<hbm>> -> memref<16x128xi32, #tpu.memory_space<hbm>>
        %dma_start3A_433 = arith.constant 16 : i32
        %dma_start3A_434 = arith.constant 0 : i32
        %dma_start3A_435 = tpu.memref_slice %arg6[%rem3A_157, %dma_start3A_433, %dma_start3A_434] : memref<2x32x128xi32, #tpu.memory_space<vmem>> -> memref<1x16x128xi32, #tpu.memory_space<vmem>>
        %dma_start3A_436 = tpu.memref_squeeze %dma_start3A_435 : memref<1x16x128xi32, #tpu.memory_space<vmem>> -> memref<16x128xi32, #tpu.memory_space<vmem>>
        %dma_start3A_437 = arith.constant 0 : i32
        %dma_start3A_438 = tpu.memref_slice %arg3[%add3A, %mul3A_425, %dma_start3A_437] : memref<32x80x128xi32, #tpu.memory_space<hbm>> -> memref<1x16x128xi32, #tpu.memory_space<hbm>>
        %dma_start3A_439 = tpu.memref_squeeze %dma_start3A_438 : memref<1x16x128xi32, #tpu.memory_space<hbm>> -> memref<16x128xi32, #tpu.memory_space<hbm>>
        tpu.enqueue_dma source(%dma_start3A_439 : memref<16x128xi32, #tpu.memory_space<hbm>>) target(%dma_start3A_436 : memref<16x128xi32, #tpu.memory_space<vmem>>) target_semaphore(%arg12 : memref<!tpu.dma_semaphore, #tpu.memory_space<semaphore_mem>>)
      } else {
      }
      %scan3A_405 = arith.constant 0 : i32
      scf.yield %scan3A_405 : i32
    }
    %scan3A_149 = arith.constant 5 : i32
    %barrier3A_150 = arith.constant 0 : index
    tpu.barrier barrier_id(%barrier3A_150)
    %mul3A_151 = arith.constant 640 : i32
    %mul3A_152 = arith.muli %arg1, %mul3A_151 : i32
    %mul3A_153 = arith.constant 640 : i32
    %mul3A_154 = arith.muli %arg1, %mul3A_153 : i32
    "tpu.region"() ({
      %run_scoped3A = tpu.sem_alloc : memref<!tpu.dma_semaphore, #tpu.memory_space<semaphore_mem>>
      %dma_start3A_155 = arith.constant 0 : i32
      %dma_start3A_156 = tpu.memref_slice %arg5[%arg0, %mul3A_154, %dma_start3A_155] : memref<2x10240x128xf32, #tpu.memory_space<hbm>> -> memref<1x640x128xf32, #tpu.memory_space<hbm>>
      %dma_start3A_157 = tpu.memref_squeeze %dma_start3A_156 : memref<1x640x128xf32, #tpu.memory_space<hbm>> -> memref<640x128xf32, #tpu.memory_space<hbm>>
      %dma_start3A_158 = arith.constant 0 : i32
      %dma_start3A_159 = tpu.memref_slice %arg9[%mul3A_152, %dma_start3A_158] : memref<10240x128xf32, #tpu.memory_space<vmem_shared>> -> memref<640x128xf32, #tpu.memory_space<vmem_shared>>
      tpu.enqueue_dma source(%dma_start3A_159 : memref<640x128xf32, #tpu.memory_space<vmem_shared>>) target(%dma_start3A_157 : memref<640x128xf32, #tpu.memory_space<hbm>>) target_semaphore(%run_scoped3A : memref<!tpu.dma_semaphore, #tpu.memory_space<semaphore_mem>>)
      %dma_wait3A_160 = arith.constant 0 : i32
      %dma_wait3A_161 = tpu.memref_slice %arg5[%arg0, %mul3A_154, %dma_wait3A_160] : memref<2x10240x128xf32, #tpu.memory_space<hbm>> -> memref<1x640x128xf32, #tpu.memory_space<hbm>>
      %dma_wait3A_162 = tpu.memref_squeeze %dma_wait3A_161 : memref<1x640x128xf32, #tpu.memory_space<hbm>> -> memref<640x128xf32, #tpu.memory_space<hbm>>
      %dma_wait3A_163 = arith.constant 0 : i32
      %dma_wait3A_164 = tpu.memref_slice %arg9[%mul3A_152, %dma_wait3A_163] : memref<10240x128xf32, #tpu.memory_space<vmem_shared>> -> memref<640x128xf32, #tpu.memory_space<vmem_shared>>
      tpu.wait_dma2 semaphore(%run_scoped3A : memref<!tpu.dma_semaphore, #tpu.memory_space<semaphore_mem>>) src(%dma_wait3A_164 : memref<640x128xf32, #tpu.memory_space<vmem_shared>>) dst(%dma_wait3A_162 : memref<640x128xf32, #tpu.memory_space<hbm>>)
      tpu.yield
    }) : () -> ()
    return
  }
}

module attributes {stable_mosaic.version = 14 : i64} {
  func.func @_dense_kernel(%arg0: i32, %arg1: memref<2x1000x128xf32, #tpu.memory_space<vmem>>, %arg2: memref<1000x128xf32, #tpu.memory_space<vmem>>, %arg3: memref<1x128xf32, #tpu.memory_space<vmem>>, %arg4: memref<128x128xf32, #tpu.memory_space<vmem>>, %arg5: memref<1x128xf32, #tpu.memory_space<vmem>>, %arg6: memref<128x128xf32, #tpu.memory_space<vmem>>, %arg7: memref<1x128xf32, #tpu.memory_space<vmem>>, %arg8: memref<128x128xf32, #tpu.memory_space<vmem>>, %arg9: memref<1x128xf32, #tpu.memory_space<vmem>>, %arg10: memref<2x128xf32, #tpu.memory_space<vmem>>, %arg11: memref<10x128x128xf32, #tpu.memory_space<vmem>>, %arg12: memref<10x128x128xf32, #tpu.memory_space<vmem>>, %arg13: memref<10x1x128xf32, #tpu.memory_space<vmem>>, %arg14: memref<10x1x128xf32, #tpu.memory_space<vmem>>, %arg15: memref<128x128xf32, #tpu.memory_space<vmem>>, %arg16: memref<1x128xf32, #tpu.memory_space<vmem>>, %arg17: memref<10x128x128xf32, #tpu.memory_space<vmem>>, %arg18: memref<10x128x128xf32, #tpu.memory_space<vmem>>, %arg19: memref<10x1x128xf32, #tpu.memory_space<vmem>>, %arg20: memref<10x1x128xf32, #tpu.memory_space<vmem>>, %arg21: memref<128x128xf32, #tpu.memory_space<vmem>>, %arg22: memref<1x128xf32, #tpu.memory_space<vmem>>, %arg23: memref<1000x128xf32, #tpu.memory_space<vmem>>, %arg24: memref<128x128xf32, #tpu.memory_space<vmem>>, %arg25: memref<128x128xf32, #tpu.memory_space<vmem>>) attributes {dimension_semantics = [#tpu.dimension_semantics<arbitrary>], iteration_bounds = array<i64: 10>, scalar_prefetch = 0 : i64, scratch_operands = 2 : i64, tpu.core_type = #tpu.core_type<tc>, window_params = [{transform_indices = @transform_0, window_bounds = array<i64: 2, 1000, 128>}, {transform_indices = @transform_1, window_bounds = array<i64: 1000, 128>}, {pipeline_mode = #tpu.pipeline_mode<synchronous>, transform_indices = @transform_2, window_bounds = array<i64: 1, 128>}, {pipeline_mode = #tpu.pipeline_mode<synchronous>, transform_indices = @transform_3, window_bounds = array<i64: 128, 128>}, {pipeline_mode = #tpu.pipeline_mode<synchronous>, transform_indices = @transform_4, window_bounds = array<i64: 1, 128>}, {pipeline_mode = #tpu.pipeline_mode<synchronous>, transform_indices = @transform_5, window_bounds = array<i64: 128, 128>}, {pipeline_mode = #tpu.pipeline_mode<synchronous>, transform_indices = @transform_6, window_bounds = array<i64: 1, 128>}, {pipeline_mode = #tpu.pipeline_mode<synchronous>, transform_indices = @transform_7, window_bounds = array<i64: 128, 128>}, {pipeline_mode = #tpu.pipeline_mode<synchronous>, transform_indices = @transform_8, window_bounds = array<i64: 1, 128>}, {pipeline_mode = #tpu.pipeline_mode<synchronous>, transform_indices = @transform_9, window_bounds = array<i64: 2, 128>}, {pipeline_mode = #tpu.pipeline_mode<synchronous>, transform_indices = @transform_10, window_bounds = array<i64: 10, 128, 128>}, {pipeline_mode = #tpu.pipeline_mode<synchronous>, transform_indices = @transform_11, window_bounds = array<i64: 10, 128, 128>}, {pipeline_mode = #tpu.pipeline_mode<synchronous>, transform_indices = @transform_12, window_bounds = array<i64: 10, 1, 128>}, {pipeline_mode = #tpu.pipeline_mode<synchronous>, transform_indices = @transform_13, window_bounds = array<i64: 10, 1, 128>}, {pipeline_mode = #tpu.pipeline_mode<synchronous>, transform_indices = @transform_14, window_bounds = array<i64: 128, 128>}, {pipeline_mode = #tpu.pipeline_mode<synchronous>, transform_indices = @transform_15, window_bounds = array<i64: 1, 128>}, {pipeline_mode = #tpu.pipeline_mode<synchronous>, transform_indices = @transform_16, window_bounds = array<i64: 10, 128, 128>}, {pipeline_mode = #tpu.pipeline_mode<synchronous>, transform_indices = @transform_17, window_bounds = array<i64: 10, 128, 128>}, {pipeline_mode = #tpu.pipeline_mode<synchronous>, transform_indices = @transform_18, window_bounds = array<i64: 10, 1, 128>}, {pipeline_mode = #tpu.pipeline_mode<synchronous>, transform_indices = @transform_19, window_bounds = array<i64: 10, 1, 128>}, {pipeline_mode = #tpu.pipeline_mode<synchronous>, transform_indices = @transform_20, window_bounds = array<i64: 128, 128>}, {pipeline_mode = #tpu.pipeline_mode<synchronous>, transform_indices = @transform_21, window_bounds = array<i64: 1, 128>}, {transform_indices = @transform_22, window_bounds = array<i64: 1000, 128>}]} {
    %eq3A = arith.constant 0 : i32
    %eq3A_0 = arith.cmpi eq, %arg0, %eq3A : i32
    %convert_element_type3A = arith.extui %eq3A_0 : i1 to i32
    %cond3A = arith.constant 0 : i32
    %cond3A_1 = arith.cmpi ne, %convert_element_type3A, %cond3A : i32
    scf.if %cond3A_1 {
      %get3A_83 = arith.constant 0 : index
      %get3A_84 = arith.constant 0 : index
      %get3A_85 = vector.load %arg10[%get3A_83, %get3A_84] : memref<2x128xf32, #tpu.memory_space<vmem>>, vector<1x128xf32>
      %get3A_86 = arith.constant 0 : index
      %get3A_87 = arith.constant 0 : index
      %get3A_88 = arith.constant 0 : index
      %get3A_89 = vector.load %arg11[%get3A_86, %get3A_87, %get3A_88] : memref<10x128x128xf32, #tpu.memory_space<vmem>>, vector<1x128x128xf32>
      %get3A_90 = vector.shape_cast %get3A_89 : vector<1x128x128xf32> to vector<128x128xf32>
      %dot_general3A_91 = arith.constant dense<0.000000e+00> : vector<1x128xf32>
      %dot_general3A_92 = tpu.matmul %get3A_85, %get3A_90, %dot_general3A_91 {dimension_numbers = #tpu.dot_dimension_numbers<[1], [1], [0], [0], [0, 0, 1, 0], [], []>, transpose_lhs_hint = false} : vector<1x128xf32>, vector<128x128xf32>, vector<1x128xf32> -> vector<1x128xf32>
      %get3A_93 = arith.constant 0 : index
      %get3A_94 = arith.constant 0 : index
      %get3A_95 = arith.constant 0 : index
      %get3A_96 = vector.load %arg13[%get3A_93, %get3A_94, %get3A_95] : memref<10x1x128xf32, #tpu.memory_space<vmem>>, vector<1x1x128xf32>
      %get3A_97 = vector.shape_cast %get3A_96 : vector<1x1x128xf32> to vector<1x128xf32>
      %add3A_98 = arith.addf %dot_general3A_92, %get3A_97 : vector<1x128xf32>
      %get3A_99 = arith.constant 1 : index
      %get3A_100 = arith.constant 0 : index
      %get3A_101 = arith.constant 0 : index
      %get3A_102 = vector.load %arg11[%get3A_99, %get3A_100, %get3A_101] : memref<10x128x128xf32, #tpu.memory_space<vmem>>, vector<1x128x128xf32>
      %get3A_103 = vector.shape_cast %get3A_102 : vector<1x128x128xf32> to vector<128x128xf32>
      %dot_general3A_104 = arith.constant dense<0.000000e+00> : vector<1x128xf32>
      %dot_general3A_105 = tpu.matmul %get3A_85, %get3A_103, %dot_general3A_104 {dimension_numbers = #tpu.dot_dimension_numbers<[1], [1], [0], [0], [0, 0, 1, 0], [], []>, transpose_lhs_hint = false} : vector<1x128xf32>, vector<128x128xf32>, vector<1x128xf32> -> vector<1x128xf32>
      %get3A_106 = arith.constant 1 : index
      %get3A_107 = arith.constant 0 : index
      %get3A_108 = arith.constant 0 : index
      %get3A_109 = vector.load %arg13[%get3A_106, %get3A_107, %get3A_108] : memref<10x1x128xf32, #tpu.memory_space<vmem>>, vector<1x1x128xf32>
      %get3A_110 = vector.shape_cast %get3A_109 : vector<1x1x128xf32> to vector<1x128xf32>
      %add3A_111 = arith.addf %dot_general3A_105, %get3A_110 : vector<1x128xf32>
      %get3A_112 = arith.constant 2 : index
      %get3A_113 = arith.constant 0 : index
      %get3A_114 = arith.constant 0 : index
      %get3A_115 = vector.load %arg11[%get3A_112, %get3A_113, %get3A_114] : memref<10x128x128xf32, #tpu.memory_space<vmem>>, vector<1x128x128xf32>
      %get3A_116 = vector.shape_cast %get3A_115 : vector<1x128x128xf32> to vector<128x128xf32>
      %dot_general3A_117 = arith.constant dense<0.000000e+00> : vector<1x128xf32>
      %dot_general3A_118 = tpu.matmul %get3A_85, %get3A_116, %dot_general3A_117 {dimension_numbers = #tpu.dot_dimension_numbers<[1], [1], [0], [0], [0, 0, 1, 0], [], []>, transpose_lhs_hint = false} : vector<1x128xf32>, vector<128x128xf32>, vector<1x128xf32> -> vector<1x128xf32>
      %get3A_119 = arith.constant 2 : index
      %get3A_120 = arith.constant 0 : index
      %get3A_121 = arith.constant 0 : index
      %get3A_122 = vector.load %arg13[%get3A_119, %get3A_120, %get3A_121] : memref<10x1x128xf32, #tpu.memory_space<vmem>>, vector<1x1x128xf32>
      %get3A_123 = vector.shape_cast %get3A_122 : vector<1x1x128xf32> to vector<1x128xf32>
      %add3A_124 = arith.addf %dot_general3A_118, %get3A_123 : vector<1x128xf32>
      %get3A_125 = arith.constant 3 : index
      %get3A_126 = arith.constant 0 : index
      %get3A_127 = arith.constant 0 : index
      %get3A_128 = vector.load %arg11[%get3A_125, %get3A_126, %get3A_127] : memref<10x128x128xf32, #tpu.memory_space<vmem>>, vector<1x128x128xf32>
      %get3A_129 = vector.shape_cast %get3A_128 : vector<1x128x128xf32> to vector<128x128xf32>
      %dot_general3A_130 = arith.constant dense<0.000000e+00> : vector<1x128xf32>
      %dot_general3A_131 = tpu.matmul %get3A_85, %get3A_129, %dot_general3A_130 {dimension_numbers = #tpu.dot_dimension_numbers<[1], [1], [0], [0], [0, 0, 1, 0], [], []>, transpose_lhs_hint = false} : vector<1x128xf32>, vector<128x128xf32>, vector<1x128xf32> -> vector<1x128xf32>
      %get3A_132 = arith.constant 3 : index
      %get3A_133 = arith.constant 0 : index
      %get3A_134 = arith.constant 0 : index
      %get3A_135 = vector.load %arg13[%get3A_132, %get3A_133, %get3A_134] : memref<10x1x128xf32, #tpu.memory_space<vmem>>, vector<1x1x128xf32>
      %get3A_136 = vector.shape_cast %get3A_135 : vector<1x1x128xf32> to vector<1x128xf32>
      %add3A_137 = arith.addf %dot_general3A_131, %get3A_136 : vector<1x128xf32>
      %get3A_138 = arith.constant 4 : index
      %get3A_139 = arith.constant 0 : index
      %get3A_140 = arith.constant 0 : index
      %get3A_141 = vector.load %arg11[%get3A_138, %get3A_139, %get3A_140] : memref<10x128x128xf32, #tpu.memory_space<vmem>>, vector<1x128x128xf32>
      %get3A_142 = vector.shape_cast %get3A_141 : vector<1x128x128xf32> to vector<128x128xf32>
      %dot_general3A_143 = arith.constant dense<0.000000e+00> : vector<1x128xf32>
      %dot_general3A_144 = tpu.matmul %get3A_85, %get3A_142, %dot_general3A_143 {dimension_numbers = #tpu.dot_dimension_numbers<[1], [1], [0], [0], [0, 0, 1, 0], [], []>, transpose_lhs_hint = false} : vector<1x128xf32>, vector<128x128xf32>, vector<1x128xf32> -> vector<1x128xf32>
      %get3A_145 = arith.constant 4 : index
      %get3A_146 = arith.constant 0 : index
      %get3A_147 = arith.constant 0 : index
      %get3A_148 = vector.load %arg13[%get3A_145, %get3A_146, %get3A_147] : memref<10x1x128xf32, #tpu.memory_space<vmem>>, vector<1x1x128xf32>
      %get3A_149 = vector.shape_cast %get3A_148 : vector<1x1x128xf32> to vector<1x128xf32>
      %add3A_150 = arith.addf %dot_general3A_144, %get3A_149 : vector<1x128xf32>
      %get3A_151 = arith.constant 5 : index
      %get3A_152 = arith.constant 0 : index
      %get3A_153 = arith.constant 0 : index
      %get3A_154 = vector.load %arg11[%get3A_151, %get3A_152, %get3A_153] : memref<10x128x128xf32, #tpu.memory_space<vmem>>, vector<1x128x128xf32>
      %get3A_155 = vector.shape_cast %get3A_154 : vector<1x128x128xf32> to vector<128x128xf32>
      %dot_general3A_156 = arith.constant dense<0.000000e+00> : vector<1x128xf32>
      %dot_general3A_157 = tpu.matmul %get3A_85, %get3A_155, %dot_general3A_156 {dimension_numbers = #tpu.dot_dimension_numbers<[1], [1], [0], [0], [0, 0, 1, 0], [], []>, transpose_lhs_hint = false} : vector<1x128xf32>, vector<128x128xf32>, vector<1x128xf32> -> vector<1x128xf32>
      %get3A_158 = arith.constant 5 : index
      %get3A_159 = arith.constant 0 : index
      %get3A_160 = arith.constant 0 : index
      %get3A_161 = vector.load %arg13[%get3A_158, %get3A_159, %get3A_160] : memref<10x1x128xf32, #tpu.memory_space<vmem>>, vector<1x1x128xf32>
      %get3A_162 = vector.shape_cast %get3A_161 : vector<1x1x128xf32> to vector<1x128xf32>
      %add3A_163 = arith.addf %dot_general3A_157, %get3A_162 : vector<1x128xf32>
      %get3A_164 = arith.constant 6 : index
      %get3A_165 = arith.constant 0 : index
      %get3A_166 = arith.constant 0 : index
      %get3A_167 = vector.load %arg11[%get3A_164, %get3A_165, %get3A_166] : memref<10x128x128xf32, #tpu.memory_space<vmem>>, vector<1x128x128xf32>
      %get3A_168 = vector.shape_cast %get3A_167 : vector<1x128x128xf32> to vector<128x128xf32>
      %dot_general3A_169 = arith.constant dense<0.000000e+00> : vector<1x128xf32>
      %dot_general3A_170 = tpu.matmul %get3A_85, %get3A_168, %dot_general3A_169 {dimension_numbers = #tpu.dot_dimension_numbers<[1], [1], [0], [0], [0, 0, 1, 0], [], []>, transpose_lhs_hint = false} : vector<1x128xf32>, vector<128x128xf32>, vector<1x128xf32> -> vector<1x128xf32>
      %get3A_171 = arith.constant 6 : index
      %get3A_172 = arith.constant 0 : index
      %get3A_173 = arith.constant 0 : index
      %get3A_174 = vector.load %arg13[%get3A_171, %get3A_172, %get3A_173] : memref<10x1x128xf32, #tpu.memory_space<vmem>>, vector<1x1x128xf32>
      %get3A_175 = vector.shape_cast %get3A_174 : vector<1x1x128xf32> to vector<1x128xf32>
      %add3A_176 = arith.addf %dot_general3A_170, %get3A_175 : vector<1x128xf32>
      %get3A_177 = arith.constant 7 : index
      %get3A_178 = arith.constant 0 : index
      %get3A_179 = arith.constant 0 : index
      %get3A_180 = vector.load %arg11[%get3A_177, %get3A_178, %get3A_179] : memref<10x128x128xf32, #tpu.memory_space<vmem>>, vector<1x128x128xf32>
      %get3A_181 = vector.shape_cast %get3A_180 : vector<1x128x128xf32> to vector<128x128xf32>
      %dot_general3A_182 = arith.constant dense<0.000000e+00> : vector<1x128xf32>
      %dot_general3A_183 = tpu.matmul %get3A_85, %get3A_181, %dot_general3A_182 {dimension_numbers = #tpu.dot_dimension_numbers<[1], [1], [0], [0], [0, 0, 1, 0], [], []>, transpose_lhs_hint = false} : vector<1x128xf32>, vector<128x128xf32>, vector<1x128xf32> -> vector<1x128xf32>
      %get3A_184 = arith.constant 7 : index
      %get3A_185 = arith.constant 0 : index
      %get3A_186 = arith.constant 0 : index
      %get3A_187 = vector.load %arg13[%get3A_184, %get3A_185, %get3A_186] : memref<10x1x128xf32, #tpu.memory_space<vmem>>, vector<1x1x128xf32>
      %get3A_188 = vector.shape_cast %get3A_187 : vector<1x1x128xf32> to vector<1x128xf32>
      %add3A_189 = arith.addf %dot_general3A_183, %get3A_188 : vector<1x128xf32>
      %get3A_190 = arith.constant 8 : index
      %get3A_191 = arith.constant 0 : index
      %get3A_192 = arith.constant 0 : index
      %get3A_193 = vector.load %arg11[%get3A_190, %get3A_191, %get3A_192] : memref<10x128x128xf32, #tpu.memory_space<vmem>>, vector<1x128x128xf32>
      %get3A_194 = vector.shape_cast %get3A_193 : vector<1x128x128xf32> to vector<128x128xf32>
      %dot_general3A_195 = arith.constant dense<0.000000e+00> : vector<1x128xf32>
      %dot_general3A_196 = tpu.matmul %get3A_85, %get3A_194, %dot_general3A_195 {dimension_numbers = #tpu.dot_dimension_numbers<[1], [1], [0], [0], [0, 0, 1, 0], [], []>, transpose_lhs_hint = false} : vector<1x128xf32>, vector<128x128xf32>, vector<1x128xf32> -> vector<1x128xf32>
      %get3A_197 = arith.constant 8 : index
      %get3A_198 = arith.constant 0 : index
      %get3A_199 = arith.constant 0 : index
      %get3A_200 = vector.load %arg13[%get3A_197, %get3A_198, %get3A_199] : memref<10x1x128xf32, #tpu.memory_space<vmem>>, vector<1x1x128xf32>
      %get3A_201 = vector.shape_cast %get3A_200 : vector<1x1x128xf32> to vector<1x128xf32>
      %add3A_202 = arith.addf %dot_general3A_196, %get3A_201 : vector<1x128xf32>
      %get3A_203 = arith.constant 9 : index
      %get3A_204 = arith.constant 0 : index
      %get3A_205 = arith.constant 0 : index
      %get3A_206 = vector.load %arg11[%get3A_203, %get3A_204, %get3A_205] : memref<10x128x128xf32, #tpu.memory_space<vmem>>, vector<1x128x128xf32>
      %get3A_207 = vector.shape_cast %get3A_206 : vector<1x128x128xf32> to vector<128x128xf32>
      %dot_general3A_208 = arith.constant dense<0.000000e+00> : vector<1x128xf32>
      %dot_general3A_209 = tpu.matmul %get3A_85, %get3A_207, %dot_general3A_208 {dimension_numbers = #tpu.dot_dimension_numbers<[1], [1], [0], [0], [0, 0, 1, 0], [], []>, transpose_lhs_hint = false} : vector<1x128xf32>, vector<128x128xf32>, vector<1x128xf32> -> vector<1x128xf32>
      %get3A_210 = arith.constant 9 : index
      %get3A_211 = arith.constant 0 : index
      %get3A_212 = arith.constant 0 : index
      %get3A_213 = vector.load %arg13[%get3A_210, %get3A_211, %get3A_212] : memref<10x1x128xf32, #tpu.memory_space<vmem>>, vector<1x1x128xf32>
      %get3A_214 = vector.shape_cast %get3A_213 : vector<1x1x128xf32> to vector<1x128xf32>
      %add3A_215 = arith.addf %dot_general3A_209, %get3A_214 : vector<1x128xf32>
      %get3A_216 = arith.constant 0 : index
      %get3A_217 = arith.constant 0 : index
      %get3A_218 = arith.constant 0 : index
      %get3A_219 = vector.load %arg12[%get3A_216, %get3A_217, %get3A_218] : memref<10x128x128xf32, #tpu.memory_space<vmem>>, vector<1x128x128xf32>
      %get3A_220 = vector.shape_cast %get3A_219 : vector<1x128x128xf32> to vector<128x128xf32>
      %dot_general3A_221 = arith.constant dense<0.000000e+00> : vector<1x128xf32>
      %dot_general3A_222 = tpu.matmul %get3A_85, %get3A_220, %dot_general3A_221 {dimension_numbers = #tpu.dot_dimension_numbers<[1], [1], [0], [0], [0, 0, 1, 0], [], []>, transpose_lhs_hint = false} : vector<1x128xf32>, vector<128x128xf32>, vector<1x128xf32> -> vector<1x128xf32>
      %get3A_223 = arith.constant 0 : index
      %get3A_224 = arith.constant 0 : index
      %get3A_225 = arith.constant 0 : index
      %get3A_226 = vector.load %arg14[%get3A_223, %get3A_224, %get3A_225] : memref<10x1x128xf32, #tpu.memory_space<vmem>>, vector<1x1x128xf32>
      %get3A_227 = vector.shape_cast %get3A_226 : vector<1x1x128xf32> to vector<1x128xf32>
      %add3A_228 = arith.addf %dot_general3A_222, %get3A_227 : vector<1x128xf32>
      %get3A_229 = arith.constant 1 : index
      %get3A_230 = arith.constant 0 : index
      %get3A_231 = arith.constant 0 : index
      %get3A_232 = vector.load %arg12[%get3A_229, %get3A_230, %get3A_231] : memref<10x128x128xf32, #tpu.memory_space<vmem>>, vector<1x128x128xf32>
      %get3A_233 = vector.shape_cast %get3A_232 : vector<1x128x128xf32> to vector<128x128xf32>
      %dot_general3A_234 = arith.constant dense<0.000000e+00> : vector<1x128xf32>
      %dot_general3A_235 = tpu.matmul %get3A_85, %get3A_233, %dot_general3A_234 {dimension_numbers = #tpu.dot_dimension_numbers<[1], [1], [0], [0], [0, 0, 1, 0], [], []>, transpose_lhs_hint = false} : vector<1x128xf32>, vector<128x128xf32>, vector<1x128xf32> -> vector<1x128xf32>
      %get3A_236 = arith.constant 1 : index
      %get3A_237 = arith.constant 0 : index
      %get3A_238 = arith.constant 0 : index
      %get3A_239 = vector.load %arg14[%get3A_236, %get3A_237, %get3A_238] : memref<10x1x128xf32, #tpu.memory_space<vmem>>, vector<1x1x128xf32>
      %get3A_240 = vector.shape_cast %get3A_239 : vector<1x1x128xf32> to vector<1x128xf32>
      %add3A_241 = arith.addf %dot_general3A_235, %get3A_240 : vector<1x128xf32>
      %get3A_242 = arith.constant 2 : index
      %get3A_243 = arith.constant 0 : index
      %get3A_244 = arith.constant 0 : index
      %get3A_245 = vector.load %arg12[%get3A_242, %get3A_243, %get3A_244] : memref<10x128x128xf32, #tpu.memory_space<vmem>>, vector<1x128x128xf32>
      %get3A_246 = vector.shape_cast %get3A_245 : vector<1x128x128xf32> to vector<128x128xf32>
      %dot_general3A_247 = arith.constant dense<0.000000e+00> : vector<1x128xf32>
      %dot_general3A_248 = tpu.matmul %get3A_85, %get3A_246, %dot_general3A_247 {dimension_numbers = #tpu.dot_dimension_numbers<[1], [1], [0], [0], [0, 0, 1, 0], [], []>, transpose_lhs_hint = false} : vector<1x128xf32>, vector<128x128xf32>, vector<1x128xf32> -> vector<1x128xf32>
      %get3A_249 = arith.constant 2 : index
      %get3A_250 = arith.constant 0 : index
      %get3A_251 = arith.constant 0 : index
      %get3A_252 = vector.load %arg14[%get3A_249, %get3A_250, %get3A_251] : memref<10x1x128xf32, #tpu.memory_space<vmem>>, vector<1x1x128xf32>
      %get3A_253 = vector.shape_cast %get3A_252 : vector<1x1x128xf32> to vector<1x128xf32>
      %add3A_254 = arith.addf %dot_general3A_248, %get3A_253 : vector<1x128xf32>
      %get3A_255 = arith.constant 3 : index
      %get3A_256 = arith.constant 0 : index
      %get3A_257 = arith.constant 0 : index
      %get3A_258 = vector.load %arg12[%get3A_255, %get3A_256, %get3A_257] : memref<10x128x128xf32, #tpu.memory_space<vmem>>, vector<1x128x128xf32>
      %get3A_259 = vector.shape_cast %get3A_258 : vector<1x128x128xf32> to vector<128x128xf32>
      %dot_general3A_260 = arith.constant dense<0.000000e+00> : vector<1x128xf32>
      %dot_general3A_261 = tpu.matmul %get3A_85, %get3A_259, %dot_general3A_260 {dimension_numbers = #tpu.dot_dimension_numbers<[1], [1], [0], [0], [0, 0, 1, 0], [], []>, transpose_lhs_hint = false} : vector<1x128xf32>, vector<128x128xf32>, vector<1x128xf32> -> vector<1x128xf32>
      %get3A_262 = arith.constant 3 : index
      %get3A_263 = arith.constant 0 : index
      %get3A_264 = arith.constant 0 : index
      %get3A_265 = vector.load %arg14[%get3A_262, %get3A_263, %get3A_264] : memref<10x1x128xf32, #tpu.memory_space<vmem>>, vector<1x1x128xf32>
      %get3A_266 = vector.shape_cast %get3A_265 : vector<1x1x128xf32> to vector<1x128xf32>
      %add3A_267 = arith.addf %dot_general3A_261, %get3A_266 : vector<1x128xf32>
      %get3A_268 = arith.constant 4 : index
      %get3A_269 = arith.constant 0 : index
      %get3A_270 = arith.constant 0 : index
      %get3A_271 = vector.load %arg12[%get3A_268, %get3A_269, %get3A_270] : memref<10x128x128xf32, #tpu.memory_space<vmem>>, vector<1x128x128xf32>
      %get3A_272 = vector.shape_cast %get3A_271 : vector<1x128x128xf32> to vector<128x128xf32>
      %dot_general3A_273 = arith.constant dense<0.000000e+00> : vector<1x128xf32>
      %dot_general3A_274 = tpu.matmul %get3A_85, %get3A_272, %dot_general3A_273 {dimension_numbers = #tpu.dot_dimension_numbers<[1], [1], [0], [0], [0, 0, 1, 0], [], []>, transpose_lhs_hint = false} : vector<1x128xf32>, vector<128x128xf32>, vector<1x128xf32> -> vector<1x128xf32>
      %get3A_275 = arith.constant 4 : index
      %get3A_276 = arith.constant 0 : index
      %get3A_277 = arith.constant 0 : index
      %get3A_278 = vector.load %arg14[%get3A_275, %get3A_276, %get3A_277] : memref<10x1x128xf32, #tpu.memory_space<vmem>>, vector<1x1x128xf32>
      %get3A_279 = vector.shape_cast %get3A_278 : vector<1x1x128xf32> to vector<1x128xf32>
      %add3A_280 = arith.addf %dot_general3A_274, %get3A_279 : vector<1x128xf32>
      %get3A_281 = arith.constant 5 : index
      %get3A_282 = arith.constant 0 : index
      %get3A_283 = arith.constant 0 : index
      %get3A_284 = vector.load %arg12[%get3A_281, %get3A_282, %get3A_283] : memref<10x128x128xf32, #tpu.memory_space<vmem>>, vector<1x128x128xf32>
      %get3A_285 = vector.shape_cast %get3A_284 : vector<1x128x128xf32> to vector<128x128xf32>
      %dot_general3A_286 = arith.constant dense<0.000000e+00> : vector<1x128xf32>
      %dot_general3A_287 = tpu.matmul %get3A_85, %get3A_285, %dot_general3A_286 {dimension_numbers = #tpu.dot_dimension_numbers<[1], [1], [0], [0], [0, 0, 1, 0], [], []>, transpose_lhs_hint = false} : vector<1x128xf32>, vector<128x128xf32>, vector<1x128xf32> -> vector<1x128xf32>
      %get3A_288 = arith.constant 5 : index
      %get3A_289 = arith.constant 0 : index
      %get3A_290 = arith.constant 0 : index
      %get3A_291 = vector.load %arg14[%get3A_288, %get3A_289, %get3A_290] : memref<10x1x128xf32, #tpu.memory_space<vmem>>, vector<1x1x128xf32>
      %get3A_292 = vector.shape_cast %get3A_291 : vector<1x1x128xf32> to vector<1x128xf32>
      %add3A_293 = arith.addf %dot_general3A_287, %get3A_292 : vector<1x128xf32>
      %get3A_294 = arith.constant 6 : index
      %get3A_295 = arith.constant 0 : index
      %get3A_296 = arith.constant 0 : index
      %get3A_297 = vector.load %arg12[%get3A_294, %get3A_295, %get3A_296] : memref<10x128x128xf32, #tpu.memory_space<vmem>>, vector<1x128x128xf32>
      %get3A_298 = vector.shape_cast %get3A_297 : vector<1x128x128xf32> to vector<128x128xf32>
      %dot_general3A_299 = arith.constant dense<0.000000e+00> : vector<1x128xf32>
      %dot_general3A_300 = tpu.matmul %get3A_85, %get3A_298, %dot_general3A_299 {dimension_numbers = #tpu.dot_dimension_numbers<[1], [1], [0], [0], [0, 0, 1, 0], [], []>, transpose_lhs_hint = false} : vector<1x128xf32>, vector<128x128xf32>, vector<1x128xf32> -> vector<1x128xf32>
      %get3A_301 = arith.constant 6 : index
      %get3A_302 = arith.constant 0 : index
      %get3A_303 = arith.constant 0 : index
      %get3A_304 = vector.load %arg14[%get3A_301, %get3A_302, %get3A_303] : memref<10x1x128xf32, #tpu.memory_space<vmem>>, vector<1x1x128xf32>
      %get3A_305 = vector.shape_cast %get3A_304 : vector<1x1x128xf32> to vector<1x128xf32>
      %add3A_306 = arith.addf %dot_general3A_300, %get3A_305 : vector<1x128xf32>
      %get3A_307 = arith.constant 7 : index
      %get3A_308 = arith.constant 0 : index
      %get3A_309 = arith.constant 0 : index
      %get3A_310 = vector.load %arg12[%get3A_307, %get3A_308, %get3A_309] : memref<10x128x128xf32, #tpu.memory_space<vmem>>, vector<1x128x128xf32>
      %get3A_311 = vector.shape_cast %get3A_310 : vector<1x128x128xf32> to vector<128x128xf32>
      %dot_general3A_312 = arith.constant dense<0.000000e+00> : vector<1x128xf32>
      %dot_general3A_313 = tpu.matmul %get3A_85, %get3A_311, %dot_general3A_312 {dimension_numbers = #tpu.dot_dimension_numbers<[1], [1], [0], [0], [0, 0, 1, 0], [], []>, transpose_lhs_hint = false} : vector<1x128xf32>, vector<128x128xf32>, vector<1x128xf32> -> vector<1x128xf32>
      %get3A_314 = arith.constant 7 : index
      %get3A_315 = arith.constant 0 : index
      %get3A_316 = arith.constant 0 : index
      %get3A_317 = vector.load %arg14[%get3A_314, %get3A_315, %get3A_316] : memref<10x1x128xf32, #tpu.memory_space<vmem>>, vector<1x1x128xf32>
      %get3A_318 = vector.shape_cast %get3A_317 : vector<1x1x128xf32> to vector<1x128xf32>
      %add3A_319 = arith.addf %dot_general3A_313, %get3A_318 : vector<1x128xf32>
      %get3A_320 = arith.constant 8 : index
      %get3A_321 = arith.constant 0 : index
      %get3A_322 = arith.constant 0 : index
      %get3A_323 = vector.load %arg12[%get3A_320, %get3A_321, %get3A_322] : memref<10x128x128xf32, #tpu.memory_space<vmem>>, vector<1x128x128xf32>
      %get3A_324 = vector.shape_cast %get3A_323 : vector<1x128x128xf32> to vector<128x128xf32>
      %dot_general3A_325 = arith.constant dense<0.000000e+00> : vector<1x128xf32>
      %dot_general3A_326 = tpu.matmul %get3A_85, %get3A_324, %dot_general3A_325 {dimension_numbers = #tpu.dot_dimension_numbers<[1], [1], [0], [0], [0, 0, 1, 0], [], []>, transpose_lhs_hint = false} : vector<1x128xf32>, vector<128x128xf32>, vector<1x128xf32> -> vector<1x128xf32>
      %get3A_327 = arith.constant 8 : index
      %get3A_328 = arith.constant 0 : index
      %get3A_329 = arith.constant 0 : index
      %get3A_330 = vector.load %arg14[%get3A_327, %get3A_328, %get3A_329] : memref<10x1x128xf32, #tpu.memory_space<vmem>>, vector<1x1x128xf32>
      %get3A_331 = vector.shape_cast %get3A_330 : vector<1x1x128xf32> to vector<1x128xf32>
      %add3A_332 = arith.addf %dot_general3A_326, %get3A_331 : vector<1x128xf32>
      %get3A_333 = arith.constant 9 : index
      %get3A_334 = arith.constant 0 : index
      %get3A_335 = arith.constant 0 : index
      %get3A_336 = vector.load %arg12[%get3A_333, %get3A_334, %get3A_335] : memref<10x128x128xf32, #tpu.memory_space<vmem>>, vector<1x128x128xf32>
      %get3A_337 = vector.shape_cast %get3A_336 : vector<1x128x128xf32> to vector<128x128xf32>
      %dot_general3A_338 = arith.constant dense<0.000000e+00> : vector<1x128xf32>
      %dot_general3A_339 = tpu.matmul %get3A_85, %get3A_337, %dot_general3A_338 {dimension_numbers = #tpu.dot_dimension_numbers<[1], [1], [0], [0], [0, 0, 1, 0], [], []>, transpose_lhs_hint = false} : vector<1x128xf32>, vector<128x128xf32>, vector<1x128xf32> -> vector<1x128xf32>
      %get3A_340 = arith.constant 9 : index
      %get3A_341 = arith.constant 0 : index
      %get3A_342 = arith.constant 0 : index
      %get3A_343 = vector.load %arg14[%get3A_340, %get3A_341, %get3A_342] : memref<10x1x128xf32, #tpu.memory_space<vmem>>, vector<1x1x128xf32>
      %get3A_344 = vector.shape_cast %get3A_343 : vector<1x1x128xf32> to vector<1x128xf32>
      %add3A_345 = arith.addf %dot_general3A_339, %get3A_344 : vector<1x128xf32>
      %concatenate3A = tpu.concatenate %add3A_98, %add3A_111, %add3A_124, %add3A_137, %add3A_150, %add3A_163, %add3A_176, %add3A_189, %add3A_202, %add3A_215 in 0 : vector<1x128xf32>, vector<1x128xf32>, vector<1x128xf32>, vector<1x128xf32>, vector<1x128xf32>, vector<1x128xf32>, vector<1x128xf32>, vector<1x128xf32>, vector<1x128xf32>, vector<1x128xf32> -> vector<10x128xf32>
      %concatenate3A_346 = tpu.concatenate %add3A_228, %add3A_241, %add3A_254, %add3A_267, %add3A_280, %add3A_293, %add3A_306, %add3A_319, %add3A_332, %add3A_345 in 0 : vector<1x128xf32>, vector<1x128xf32>, vector<1x128xf32>, vector<1x128xf32>, vector<1x128xf32>, vector<1x128xf32>, vector<1x128xf32>, vector<1x128xf32>, vector<1x128xf32>, vector<1x128xf32> -> vector<10x128xf32>
      %dot_general3A_347 = arith.constant dense<0.000000e+00> : vector<128x128xf32>
      %dot_general3A_348 = tpu.matmul %concatenate3A, %concatenate3A_346, %dot_general3A_347 {dimension_numbers = #tpu.dot_dimension_numbers<[0], [0], [1], [1], [0, 1, 1, 1], [], []>, transpose_lhs_hint = false} : vector<10x128xf32>, vector<10x128xf32>, vector<128x128xf32> -> vector<128x128xf32>
      %get3A_349 = arith.constant 0 : index
      %get3A_350 = arith.constant 0 : index
      %get3A_351 = vector.load %arg15[%get3A_349, %get3A_350] : memref<128x128xf32, #tpu.memory_space<vmem>>, vector<128x128xf32>
      %mul3A_352 = arith.constant 0.316227764 : f32
      %mul3A_353 = vector.broadcast %mul3A_352 : f32 to vector<128x128xf32>
      %mul3A_354 = arith.mulf %dot_general3A_348, %mul3A_353 : vector<128x128xf32>
      %add3A_355 = arith.constant 1.000000e+00 : f32
      %add3A_356 = vector.broadcast %add3A_355 : f32 to vector<128x128xf32>
      %add3A_357 = arith.addf %mul3A_354, %add3A_356 : vector<128x128xf32>
      %mul3A_358 = arith.mulf %get3A_351, %add3A_357 : vector<128x128xf32>
      %mul3A_359 = arith.mulf %mul3A_358, %mul3A_358 : vector<128x128xf32>
      %reduce_sum3A = arith.constant dense<0.000000e+00> : vector<128xf32>
      %reduce_sum3A_360 = vector.multi_reduction <add>, %mul3A_359, %reduce_sum3A [1] : vector<128x128xf32> to vector<128xf32>
      %broadcast_in_dim3A = vector.shape_cast %reduce_sum3A_360 : vector<128xf32> to vector<128x1xf32>
      %sqrt3A = math.sqrt %broadcast_in_dim3A : vector<128x1xf32>
      %add3A_361 = arith.constant 9.99999993E-9 : f32
      %add3A_362 = vector.broadcast %add3A_361 : f32 to vector<128x1xf32>
      %add3A_363 = arith.addf %sqrt3A, %add3A_362 : vector<128x1xf32>
      %div3A = vector.broadcast %add3A_363 : vector<128x1xf32> to vector<128x128xf32>
      %div3A_364 = arith.divf %mul3A_358, %div3A : vector<128x128xf32>
      %swap3A_365 = arith.constant 0 : index
      %swap3A_366 = arith.constant 0 : index
      %swap3A_367 = vector.load %arg24[%swap3A_365, %swap3A_366] : memref<128x128xf32, #tpu.memory_space<vmem>>, vector<128x128xf32>
      tpu.vector_store %arg24[%swap3A_365, %swap3A_366], %div3A_364 {strides = array<i32>} : memref<128x128xf32, #tpu.memory_space<vmem>>, vector<128x128xf32>,
      %get3A_368 = arith.constant 1 : index
      %get3A_369 = arith.constant 0 : index
      %get3A_370 = vector.load %arg10[%get3A_368, %get3A_369] : memref<2x128xf32, #tpu.memory_space<vmem>>, vector<1x128xf32>
      %get3A_371 = arith.constant 0 : index
      %get3A_372 = arith.constant 0 : index
      %get3A_373 = arith.constant 0 : index
      %get3A_374 = vector.load %arg17[%get3A_371, %get3A_372, %get3A_373] : memref<10x128x128xf32, #tpu.memory_space<vmem>>, vector<1x128x128xf32>
      %get3A_375 = vector.shape_cast %get3A_374 : vector<1x128x128xf32> to vector<128x128xf32>
      %dot_general3A_376 = arith.constant dense<0.000000e+00> : vector<1x128xf32>
      %dot_general3A_377 = tpu.matmul %get3A_370, %get3A_375, %dot_general3A_376 {dimension_numbers = #tpu.dot_dimension_numbers<[1], [1], [0], [0], [0, 0, 1, 0], [], []>, transpose_lhs_hint = false} : vector<1x128xf32>, vector<128x128xf32>, vector<1x128xf32> -> vector<1x128xf32>
      %get3A_378 = arith.constant 0 : index
      %get3A_379 = arith.constant 0 : index
      %get3A_380 = arith.constant 0 : index
      %get3A_381 = vector.load %arg19[%get3A_378, %get3A_379, %get3A_380] : memref<10x1x128xf32, #tpu.memory_space<vmem>>, vector<1x1x128xf32>
      %get3A_382 = vector.shape_cast %get3A_381 : vector<1x1x128xf32> to vector<1x128xf32>
      %add3A_383 = arith.addf %dot_general3A_377, %get3A_382 : vector<1x128xf32>
      %get3A_384 = arith.constant 1 : index
      %get3A_385 = arith.constant 0 : index
      %get3A_386 = arith.constant 0 : index
      %get3A_387 = vector.load %arg17[%get3A_384, %get3A_385, %get3A_386] : memref<10x128x128xf32, #tpu.memory_space<vmem>>, vector<1x128x128xf32>
      %get3A_388 = vector.shape_cast %get3A_387 : vector<1x128x128xf32> to vector<128x128xf32>
      %dot_general3A_389 = arith.constant dense<0.000000e+00> : vector<1x128xf32>
      %dot_general3A_390 = tpu.matmul %get3A_370, %get3A_388, %dot_general3A_389 {dimension_numbers = #tpu.dot_dimension_numbers<[1], [1], [0], [0], [0, 0, 1, 0], [], []>, transpose_lhs_hint = false} : vector<1x128xf32>, vector<128x128xf32>, vector<1x128xf32> -> vector<1x128xf32>
      %get3A_391 = arith.constant 1 : index
      %get3A_392 = arith.constant 0 : index
      %get3A_393 = arith.constant 0 : index
      %get3A_394 = vector.load %arg19[%get3A_391, %get3A_392, %get3A_393] : memref<10x1x128xf32, #tpu.memory_space<vmem>>, vector<1x1x128xf32>
      %get3A_395 = vector.shape_cast %get3A_394 : vector<1x1x128xf32> to vector<1x128xf32>
      %add3A_396 = arith.addf %dot_general3A_390, %get3A_395 : vector<1x128xf32>
      %get3A_397 = arith.constant 2 : index
      %get3A_398 = arith.constant 0 : index
      %get3A_399 = arith.constant 0 : index
      %get3A_400 = vector.load %arg17[%get3A_397, %get3A_398, %get3A_399] : memref<10x128x128xf32, #tpu.memory_space<vmem>>, vector<1x128x128xf32>
      %get3A_401 = vector.shape_cast %get3A_400 : vector<1x128x128xf32> to vector<128x128xf32>
      %dot_general3A_402 = arith.constant dense<0.000000e+00> : vector<1x128xf32>
      %dot_general3A_403 = tpu.matmul %get3A_370, %get3A_401, %dot_general3A_402 {dimension_numbers = #tpu.dot_dimension_numbers<[1], [1], [0], [0], [0, 0, 1, 0], [], []>, transpose_lhs_hint = false} : vector<1x128xf32>, vector<128x128xf32>, vector<1x128xf32> -> vector<1x128xf32>
      %get3A_404 = arith.constant 2 : index
      %get3A_405 = arith.constant 0 : index
      %get3A_406 = arith.constant 0 : index
      %get3A_407 = vector.load %arg19[%get3A_404, %get3A_405, %get3A_406] : memref<10x1x128xf32, #tpu.memory_space<vmem>>, vector<1x1x128xf32>
      %get3A_408 = vector.shape_cast %get3A_407 : vector<1x1x128xf32> to vector<1x128xf32>
      %add3A_409 = arith.addf %dot_general3A_403, %get3A_408 : vector<1x128xf32>
      %get3A_410 = arith.constant 3 : index
      %get3A_411 = arith.constant 0 : index
      %get3A_412 = arith.constant 0 : index
      %get3A_413 = vector.load %arg17[%get3A_410, %get3A_411, %get3A_412] : memref<10x128x128xf32, #tpu.memory_space<vmem>>, vector<1x128x128xf32>
      %get3A_414 = vector.shape_cast %get3A_413 : vector<1x128x128xf32> to vector<128x128xf32>
      %dot_general3A_415 = arith.constant dense<0.000000e+00> : vector<1x128xf32>
      %dot_general3A_416 = tpu.matmul %get3A_370, %get3A_414, %dot_general3A_415 {dimension_numbers = #tpu.dot_dimension_numbers<[1], [1], [0], [0], [0, 0, 1, 0], [], []>, transpose_lhs_hint = false} : vector<1x128xf32>, vector<128x128xf32>, vector<1x128xf32> -> vector<1x128xf32>
      %get3A_417 = arith.constant 3 : index
      %get3A_418 = arith.constant 0 : index
      %get3A_419 = arith.constant 0 : index
      %get3A_420 = vector.load %arg19[%get3A_417, %get3A_418, %get3A_419] : memref<10x1x128xf32, #tpu.memory_space<vmem>>, vector<1x1x128xf32>
      %get3A_421 = vector.shape_cast %get3A_420 : vector<1x1x128xf32> to vector<1x128xf32>
      %add3A_422 = arith.addf %dot_general3A_416, %get3A_421 : vector<1x128xf32>
      %get3A_423 = arith.constant 4 : index
      %get3A_424 = arith.constant 0 : index
      %get3A_425 = arith.constant 0 : index
      %get3A_426 = vector.load %arg17[%get3A_423, %get3A_424, %get3A_425] : memref<10x128x128xf32, #tpu.memory_space<vmem>>, vector<1x128x128xf32>
      %get3A_427 = vector.shape_cast %get3A_426 : vector<1x128x128xf32> to vector<128x128xf32>
      %dot_general3A_428 = arith.constant dense<0.000000e+00> : vector<1x128xf32>
      %dot_general3A_429 = tpu.matmul %get3A_370, %get3A_427, %dot_general3A_428 {dimension_numbers = #tpu.dot_dimension_numbers<[1], [1], [0], [0], [0, 0, 1, 0], [], []>, transpose_lhs_hint = false} : vector<1x128xf32>, vector<128x128xf32>, vector<1x128xf32> -> vector<1x128xf32>
      %get3A_430 = arith.constant 4 : index
      %get3A_431 = arith.constant 0 : index
      %get3A_432 = arith.constant 0 : index
      %get3A_433 = vector.load %arg19[%get3A_430, %get3A_431, %get3A_432] : memref<10x1x128xf32, #tpu.memory_space<vmem>>, vector<1x1x128xf32>
      %get3A_434 = vector.shape_cast %get3A_433 : vector<1x1x128xf32> to vector<1x128xf32>
      %add3A_435 = arith.addf %dot_general3A_429, %get3A_434 : vector<1x128xf32>
      %get3A_436 = arith.constant 5 : index
      %get3A_437 = arith.constant 0 : index
      %get3A_438 = arith.constant 0 : index
      %get3A_439 = vector.load %arg17[%get3A_436, %get3A_437, %get3A_438] : memref<10x128x128xf32, #tpu.memory_space<vmem>>, vector<1x128x128xf32>
      %get3A_440 = vector.shape_cast %get3A_439 : vector<1x128x128xf32> to vector<128x128xf32>
      %dot_general3A_441 = arith.constant dense<0.000000e+00> : vector<1x128xf32>
      %dot_general3A_442 = tpu.matmul %get3A_370, %get3A_440, %dot_general3A_441 {dimension_numbers = #tpu.dot_dimension_numbers<[1], [1], [0], [0], [0, 0, 1, 0], [], []>, transpose_lhs_hint = false} : vector<1x128xf32>, vector<128x128xf32>, vector<1x128xf32> -> vector<1x128xf32>
      %get3A_443 = arith.constant 5 : index
      %get3A_444 = arith.constant 0 : index
      %get3A_445 = arith.constant 0 : index
      %get3A_446 = vector.load %arg19[%get3A_443, %get3A_444, %get3A_445] : memref<10x1x128xf32, #tpu.memory_space<vmem>>, vector<1x1x128xf32>
      %get3A_447 = vector.shape_cast %get3A_446 : vector<1x1x128xf32> to vector<1x128xf32>
      %add3A_448 = arith.addf %dot_general3A_442, %get3A_447 : vector<1x128xf32>
      %get3A_449 = arith.constant 6 : index
      %get3A_450 = arith.constant 0 : index
      %get3A_451 = arith.constant 0 : index
      %get3A_452 = vector.load %arg17[%get3A_449, %get3A_450, %get3A_451] : memref<10x128x128xf32, #tpu.memory_space<vmem>>, vector<1x128x128xf32>
      %get3A_453 = vector.shape_cast %get3A_452 : vector<1x128x128xf32> to vector<128x128xf32>
      %dot_general3A_454 = arith.constant dense<0.000000e+00> : vector<1x128xf32>
      %dot_general3A_455 = tpu.matmul %get3A_370, %get3A_453, %dot_general3A_454 {dimension_numbers = #tpu.dot_dimension_numbers<[1], [1], [0], [0], [0, 0, 1, 0], [], []>, transpose_lhs_hint = false} : vector<1x128xf32>, vector<128x128xf32>, vector<1x128xf32> -> vector<1x128xf32>
      %get3A_456 = arith.constant 6 : index
      %get3A_457 = arith.constant 0 : index
      %get3A_458 = arith.constant 0 : index
      %get3A_459 = vector.load %arg19[%get3A_456, %get3A_457, %get3A_458] : memref<10x1x128xf32, #tpu.memory_space<vmem>>, vector<1x1x128xf32>
      %get3A_460 = vector.shape_cast %get3A_459 : vector<1x1x128xf32> to vector<1x128xf32>
      %add3A_461 = arith.addf %dot_general3A_455, %get3A_460 : vector<1x128xf32>
      %get3A_462 = arith.constant 7 : index
      %get3A_463 = arith.constant 0 : index
      %get3A_464 = arith.constant 0 : index
      %get3A_465 = vector.load %arg17[%get3A_462, %get3A_463, %get3A_464] : memref<10x128x128xf32, #tpu.memory_space<vmem>>, vector<1x128x128xf32>
      %get3A_466 = vector.shape_cast %get3A_465 : vector<1x128x128xf32> to vector<128x128xf32>
      %dot_general3A_467 = arith.constant dense<0.000000e+00> : vector<1x128xf32>
      %dot_general3A_468 = tpu.matmul %get3A_370, %get3A_466, %dot_general3A_467 {dimension_numbers = #tpu.dot_dimension_numbers<[1], [1], [0], [0], [0, 0, 1, 0], [], []>, transpose_lhs_hint = false} : vector<1x128xf32>, vector<128x128xf32>, vector<1x128xf32> -> vector<1x128xf32>
      %get3A_469 = arith.constant 7 : index
      %get3A_470 = arith.constant 0 : index
      %get3A_471 = arith.constant 0 : index
      %get3A_472 = vector.load %arg19[%get3A_469, %get3A_470, %get3A_471] : memref<10x1x128xf32, #tpu.memory_space<vmem>>, vector<1x1x128xf32>
      %get3A_473 = vector.shape_cast %get3A_472 : vector<1x1x128xf32> to vector<1x128xf32>
      %add3A_474 = arith.addf %dot_general3A_468, %get3A_473 : vector<1x128xf32>
      %get3A_475 = arith.constant 8 : index
      %get3A_476 = arith.constant 0 : index
      %get3A_477 = arith.constant 0 : index
      %get3A_478 = vector.load %arg17[%get3A_475, %get3A_476, %get3A_477] : memref<10x128x128xf32, #tpu.memory_space<vmem>>, vector<1x128x128xf32>
      %get3A_479 = vector.shape_cast %get3A_478 : vector<1x128x128xf32> to vector<128x128xf32>
      %dot_general3A_480 = arith.constant dense<0.000000e+00> : vector<1x128xf32>
      %dot_general3A_481 = tpu.matmul %get3A_370, %get3A_479, %dot_general3A_480 {dimension_numbers = #tpu.dot_dimension_numbers<[1], [1], [0], [0], [0, 0, 1, 0], [], []>, transpose_lhs_hint = false} : vector<1x128xf32>, vector<128x128xf32>, vector<1x128xf32> -> vector<1x128xf32>
      %get3A_482 = arith.constant 8 : index
      %get3A_483 = arith.constant 0 : index
      %get3A_484 = arith.constant 0 : index
      %get3A_485 = vector.load %arg19[%get3A_482, %get3A_483, %get3A_484] : memref<10x1x128xf32, #tpu.memory_space<vmem>>, vector<1x1x128xf32>
      %get3A_486 = vector.shape_cast %get3A_485 : vector<1x1x128xf32> to vector<1x128xf32>
      %add3A_487 = arith.addf %dot_general3A_481, %get3A_486 : vector<1x128xf32>
      %get3A_488 = arith.constant 9 : index
      %get3A_489 = arith.constant 0 : index
      %get3A_490 = arith.constant 0 : index
      %get3A_491 = vector.load %arg17[%get3A_488, %get3A_489, %get3A_490] : memref<10x128x128xf32, #tpu.memory_space<vmem>>, vector<1x128x128xf32>
      %get3A_492 = vector.shape_cast %get3A_491 : vector<1x128x128xf32> to vector<128x128xf32>
      %dot_general3A_493 = arith.constant dense<0.000000e+00> : vector<1x128xf32>
      %dot_general3A_494 = tpu.matmul %get3A_370, %get3A_492, %dot_general3A_493 {dimension_numbers = #tpu.dot_dimension_numbers<[1], [1], [0], [0], [0, 0, 1, 0], [], []>, transpose_lhs_hint = false} : vector<1x128xf32>, vector<128x128xf32>, vector<1x128xf32> -> vector<1x128xf32>
      %get3A_495 = arith.constant 9 : index
      %get3A_496 = arith.constant 0 : index
      %get3A_497 = arith.constant 0 : index
      %get3A_498 = vector.load %arg19[%get3A_495, %get3A_496, %get3A_497] : memref<10x1x128xf32, #tpu.memory_space<vmem>>, vector<1x1x128xf32>
      %get3A_499 = vector.shape_cast %get3A_498 : vector<1x1x128xf32> to vector<1x128xf32>
      %add3A_500 = arith.addf %dot_general3A_494, %get3A_499 : vector<1x128xf32>
      %get3A_501 = arith.constant 0 : index
      %get3A_502 = arith.constant 0 : index
      %get3A_503 = arith.constant 0 : index
      %get3A_504 = vector.load %arg18[%get3A_501, %get3A_502, %get3A_503] : memref<10x128x128xf32, #tpu.memory_space<vmem>>, vector<1x128x128xf32>
      %get3A_505 = vector.shape_cast %get3A_504 : vector<1x128x128xf32> to vector<128x128xf32>
      %dot_general3A_506 = arith.constant dense<0.000000e+00> : vector<1x128xf32>
      %dot_general3A_507 = tpu.matmul %get3A_370, %get3A_505, %dot_general3A_506 {dimension_numbers = #tpu.dot_dimension_numbers<[1], [1], [0], [0], [0, 0, 1, 0], [], []>, transpose_lhs_hint = false} : vector<1x128xf32>, vector<128x128xf32>, vector<1x128xf32> -> vector<1x128xf32>
      %get3A_508 = arith.constant 0 : index
      %get3A_509 = arith.constant 0 : index
      %get3A_510 = arith.constant 0 : index
      %get3A_511 = vector.load %arg20[%get3A_508, %get3A_509, %get3A_510] : memref<10x1x128xf32, #tpu.memory_space<vmem>>, vector<1x1x128xf32>
      %get3A_512 = vector.shape_cast %get3A_511 : vector<1x1x128xf32> to vector<1x128xf32>
      %add3A_513 = arith.addf %dot_general3A_507, %get3A_512 : vector<1x128xf32>
      %get3A_514 = arith.constant 1 : index
      %get3A_515 = arith.constant 0 : index
      %get3A_516 = arith.constant 0 : index
      %get3A_517 = vector.load %arg18[%get3A_514, %get3A_515, %get3A_516] : memref<10x128x128xf32, #tpu.memory_space<vmem>>, vector<1x128x128xf32>
      %get3A_518 = vector.shape_cast %get3A_517 : vector<1x128x128xf32> to vector<128x128xf32>
      %dot_general3A_519 = arith.constant dense<0.000000e+00> : vector<1x128xf32>
      %dot_general3A_520 = tpu.matmul %get3A_370, %get3A_518, %dot_general3A_519 {dimension_numbers = #tpu.dot_dimension_numbers<[1], [1], [0], [0], [0, 0, 1, 0], [], []>, transpose_lhs_hint = false} : vector<1x128xf32>, vector<128x128xf32>, vector<1x128xf32> -> vector<1x128xf32>
      %get3A_521 = arith.constant 1 : index
      %get3A_522 = arith.constant 0 : index
      %get3A_523 = arith.constant 0 : index
      %get3A_524 = vector.load %arg20[%get3A_521, %get3A_522, %get3A_523] : memref<10x1x128xf32, #tpu.memory_space<vmem>>, vector<1x1x128xf32>
      %get3A_525 = vector.shape_cast %get3A_524 : vector<1x1x128xf32> to vector<1x128xf32>
      %add3A_526 = arith.addf %dot_general3A_520, %get3A_525 : vector<1x128xf32>
      %get3A_527 = arith.constant 2 : index
      %get3A_528 = arith.constant 0 : index
      %get3A_529 = arith.constant 0 : index
      %get3A_530 = vector.load %arg18[%get3A_527, %get3A_528, %get3A_529] : memref<10x128x128xf32, #tpu.memory_space<vmem>>, vector<1x128x128xf32>
      %get3A_531 = vector.shape_cast %get3A_530 : vector<1x128x128xf32> to vector<128x128xf32>
      %dot_general3A_532 = arith.constant dense<0.000000e+00> : vector<1x128xf32>
      %dot_general3A_533 = tpu.matmul %get3A_370, %get3A_531, %dot_general3A_532 {dimension_numbers = #tpu.dot_dimension_numbers<[1], [1], [0], [0], [0, 0, 1, 0], [], []>, transpose_lhs_hint = false} : vector<1x128xf32>, vector<128x128xf32>, vector<1x128xf32> -> vector<1x128xf32>
      %get3A_534 = arith.constant 2 : index
      %get3A_535 = arith.constant 0 : index
      %get3A_536 = arith.constant 0 : index
      %get3A_537 = vector.load %arg20[%get3A_534, %get3A_535, %get3A_536] : memref<10x1x128xf32, #tpu.memory_space<vmem>>, vector<1x1x128xf32>
      %get3A_538 = vector.shape_cast %get3A_537 : vector<1x1x128xf32> to vector<1x128xf32>
      %add3A_539 = arith.addf %dot_general3A_533, %get3A_538 : vector<1x128xf32>
      %get3A_540 = arith.constant 3 : index
      %get3A_541 = arith.constant 0 : index
      %get3A_542 = arith.constant 0 : index
      %get3A_543 = vector.load %arg18[%get3A_540, %get3A_541, %get3A_542] : memref<10x128x128xf32, #tpu.memory_space<vmem>>, vector<1x128x128xf32>
      %get3A_544 = vector.shape_cast %get3A_543 : vector<1x128x128xf32> to vector<128x128xf32>
      %dot_general3A_545 = arith.constant dense<0.000000e+00> : vector<1x128xf32>
      %dot_general3A_546 = tpu.matmul %get3A_370, %get3A_544, %dot_general3A_545 {dimension_numbers = #tpu.dot_dimension_numbers<[1], [1], [0], [0], [0, 0, 1, 0], [], []>, transpose_lhs_hint = false} : vector<1x128xf32>, vector<128x128xf32>, vector<1x128xf32> -> vector<1x128xf32>
      %get3A_547 = arith.constant 3 : index
      %get3A_548 = arith.constant 0 : index
      %get3A_549 = arith.constant 0 : index
      %get3A_550 = vector.load %arg20[%get3A_547, %get3A_548, %get3A_549] : memref<10x1x128xf32, #tpu.memory_space<vmem>>, vector<1x1x128xf32>
      %get3A_551 = vector.shape_cast %get3A_550 : vector<1x1x128xf32> to vector<1x128xf32>
      %add3A_552 = arith.addf %dot_general3A_546, %get3A_551 : vector<1x128xf32>
      %get3A_553 = arith.constant 4 : index
      %get3A_554 = arith.constant 0 : index
      %get3A_555 = arith.constant 0 : index
      %get3A_556 = vector.load %arg18[%get3A_553, %get3A_554, %get3A_555] : memref<10x128x128xf32, #tpu.memory_space<vmem>>, vector<1x128x128xf32>
      %get3A_557 = vector.shape_cast %get3A_556 : vector<1x128x128xf32> to vector<128x128xf32>
      %dot_general3A_558 = arith.constant dense<0.000000e+00> : vector<1x128xf32>
      %dot_general3A_559 = tpu.matmul %get3A_370, %get3A_557, %dot_general3A_558 {dimension_numbers = #tpu.dot_dimension_numbers<[1], [1], [0], [0], [0, 0, 1, 0], [], []>, transpose_lhs_hint = false} : vector<1x128xf32>, vector<128x128xf32>, vector<1x128xf32> -> vector<1x128xf32>
      %get3A_560 = arith.constant 4 : index
      %get3A_561 = arith.constant 0 : index
      %get3A_562 = arith.constant 0 : index
      %get3A_563 = vector.load %arg20[%get3A_560, %get3A_561, %get3A_562] : memref<10x1x128xf32, #tpu.memory_space<vmem>>, vector<1x1x128xf32>
      %get3A_564 = vector.shape_cast %get3A_563 : vector<1x1x128xf32> to vector<1x128xf32>
      %add3A_565 = arith.addf %dot_general3A_559, %get3A_564 : vector<1x128xf32>
      %get3A_566 = arith.constant 5 : index
      %get3A_567 = arith.constant 0 : index
      %get3A_568 = arith.constant 0 : index
      %get3A_569 = vector.load %arg18[%get3A_566, %get3A_567, %get3A_568] : memref<10x128x128xf32, #tpu.memory_space<vmem>>, vector<1x128x128xf32>
      %get3A_570 = vector.shape_cast %get3A_569 : vector<1x128x128xf32> to vector<128x128xf32>
      %dot_general3A_571 = arith.constant dense<0.000000e+00> : vector<1x128xf32>
      %dot_general3A_572 = tpu.matmul %get3A_370, %get3A_570, %dot_general3A_571 {dimension_numbers = #tpu.dot_dimension_numbers<[1], [1], [0], [0], [0, 0, 1, 0], [], []>, transpose_lhs_hint = false} : vector<1x128xf32>, vector<128x128xf32>, vector<1x128xf32> -> vector<1x128xf32>
      %get3A_573 = arith.constant 5 : index
      %get3A_574 = arith.constant 0 : index
      %get3A_575 = arith.constant 0 : index
      %get3A_576 = vector.load %arg20[%get3A_573, %get3A_574, %get3A_575] : memref<10x1x128xf32, #tpu.memory_space<vmem>>, vector<1x1x128xf32>
      %get3A_577 = vector.shape_cast %get3A_576 : vector<1x1x128xf32> to vector<1x128xf32>
      %add3A_578 = arith.addf %dot_general3A_572, %get3A_577 : vector<1x128xf32>
      %get3A_579 = arith.constant 6 : index
      %get3A_580 = arith.constant 0 : index
      %get3A_581 = arith.constant 0 : index
      %get3A_582 = vector.load %arg18[%get3A_579, %get3A_580, %get3A_581] : memref<10x128x128xf32, #tpu.memory_space<vmem>>, vector<1x128x128xf32>
      %get3A_583 = vector.shape_cast %get3A_582 : vector<1x128x128xf32> to vector<128x128xf32>
      %dot_general3A_584 = arith.constant dense<0.000000e+00> : vector<1x128xf32>
      %dot_general3A_585 = tpu.matmul %get3A_370, %get3A_583, %dot_general3A_584 {dimension_numbers = #tpu.dot_dimension_numbers<[1], [1], [0], [0], [0, 0, 1, 0], [], []>, transpose_lhs_hint = false} : vector<1x128xf32>, vector<128x128xf32>, vector<1x128xf32> -> vector<1x128xf32>
      %get3A_586 = arith.constant 6 : index
      %get3A_587 = arith.constant 0 : index
      %get3A_588 = arith.constant 0 : index
      %get3A_589 = vector.load %arg20[%get3A_586, %get3A_587, %get3A_588] : memref<10x1x128xf32, #tpu.memory_space<vmem>>, vector<1x1x128xf32>
      %get3A_590 = vector.shape_cast %get3A_589 : vector<1x1x128xf32> to vector<1x128xf32>
      %add3A_591 = arith.addf %dot_general3A_585, %get3A_590 : vector<1x128xf32>
      %get3A_592 = arith.constant 7 : index
      %get3A_593 = arith.constant 0 : index
      %get3A_594 = arith.constant 0 : index
      %get3A_595 = vector.load %arg18[%get3A_592, %get3A_593, %get3A_594] : memref<10x128x128xf32, #tpu.memory_space<vmem>>, vector<1x128x128xf32>
      %get3A_596 = vector.shape_cast %get3A_595 : vector<1x128x128xf32> to vector<128x128xf32>
      %dot_general3A_597 = arith.constant dense<0.000000e+00> : vector<1x128xf32>
      %dot_general3A_598 = tpu.matmul %get3A_370, %get3A_596, %dot_general3A_597 {dimension_numbers = #tpu.dot_dimension_numbers<[1], [1], [0], [0], [0, 0, 1, 0], [], []>, transpose_lhs_hint = false} : vector<1x128xf32>, vector<128x128xf32>, vector<1x128xf32> -> vector<1x128xf32>
      %get3A_599 = arith.constant 7 : index
      %get3A_600 = arith.constant 0 : index
      %get3A_601 = arith.constant 0 : index
      %get3A_602 = vector.load %arg20[%get3A_599, %get3A_600, %get3A_601] : memref<10x1x128xf32, #tpu.memory_space<vmem>>, vector<1x1x128xf32>
      %get3A_603 = vector.shape_cast %get3A_602 : vector<1x1x128xf32> to vector<1x128xf32>
      %add3A_604 = arith.addf %dot_general3A_598, %get3A_603 : vector<1x128xf32>
      %get3A_605 = arith.constant 8 : index
      %get3A_606 = arith.constant 0 : index
      %get3A_607 = arith.constant 0 : index
      %get3A_608 = vector.load %arg18[%get3A_605, %get3A_606, %get3A_607] : memref<10x128x128xf32, #tpu.memory_space<vmem>>, vector<1x128x128xf32>
      %get3A_609 = vector.shape_cast %get3A_608 : vector<1x128x128xf32> to vector<128x128xf32>
      %dot_general3A_610 = arith.constant dense<0.000000e+00> : vector<1x128xf32>
      %dot_general3A_611 = tpu.matmul %get3A_370, %get3A_609, %dot_general3A_610 {dimension_numbers = #tpu.dot_dimension_numbers<[1], [1], [0], [0], [0, 0, 1, 0], [], []>, transpose_lhs_hint = false} : vector<1x128xf32>, vector<128x128xf32>, vector<1x128xf32> -> vector<1x128xf32>
      %get3A_612 = arith.constant 8 : index
      %get3A_613 = arith.constant 0 : index
      %get3A_614 = arith.constant 0 : index
      %get3A_615 = vector.load %arg20[%get3A_612, %get3A_613, %get3A_614] : memref<10x1x128xf32, #tpu.memory_space<vmem>>, vector<1x1x128xf32>
      %get3A_616 = vector.shape_cast %get3A_615 : vector<1x1x128xf32> to vector<1x128xf32>
      %add3A_617 = arith.addf %dot_general3A_611, %get3A_616 : vector<1x128xf32>
      %get3A_618 = arith.constant 9 : index
      %get3A_619 = arith.constant 0 : index
      %get3A_620 = arith.constant 0 : index
      %get3A_621 = vector.load %arg18[%get3A_618, %get3A_619, %get3A_620] : memref<10x128x128xf32, #tpu.memory_space<vmem>>, vector<1x128x128xf32>
      %get3A_622 = vector.shape_cast %get3A_621 : vector<1x128x128xf32> to vector<128x128xf32>
      %dot_general3A_623 = arith.constant dense<0.000000e+00> : vector<1x128xf32>
      %dot_general3A_624 = tpu.matmul %get3A_370, %get3A_622, %dot_general3A_623 {dimension_numbers = #tpu.dot_dimension_numbers<[1], [1], [0], [0], [0, 0, 1, 0], [], []>, transpose_lhs_hint = false} : vector<1x128xf32>, vector<128x128xf32>, vector<1x128xf32> -> vector<1x128xf32>
      %get3A_625 = arith.constant 9 : index
      %get3A_626 = arith.constant 0 : index
      %get3A_627 = arith.constant 0 : index
      %get3A_628 = vector.load %arg20[%get3A_625, %get3A_626, %get3A_627] : memref<10x1x128xf32, #tpu.memory_space<vmem>>, vector<1x1x128xf32>
      %get3A_629 = vector.shape_cast %get3A_628 : vector<1x1x128xf32> to vector<1x128xf32>
      %add3A_630 = arith.addf %dot_general3A_624, %get3A_629 : vector<1x128xf32>
      %concatenate3A_631 = tpu.concatenate %add3A_383, %add3A_396, %add3A_409, %add3A_422, %add3A_435, %add3A_448, %add3A_461, %add3A_474, %add3A_487, %add3A_500 in 0 : vector<1x128xf32>, vector<1x128xf32>, vector<1x128xf32>, vector<1x128xf32>, vector<1x128xf32>, vector<1x128xf32>, vector<1x128xf32>, vector<1x128xf32>, vector<1x128xf32>, vector<1x128xf32> -> vector<10x128xf32>
      %concatenate3A_632 = tpu.concatenate %add3A_513, %add3A_526, %add3A_539, %add3A_552, %add3A_565, %add3A_578, %add3A_591, %add3A_604, %add3A_617, %add3A_630 in 0 : vector<1x128xf32>, vector<1x128xf32>, vector<1x128xf32>, vector<1x128xf32>, vector<1x128xf32>, vector<1x128xf32>, vector<1x128xf32>, vector<1x128xf32>, vector<1x128xf32>, vector<1x128xf32> -> vector<10x128xf32>
      %dot_general3A_633 = arith.constant dense<0.000000e+00> : vector<128x128xf32>
      %dot_general3A_634 = tpu.matmul %concatenate3A_631, %concatenate3A_632, %dot_general3A_633 {dimension_numbers = #tpu.dot_dimension_numbers<[0], [0], [1], [1], [0, 1, 1, 1], [], []>, transpose_lhs_hint = false} : vector<10x128xf32>, vector<10x128xf32>, vector<128x128xf32> -> vector<128x128xf32>
      %get3A_635 = arith.constant 0 : index
      %get3A_636 = arith.constant 0 : index
      %get3A_637 = vector.load %arg21[%get3A_635, %get3A_636] : memref<128x128xf32, #tpu.memory_space<vmem>>, vector<128x128xf32>
      %mul3A_638 = arith.constant 0.316227764 : f32
      %mul3A_639 = vector.broadcast %mul3A_638 : f32 to vector<128x128xf32>
      %mul3A_640 = arith.mulf %dot_general3A_634, %mul3A_639 : vector<128x128xf32>
      %add3A_641 = arith.constant 1.000000e+00 : f32
      %add3A_642 = vector.broadcast %add3A_641 : f32 to vector<128x128xf32>
      %add3A_643 = arith.addf %mul3A_640, %add3A_642 : vector<128x128xf32>
      %mul3A_644 = arith.mulf %get3A_637, %add3A_643 : vector<128x128xf32>
      %mul3A_645 = arith.mulf %mul3A_644, %mul3A_644 : vector<128x128xf32>
      %reduce_sum3A_646 = arith.constant dense<0.000000e+00> : vector<128xf32>
      %reduce_sum3A_647 = vector.multi_reduction <add>, %mul3A_645, %reduce_sum3A_646 [1] : vector<128x128xf32> to vector<128xf32>
      %broadcast_in_dim3A_648 = vector.shape_cast %reduce_sum3A_647 : vector<128xf32> to vector<128x1xf32>
      %sqrt3A_649 = math.sqrt %broadcast_in_dim3A_648 : vector<128x1xf32>
      %add3A_650 = arith.constant 9.99999993E-9 : f32
      %add3A_651 = vector.broadcast %add3A_650 : f32 to vector<128x1xf32>
      %add3A_652 = arith.addf %sqrt3A_649, %add3A_651 : vector<128x1xf32>
      %div3A_653 = vector.broadcast %add3A_652 : vector<128x1xf32> to vector<128x128xf32>
      %div3A_654 = arith.divf %mul3A_644, %div3A_653 : vector<128x128xf32>
      %swap3A_655 = arith.constant 0 : index
      %swap3A_656 = arith.constant 0 : index
      %swap3A_657 = vector.load %arg25[%swap3A_655, %swap3A_656] : memref<128x128xf32, #tpu.memory_space<vmem>>, vector<128x128xf32>
      tpu.vector_store %arg25[%swap3A_655, %swap3A_656], %div3A_654 {strides = array<i32>} : memref<128x128xf32, #tpu.memory_space<vmem>>, vector<128x128xf32>,
    } else {
    }
    %get3A = arith.constant 0 : index
    %get3A_2 = arith.constant 0 : index
    %get3A_3 = arith.constant 0 : index
    %get3A_4 = vector.load %arg1[%get3A, %get3A_2, %get3A_3] : memref<2x1000x128xf32, #tpu.memory_space<vmem>>, vector<1x1000x128xf32>
    %get3A_5 = vector.shape_cast %get3A_4 : vector<1x1000x128xf32> to vector<1000x128xf32>
    %get3A_6 = arith.constant 1 : index
    %get3A_7 = arith.constant 0 : index
    %get3A_8 = arith.constant 0 : index
    %get3A_9 = vector.load %arg1[%get3A_6, %get3A_7, %get3A_8] : memref<2x1000x128xf32, #tpu.memory_space<vmem>>, vector<1x1000x128xf32>
    %get3A_10 = vector.shape_cast %get3A_9 : vector<1x1000x128xf32> to vector<1000x128xf32>
    %add3A = arith.addf %get3A_5, %get3A_10 : vector<1000x128xf32>
    %get3A_11 = arith.constant 0 : index
    %get3A_12 = arith.constant 0 : index
    %get3A_13 = vector.load %arg3[%get3A_11, %get3A_12] : memref<1x128xf32, #tpu.memory_space<vmem>>, vector<1x128xf32>
    %add3A_14 = vector.broadcast %get3A_13 : vector<1x128xf32> to vector<1000x128xf32>
    %add3A_15 = arith.addf %add3A, %add3A_14 : vector<1000x128xf32>
    %get3A_16 = arith.constant 0 : index
    %get3A_17 = arith.constant 0 : index
    %get3A_18 = vector.load %arg4[%get3A_16, %get3A_17] : memref<128x128xf32, #tpu.memory_space<vmem>>, vector<128x128xf32>
    %dot_general3A = arith.constant dense<0.000000e+00> : vector<1000x128xf32>
    %dot_general3A_19 = tpu.matmul %add3A_15, %get3A_18, %dot_general3A {dimension_numbers = #tpu.dot_dimension_numbers<[1], [1], [0], [0], [0, 0, 1, 0], [], []>, transpose_lhs_hint = false} : vector<1000x128xf32>, vector<128x128xf32>, vector<1000x128xf32> -> vector<1000x128xf32>
    %add3A_20 = arith.addf %add3A_15, %dot_general3A_19 : vector<1000x128xf32>
    %get3A_21 = arith.constant 0 : index
    %get3A_22 = arith.constant 0 : index
    %get3A_23 = vector.load %arg5[%get3A_21, %get3A_22] : memref<1x128xf32, #tpu.memory_space<vmem>>, vector<1x128xf32>
    %add3A_24 = vector.broadcast %get3A_23 : vector<1x128xf32> to vector<1000x128xf32>
    %add3A_25 = arith.addf %add3A_20, %add3A_24 : vector<1000x128xf32>
    %get3A_26 = arith.constant 0 : index
    %get3A_27 = arith.constant 0 : index
    %get3A_28 = vector.load %arg2[%get3A_26, %get3A_27] : memref<1000x128xf32, #tpu.memory_space<vmem>>, vector<1000x128xf32>
    %get3A_29 = arith.constant 0 : index
    %get3A_30 = arith.constant 0 : index
    %get3A_31 = vector.load %arg6[%get3A_29, %get3A_30] : memref<128x128xf32, #tpu.memory_space<vmem>>, vector<128x128xf32>
    %dot_general3A_32 = arith.constant dense<0.000000e+00> : vector<1000x128xf32>
    %dot_general3A_33 = tpu.matmul %get3A_28, %get3A_31, %dot_general3A_32 {dimension_numbers = #tpu.dot_dimension_numbers<[1], [1], [0], [0], [0, 0, 1, 0], [], []>, transpose_lhs_hint = false} : vector<1000x128xf32>, vector<128x128xf32>, vector<1000x128xf32> -> vector<1000x128xf32>
    %get3A_34 = arith.constant 0 : index
    %get3A_35 = arith.constant 0 : index
    %get3A_36 = vector.load %arg7[%get3A_34, %get3A_35] : memref<1x128xf32, #tpu.memory_space<vmem>>, vector<1x128xf32>
    %add3A_37 = vector.broadcast %get3A_36 : vector<1x128xf32> to vector<1000x128xf32>
    %add3A_38 = arith.addf %dot_general3A_33, %add3A_37 : vector<1000x128xf32>
    %add3A_39 = arith.addf %add3A_25, %add3A_38 : vector<1000x128xf32>
    %get3A_40 = arith.constant 0 : index
    %get3A_41 = arith.constant 0 : index
    %get3A_42 = vector.load %arg8[%get3A_40, %get3A_41] : memref<128x128xf32, #tpu.memory_space<vmem>>, vector<128x128xf32>
    %dot_general3A_43 = arith.constant dense<0.000000e+00> : vector<1000x128xf32>
    %dot_general3A_44 = tpu.matmul %add3A_38, %get3A_42, %dot_general3A_43 {dimension_numbers = #tpu.dot_dimension_numbers<[1], [1], [0], [0], [0, 0, 1, 0], [], []>, transpose_lhs_hint = false} : vector<1000x128xf32>, vector<128x128xf32>, vector<1000x128xf32> -> vector<1000x128xf32>
    %add3A_45 = arith.addf %add3A_39, %dot_general3A_44 : vector<1000x128xf32>
    %get3A_46 = arith.constant 0 : index
    %get3A_47 = arith.constant 0 : index
    %get3A_48 = vector.load %arg9[%get3A_46, %get3A_47] : memref<1x128xf32, #tpu.memory_space<vmem>>, vector<1x128xf32>
    %add3A_49 = vector.broadcast %get3A_48 : vector<1x128xf32> to vector<1000x128xf32>
    %add3A_50 = arith.addf %add3A_45, %add3A_49 : vector<1000x128xf32>
    %mul3A = arith.constant 0.00999999977 : f32
    %mul3A_51 = vector.broadcast %mul3A : f32 to vector<1000x128xf32>
    %mul3A_52 = arith.mulf %mul3A_51, %add3A_50 : vector<1000x128xf32>
    %max3A = arith.maximumf %add3A_50, %mul3A_52 : vector<1000x128xf32>
    %get3A_53 = arith.constant 0 : index
    %get3A_54 = arith.constant 0 : index
    %get3A_55 = vector.load %arg24[%get3A_53, %get3A_54] : memref<128x128xf32, #tpu.memory_space<vmem>>, vector<128x128xf32>
    %dot_general3A_56 = arith.constant dense<0.000000e+00> : vector<1000x128xf32>
    %dot_general3A_57 = tpu.matmul %max3A, %get3A_55, %dot_general3A_56 {dimension_numbers = #tpu.dot_dimension_numbers<[1], [1], [0], [0], [0, 0, 1, 0], [], []>, transpose_lhs_hint = false} : vector<1000x128xf32>, vector<128x128xf32>, vector<1000x128xf32> -> vector<1000x128xf32>
    %get3A_58 = arith.constant 0 : index
    %get3A_59 = arith.constant 0 : index
    %get3A_60 = vector.load %arg16[%get3A_58, %get3A_59] : memref<1x128xf32, #tpu.memory_space<vmem>>, vector<1x128xf32>
    %add3A_61 = vector.broadcast %get3A_60 : vector<1x128xf32> to vector<1000x128xf32>
    %add3A_62 = arith.addf %dot_general3A_57, %add3A_61 : vector<1000x128xf32>
    %mul3A_63 = arith.constant 0.00999999977 : f32
    %mul3A_64 = vector.broadcast %mul3A_63 : f32 to vector<1000x128xf32>
    %mul3A_65 = arith.mulf %mul3A_64, %add3A_62 : vector<1000x128xf32>
    %max3A_66 = arith.maximumf %add3A_62, %mul3A_65 : vector<1000x128xf32>
    %get3A_67 = arith.constant 0 : index
    %get3A_68 = arith.constant 0 : index
    %get3A_69 = vector.load %arg25[%get3A_67, %get3A_68] : memref<128x128xf32, #tpu.memory_space<vmem>>, vector<128x128xf32>
    %dot_general3A_70 = arith.constant dense<0.000000e+00> : vector<1000x128xf32>
    %dot_general3A_71 = tpu.matmul %max3A_66, %get3A_69, %dot_general3A_70 {dimension_numbers = #tpu.dot_dimension_numbers<[1], [1], [0], [0], [0, 0, 1, 0], [], []>, transpose_lhs_hint = false} : vector<1000x128xf32>, vector<128x128xf32>, vector<1000x128xf32> -> vector<1000x128xf32>
    %get3A_72 = arith.constant 0 : index
    %get3A_73 = arith.constant 0 : index
    %get3A_74 = vector.load %arg22[%get3A_72, %get3A_73] : memref<1x128xf32, #tpu.memory_space<vmem>>, vector<1x128xf32>
    %add3A_75 = vector.broadcast %get3A_74 : vector<1x128xf32> to vector<1000x128xf32>
    %add3A_76 = arith.addf %dot_general3A_71, %add3A_75 : vector<1000x128xf32>
    %mul3A_77 = arith.constant 0.00999999977 : f32
    %mul3A_78 = vector.broadcast %mul3A_77 : f32 to vector<1000x128xf32>
    %mul3A_79 = arith.mulf %mul3A_78, %add3A_76 : vector<1000x128xf32>
    %max3A_80 = arith.maximumf %add3A_76, %mul3A_79 : vector<1000x128xf32>
    %swap3A = arith.constant 0 : index
    %swap3A_81 = arith.constant 0 : index
    %swap3A_82 = vector.load %arg23[%swap3A, %swap3A_81] : memref<1000x128xf32, #tpu.memory_space<vmem>>, vector<1000x128xf32>
    tpu.vector_store %arg23[%swap3A, %swap3A_81], %max3A_80 {strides = array<i32>} : memref<1000x128xf32, #tpu.memory_space<vmem>>, vector<1000x128xf32>,
    return
  }
  func.func @transform_0(%arg0: i32) -> (i32, i32, i32) {
    %c0_i32 = arith.constant 0 : i32
    %c0_i32_0 = arith.constant 0 : i32
    %c0_i32_1 = arith.constant 0 : i32
    return %c0_i32, %arg0, %c0_i32_0 : i32, i32, i32
  }
  func.func @transform_1(%arg0: i32) -> (i32, i32) {
    %c0_i32 = arith.constant 0 : i32
    %c0_i32_0 = arith.constant 0 : i32
    return %arg0, %c0_i32 : i32, i32
  }
  func.func @transform_2(%arg0: i32) -> (i32, i32) {
    %c0_i32 = arith.constant 0 : i32
    %c0_i32_0 = arith.constant 0 : i32
    %c0_i32_1 = arith.constant 0 : i32
    return %c0_i32, %c0_i32_0 : i32, i32
  }
  func.func @transform_3(%arg0: i32) -> (i32, i32) {
    %c0_i32 = arith.constant 0 : i32
    %c0_i32_0 = arith.constant 0 : i32
    %c0_i32_1 = arith.constant 0 : i32
    return %c0_i32, %c0_i32_0 : i32, i32
  }
  func.func @transform_4(%arg0: i32) -> (i32, i32) {
    %c0_i32 = arith.constant 0 : i32
    %c0_i32_0 = arith.constant 0 : i32
    %c0_i32_1 = arith.constant 0 : i32
    return %c0_i32, %c0_i32_0 : i32, i32
  }
  func.func @transform_5(%arg0: i32) -> (i32, i32) {
    %c0_i32 = arith.constant 0 : i32
    %c0_i32_0 = arith.constant 0 : i32
    %c0_i32_1 = arith.constant 0 : i32
    return %c0_i32, %c0_i32_0 : i32, i32
  }
  func.func @transform_6(%arg0: i32) -> (i32, i32) {
    %c0_i32 = arith.constant 0 : i32
    %c0_i32_0 = arith.constant 0 : i32
    %c0_i32_1 = arith.constant 0 : i32
    return %c0_i32, %c0_i32_0 : i32, i32
  }
  func.func @transform_7(%arg0: i32) -> (i32, i32) {
    %c0_i32 = arith.constant 0 : i32
    %c0_i32_0 = arith.constant 0 : i32
    %c0_i32_1 = arith.constant 0 : i32
    return %c0_i32, %c0_i32_0 : i32, i32
  }
  func.func @transform_8(%arg0: i32) -> (i32, i32) {
    %c0_i32 = arith.constant 0 : i32
    %c0_i32_0 = arith.constant 0 : i32
    %c0_i32_1 = arith.constant 0 : i32
    return %c0_i32, %c0_i32_0 : i32, i32
  }
  func.func @transform_9(%arg0: i32) -> (i32, i32) {
    %c0_i32 = arith.constant 0 : i32
    %c0_i32_0 = arith.constant 0 : i32
    %c0_i32_1 = arith.constant 0 : i32
    return %c0_i32, %c0_i32_0 : i32, i32
  }
  func.func @transform_10(%arg0: i32) -> (i32, i32, i32) {
    %c0_i32 = arith.constant 0 : i32
    %c0_i32_0 = arith.constant 0 : i32
    %c0_i32_1 = arith.constant 0 : i32
    %c0_i32_2 = arith.constant 0 : i32
    return %c0_i32, %c0_i32_0, %c0_i32_1 : i32, i32, i32
  }
  func.func @transform_11(%arg0: i32) -> (i32, i32, i32) {
    %c0_i32 = arith.constant 0 : i32
    %c0_i32_0 = arith.constant 0 : i32
    %c0_i32_1 = arith.constant 0 : i32
    %c0_i32_2 = arith.constant 0 : i32
    return %c0_i32, %c0_i32_0, %c0_i32_1 : i32, i32, i32
  }
  func.func @transform_12(%arg0: i32) -> (i32, i32, i32) {
    %c0_i32 = arith.constant 0 : i32
    %c0_i32_0 = arith.constant 0 : i32
    %c0_i32_1 = arith.constant 0 : i32
    %c0_i32_2 = arith.constant 0 : i32
    return %c0_i32, %c0_i32_0, %c0_i32_1 : i32, i32, i32
  }
  func.func @transform_13(%arg0: i32) -> (i32, i32, i32) {
    %c0_i32 = arith.constant 0 : i32
    %c0_i32_0 = arith.constant 0 : i32
    %c0_i32_1 = arith.constant 0 : i32
    %c0_i32_2 = arith.constant 0 : i32
    return %c0_i32, %c0_i32_0, %c0_i32_1 : i32, i32, i32
  }
  func.func @transform_14(%arg0: i32) -> (i32, i32) {
    %c0_i32 = arith.constant 0 : i32
    %c0_i32_0 = arith.constant 0 : i32
    %c0_i32_1 = arith.constant 0 : i32
    return %c0_i32, %c0_i32_0 : i32, i32
  }
  func.func @transform_15(%arg0: i32) -> (i32, i32) {
    %c0_i32 = arith.constant 0 : i32
    %c0_i32_0 = arith.constant 0 : i32
    %c0_i32_1 = arith.constant 0 : i32
    return %c0_i32, %c0_i32_0 : i32, i32
  }
  func.func @transform_16(%arg0: i32) -> (i32, i32, i32) {
    %c0_i32 = arith.constant 0 : i32
    %c0_i32_0 = arith.constant 0 : i32
    %c0_i32_1 = arith.constant 0 : i32
    %c0_i32_2 = arith.constant 0 : i32
    return %c0_i32, %c0_i32_0, %c0_i32_1 : i32, i32, i32
  }
  func.func @transform_17(%arg0: i32) -> (i32, i32, i32) {
    %c0_i32 = arith.constant 0 : i32
    %c0_i32_0 = arith.constant 0 : i32
    %c0_i32_1 = arith.constant 0 : i32
    %c0_i32_2 = arith.constant 0 : i32
    return %c0_i32, %c0_i32_0, %c0_i32_1 : i32, i32, i32
  }
  func.func @transform_18(%arg0: i32) -> (i32, i32, i32) {
    %c0_i32 = arith.constant 0 : i32
    %c0_i32_0 = arith.constant 0 : i32
    %c0_i32_1 = arith.constant 0 : i32
    %c0_i32_2 = arith.constant 0 : i32
    return %c0_i32, %c0_i32_0, %c0_i32_1 : i32, i32, i32
  }
  func.func @transform_19(%arg0: i32) -> (i32, i32, i32) {
    %c0_i32 = arith.constant 0 : i32
    %c0_i32_0 = arith.constant 0 : i32
    %c0_i32_1 = arith.constant 0 : i32
    %c0_i32_2 = arith.constant 0 : i32
    return %c0_i32, %c0_i32_0, %c0_i32_1 : i32, i32, i32
  }
  func.func @transform_20(%arg0: i32) -> (i32, i32) {
    %c0_i32 = arith.constant 0 : i32
    %c0_i32_0 = arith.constant 0 : i32
    %c0_i32_1 = arith.constant 0 : i32
    return %c0_i32, %c0_i32_0 : i32, i32
  }
  func.func @transform_21(%arg0: i32) -> (i32, i32) {
    %c0_i32 = arith.constant 0 : i32
    %c0_i32_0 = arith.constant 0 : i32
    %c0_i32_1 = arith.constant 0 : i32
    return %c0_i32, %c0_i32_0 : i32, i32
  }
  func.func @transform_22(%arg0: i32) -> (i32, i32) {
    %c0_i32 = arith.constant 0 : i32
    %c0_i32_0 = arith.constant 0 : i32
    return %arg0, %c0_i32 : i32, i32
  }
}

</mosaic_0001>

<sc_bundles>
// kernel: kernel.4.cloned.1.call-start
scs
__scs_entry_jumppad:
0x0: {  	(pc) =	sbr.rel $0x88, $3  }
0x1: {  	(tag) =	ssettag $0x0;
	lr =	simm.s32 $0x1  }
0x2: {  	[smem:$0x3F8E] =	sst lr;
	_ =	strace $0xD0000000  }
0x3: {  	_ = 	snop  }
0x4: {  	_ = 	snop  }
0x5: {  	_ = 	snop  }
0x6: {  	_ = 	snop  }
0x7: {  	_ = 	snop  }
__scs_overlays_trampoline_lowered:
0x8: {  	[smem:$0x3F9D] =	sst s0  }
0x9: {  	[smem:$0x3F9E] =	sst s1  }
0xa: {  	[smem:$0x3F9F] =	sst s2  }
0xb: {  	[smem:$0x3FA0] =	sst s3  }
0xc: {  	[smem:$0x3FA1] =	sst s4  }
0xd: {  	[smem:$0x3FA2] =	sst s5  }
0xe: {  	[smem:$0x3FA3] =	sst s6  }
0xf: {  	[smem:$0x3FA4] =	sst s7  }
0x10: {  	[smem:$0x3FA5] =	sst s8  }
0x11: {  	[smem:$0x3FA6] =	sst s9;
	s0 =	simm.s32 @!p0 $0x0  }
0x12: {  	s1 =	sld [smem:$0x3F8C];
	s0 =	simm.s32 @p0 $0x1  }
0x13: {  	[smem:$0x3FA7] =	sst s0;
	s0 =	simm.s32 @!p1 $0x0  }
0x14: {  	s2 =	sld [smem:$0x3F8B];
	s0 =	simm.s32 @p1 $0x1  }
0x15: {  	[smem:$0x3FA8] =	sst s0;
	s0 =	simm.s32 @!p2 $0x0  }
0x16: {  	s3 =	sld [smem:$0x3FDB];
	s0 =	simm.s32 @p2 $0x1  }
0x17: {  	s4 =	simm.s32 $0x1BF5;
	[smem:$0x3FAA] =	sst s0  }
0x18: {  	s0 =	sld [smem:$0x3F8D];
	_ =	swait.ge [sflag:s4], $0x0  }
0x19: {  	s7 =	sld [smem:$0x3F8E]  }
0x1a: {  	s8 =	sadd.s32 $0xFFFFE003, lr  }
0x1b: {  	s9 =	sadd.s32 $0xFFFFFEF7, lr;
	s5 =	simm.s32 $0xFFFFFFFF;
	p2 =	slt.u32 s8, $0xFFFFF086  }
0x1c: {  	p1 =	slt.u32 s9, $0xF7A;
	s5 =	simm.s32 @!p2 $0x0  }
0x1d: {  	s5 =	simm.s32 @p1 $0x1;
	p0 =	seq.s32 s7, s2  }
0x1e: {  	s7 =	smul.u32 @!p0 $0xF7A, s2;
	p2 =	seq.s32 @!p0 s5, $0x0  }
0x1f: {  	s9 =	smul.u32 $0xF7A, s1;
	s8 =	simm.s32 @!p0 $0x1BF5;
	p2 =	por !p2, p0  }
0x20: {  	[sflag:s8] =	ssyncset.s32 @!p0 $0xFFFFF086;
	s6 =	sadd.s32 @!p0 s3, s7;
	s7 =	simm.s32 @!p0 $0x108  }
0x21: {  	s3 =	sadd.s32 s3, s9;
	s6 =	sadd.s32 @!p0 $0x88, s6;
	s7 =	simm.s32 @p2 $0x1082  }
0x22: {  	[simem:s7], [sflag:s8] =	dma.local @!p0 [hbm:s6], $0xF7A  }
0x23: {  	s9 =	sor.u32 $0xD0000000, s2;
	s6 =	simm.s32 $0x108;
	_ =	swait.ge @!p0 [sflag:s8], $0x0  }
0x24: {  	s3 =	sadd.s32 $0x88, s3;
	s6 =	simm.s32 @!p1 $0x1082;
	[sflag:s4] =	ssyncset.s32 $0xFFFFF086  }
0x25: {  	[simem:s6], [sflag:s4] =	dma.local [hbm:s3], $0xF7A  }
0x26: {  	[smem:$0x3F8E] =	sst s1;
	(tag) =	ssettag s2;
	_ =	strace s9  }
0x27: {  	s1 =	sld [smem:$0x3F9E]  }
0x28: {  	s2 =	sld [smem:$0x3F9F]  }
0x29: {  	s4 =	sld [smem:$0x3FA1]  }
0x2a: {  	p0 =	seq.s32 s5, $0x0;
	s5 =	sld [smem:$0x3FA2]  }
0x2b: {  	s6 =	sld [smem:$0x3FA3]  }
0x2c: {  	s7 =	sld [smem:$0x3FA4]  }
0x2d: {  	s3 =	simm.s32 $0x108;
	s8 =	sld [smem:$0x3FA5]  }
0x2e: {  	s3 =	simm.s32 @!p0 $0x1082;
	s9 =	sld [smem:$0x3FA6]  }
0x2f: {  	lr =	sadd.s32 s0, s3;
	s0 =	sld [smem:$0x3F9D]  }
0x30: {  	s3 =	sld [smem:$0x3FA0]  }
0x31: {  	[smem:$0x3FA9] =	sst s10  }
0x32: {  	s10 =	sld [smem:$0x3FA7];
	_ =	sdelay $0x3  }
0x33: {  	p0 =	seq.s32 s10, $0x1;
	s10 =	sld [smem:$0x3FA9];
	_ =	sdelay $0x3  }
0x34: {  	[smem:$0x3FA9] =	sst s10  }
0x35: {  	s10 =	sld [smem:$0x3FA8];
	_ =	sdelay $0x3  }
0x36: {  	p1 =	seq.s32 s10, $0x1;
	s10 =	sld [smem:$0x3FA9];
	_ =	sdelay $0x3  }
0x37: {  	[smem:$0x3FA9] =	sst s10  }
0x38: {  	s10 =	sld [smem:$0x3FAA]  }
0x39: {  	_ = 	snop;
	(pc) =	sbr.ind lr, $3  }
0x3a: {  	_ = 	snop  }
0x3b: {  	_ = 	snop  }
0x3c: {  	p2 =	seq.s32 s10, $0x1;
	s10 =	sld [smem:$0x3FA9]  }
0x3d: {  	_ =	shalt  }
0x3e: {  	_ =	shalt  }
0x3f: {  	_ =	shalt  }
0x40: {  	_ =	shalt  }
0x41: {  	_ =	shalt  }
0x42: {  	_ =	shalt  }
0x43: {  	_ =	shalt  }
0x44: {  	_ =	shalt  }
0x45: {  	_ =	shalt  }
0x46: {  	_ =	shalt  }
0x47: {  	_ =	shalt  }
0x48: {  	_ =	shalt  }
0x49: {  	_ =	shalt  }
0x4a: {  	_ =	shalt  }
0x4b: {  	_ =	shalt  }
0x4c: {  	_ =	shalt  }
0x4d: {  	_ =	shalt  }
0x4e: {  	_ =	shalt  }
0x4f: {  	_ =	shalt  }
0x50: {  	_ =	shalt  }
0x51: {  	_ =	shalt  }
0x52: {  	_ =	shalt  }
0x53: {  	_ =	shalt  }
0x54: {  	_ =	shalt  }
0x55: {  	_ =	shalt  }
0x56: {  	_ =	shalt  }
0x57: {  	_ =	shalt  }
0x58: {  	_ =	shalt  }
0x59: {  	_ =	shalt  }
0x5a: {  	_ =	shalt  }
0x5b: {  	_ =	shalt  }
0x5c: {  	_ =	shalt  }
0x5d: {  	_ =	shalt  }
0x5e: {  	_ =	shalt  }
0x5f: {  	_ =	shalt  }
0x60: {  	_ =	shalt  }
0x61: {  	_ =	shalt  }
0x62: {  	_ =	shalt  }
0x63: {  	_ =	shalt  }
0x64: {  	_ =	shalt  }
0x65: {  	_ =	shalt  }
0x66: {  	_ =	shalt  }
0x67: {  	_ =	shalt  }
0x68: {  	_ =	shalt  }
0x69: {  	_ =	shalt  }
0x6a: {  	_ =	shalt  }
0x6b: {  	_ =	shalt  }
0x6c: {  	_ =	shalt  }
0x6d: {  	_ =	shalt  }
0x6e: {  	_ =	shalt  }
0x6f: {  	_ =	shalt  }
0x70: {  	_ =	shalt  }
0x71: {  	_ =	shalt  }
0x72: {  	_ =	shalt  }
0x73: {  	_ =	shalt  }
0x74: {  	_ =	shalt  }
0x75: {  	_ =	shalt  }
0x76: {  	_ =	shalt  }
0x77: {  	_ =	shalt  }
0x78: {  	_ =	shalt  }
0x79: {  	_ =	shalt  }
0x7a: {  	_ =	shalt  }
0x7b: {  	_ =	shalt  }
0x7c: {  	_ =	shalt  }
0x7d: {  	_ =	shalt  }
0x7e: {  	_ =	shalt  }
0x7f: {  	_ =	shalt  }
0x80: {  	_ =	shalt  }
0x81: {  	_ =	shalt  }
0x82: {  	_ =	shalt  }
0x83: {  	_ =	shalt  }
0x84: {  	_ =	shalt  }
0x85: {  	_ =	shalt  }
0x86: {  	_ =	shalt  }
0x87: {  	_ =	shalt  }
.Lfunc_end0:
.L_simem_size_0:
called_computation_lowered:
.L_overlay_start_0:
0x88: {  	s2 =	sld [smem:$0x3FD9]  }
0x89: {  	s3 =	sld [smem:$0x3FFE];
	_ =	sdelay $0x1  }
0x8a: {  	s1 =	srdreg.scid  }
0x8b: {  	s0 =	sand.u32 $0x1, s1  }
0x8c: {  	s17 =	sshll.u32 s0, $0xA;
	s2 =	sadd.s32 s3, s2  }
0x8d: {  	s2 =	sadd.s32 s2, s17  }
0x8e: {  	[smem:$0x3FB5] =	sst s2  }
0x8f: {  	_ = 	snop  }
0x90: {  	s2 =	sld [smem:$0x3FC6]  }
0x91: {  	s18 =	sld [smem:$0x3FD0];
	(tm) =	ssettm $0x1  }
0x92: {  	s4 =	sld [smem:$0x3FFB];
	_ =	sdelay $0x3  }
0x93: {  	_ =	strace s4  }
0x94: {  	s4 =	sld [smem:$0x3FFC];
	_ =	sdelay $0x3  }
0x95: {  	_ =	strace s4  }
0x96: {  	s4 =	sld [smem:$0x3FFD];
	_ =	sdelay $0x3  }
0x97: {  	_ =	strace s4  }
0x98: {  	_ =	strace $0x8FFFFFFF  }
0x99: {  	s19 =	sld [smem:$0x3FDB];
	_ =	sdelay $0x1  }
0x9a: {  	s5 =	simm.s32 $_scs_section_size  }
0x9b: {  	s6 =	simm.s32 $_size__tile_overlayer_lowered;
	s7 =	simm.s32 $_tile_overlayer_lowered  }
0x9c: {  	s22 =	simm.s32 $0x1BFF;
	s21 =	sshll.u32 s7, $0x1;
	s4 =	sadd.s32 s5, s19  }
0x9d: {  	s8 =	simm.s32 $0x0;
	s20 =	sshll.u32 s6, $0x1;
	s6 =	sadd.s32 s21, s4  }
0x9e: {  	[timem:s8], [sflag:s22] =	dma.local [hbm:s6], s20  }
0x9f: {  	_ =	swait.ge [sflag:s22], s20  }
0xa0: {  	s5 =	ssub.s32 $0x0, s20;
	[sflag:s22] =	ssyncset.done $0x0  }
0xa1: {  	[sflag:s22] =	ssyncadd.s32 s5;
	_ =	sdelay $0x1  }
0xa2: {  	s23 =	simm.s32 $0x1B8B  }
0xa3: {  	_ =	swait.ge [sflag:s23], $0x1  }
0xa4: {  	[sflag:s23] =	ssyncset.done $0x0  }
0xa5: {  	s25 =	simm.s32 $0x1B8E;
	s24 =	sld [smem:$0x3FFE];
	[sflag:s23] =	ssyncadd.s32 $0xFFFFFFFF  }
0xa6: {  	s26 =	simm.s32 $execute0_lowered;
	[smem:$0x3FD2] =	sst s25  }
0xa7: {  	s6 =	sshll.u32 s26, $0x1;
	_ =	strace $0x80000046;
	[dreg:$0x1] =	wrdreg $0xFFFFFFFF  }
0xa8: {  	s28 =	simm.s32 $_size_execute0_lowered;
	s4 =	sadd.s32 s4, s6;
	[dreg:$0x0] =	wrdreg $0x0  }
0xa9: {  	s6 =	sshll.u32 s28, $0x1;
	[dreg:$0x2] =	wrdreg s4  }
0xaa: {  	[dreg:$0x3] =	wrdreg s6  }
0xab: {  	[dreg:$0x4] =	wrdreg $0xC0  }
0xac: {  	_ =	task [dreg:s8], $0x5FFFF  }
0xad: {  	[dreg:$0x1] =	wrdreg $0xFFFFFFFF  }
0xae: {  	[dreg:$0x0] =	wrdreg $0x60  }
0xaf: {  	[dreg:$0x2] =	wrdreg s18  }
0xb0: {  	[dreg:$0x3] =	wrdreg s24  }
0xb1: {  	[dreg:$0x4] =	wrdreg s2  }
0xb2: {  	[dreg:$0x5] =	wrdreg $0xA0000  }
0xb3: {  	[dreg:$0x6] =	wrdreg $0x9  }
0xb4: {  	_ =	task.clear_ibuf [dreg:s8], $0x7FFFF;
	_ =	strace $0x90000046  }
0xb5: {  	s29 =	simm.s32 $0x9;
	_ =	strace $0x80000048  }
0xb6: {  	_ =	swait.ge [sflag:s29], $0x1  }
0xb7: {  	[sflag:s29] =	ssyncadd.s32 $0xFFFFFFFF  }
0xb8: {  	_ =	strace $0x90000048  }
0xb9: {  	_ =	sfence  }
0xba: {  	s30 =	sld [smem:$0x0];
	_ =	sdelay $0x2  }
0xbb: {  	s31 =	sshll.u32 s1, $0xD;
	s1 =	sshrl.u32 s1, $0x2  }
0xbc: {  	s3 =	sand.u32 $0x4000, s31;
	s1 =	sadd.s32 s1, s30  }
0xbd: {  	s0 =	sor.u32 s3, s0;
	s1 =	sshll.u32 s1, $0x11  }
0xbe: {  	s0 =	sor.u32 s1, s0  }
0xbf: {  	s0 =	sadd.s32 $0x8F2B, s0  }
0xc0: {  	[sflag:s0] =	ssyncadd.remote.s32 $0x1  }
0xc1: {  	_ =	sfence.sel $0xFFFF  }
0xc2: {  	[dreg:$0x0] =	wrdreg $0xFFFFFFFF;
	(pc) =	sbr.abs _section_cstart, $3  }
0xc3: {  	[dreg:$0x1] =	wrdreg $0xFFFFFFFF  }
0xc4: {  	_ =	task.clear_ibuf [dreg:s8], $0x2FFFF;
	_ =	strace $0x9FFFFFFF  }
0xc5: {  	(tm) =	ssettm $0x7FFFFFFF  }
tec
execute0_lowered:
.L_overlay_start_1:
0x0: {  	(tag) =	ssettag $0x1  }
0x1: {  	s0 =	rddreg [dreg:$0x0]  }
0x2: {  	s1 =	rddreg [dreg:$0x1]  }
0x3: {  	s3 =	srdreg.scid;
	s2 =	rddreg [dreg:$0x2]  }
0x4: {  	s10 =	stileid.u32;
	s4 =	simm.s32 $0x0;
	s18 =	simm.s32 $0x2000  }
0x5: {  	s19 =	simm.s32 $0x4;
	s21 =	simm.s32 $0x3;
	s22 =	simm.s32 $0x80  }
0x6: {  	s23 =	simm.s32 $0x6000;
	s28 =	simm.s32 $0x2;
	s6 =	smul.u32 $0x14000, s10  }
0x7: {  	s8 =	sand.u32 $0x1, s3;
	s3 =	rddreg [dreg:$0x3];
	s25 =	smul.u32 $0x50000, s10  }
0x8: {  	[smem:$0x7FF] =	sst s4;
	s16 =	sadd.s32 $0x3400, s1;
	s12 =	smul.u32 $0x5000, s10  }
0x9: {  	s26 =	sshll.u32 s10, $0x1;
	s5 =	smul.u32 $0x140000, s8;
	_ =	strace $0x80000047  }
0xa: {  	s7 =	ssub.s32 $0x2, s8;
	s9 =	sor.u32 s8, s26;
	s14 =	smul.u32 $0x2800, s8  }
0xb: {  	s26 =	simm.s32 $0x1;
	s30 =	sshrl.u32 s7, $0x1;
	s9 =	smul.u32 $0x2800, s9  }
0xc: {  	s29 =	sshrl.u32 s25, $0x2;
	s5 =	sadd.s32 s6, s5;
	s15 =	ssub.s32 s7, s30  }
0xd: {  	s14 =	sadd.s32 s14, s12;
	s5 =	sshrl.u32 s5, $0x3;
	s13 =	sshrl.u32 s9, $0x3  }
0xe: {  	s17 =	sadd.s32 $0x1000, s14;
	s15 =	smax.u32 s15, $0x1;
	s1 =	sadd.s32 s5, s1  }
.Ltmp0:
0xf: {  	s5 =	sadd.s32 s29, s3;
	s10 =	sadd.s32 s0, s13;
	(pc) =	sbr.rel .LBB2_1-.Ltmp0, $4  }
0x10: {  	s11 =	sadd.s32 s16, s13;
	s13 =	sadd.s32 $0x100, s13;
	s31 =	sshrl.u32 s17, $0x3  }
0x11: {  	s6 =	sadd.s32 $0x4000, s5;
	s7 =	sadd.s32 $0x8000, s5;
	s8 =	sadd.s32 $0xC000, s5  }
0x12: {  	s9 =	sadd.s32 $0x10000, s5;
	s12 =	sadd.s32 s0, s13;
	s13 =	sadd.s32 s16, s13  }
0x13: {  	v0 =	vimm.f32 $0.0e+00;
	s14 =	sadd.s32 $0xD400, s1;
	s16 =	sadd.s32 s31, s16;
	s17 =	sadd.s32 s31, s0  }
.LBB2_5:
0x14: {  	_ =	swait.ge [sflag:s28], $0x4000  }
0x15: {  	[sflag:s28] =	ssyncset.done $0x0  }
0x16: {  	s0 =	sadd.s32 $0xF80, s20;
	[sflag:s28] =	ssyncadd.s32 $0xFFFFC000  }
0x17: {  	[spmem:s3] =	stream.indirect.scatter.add.f32 [tilespmem:s23], [sflag:$0x4], $0x80, s0, s22, $0xb8;
	[tilespmem:$0x1E000] =	vst v63  }
0x18: {  	_ =	swait.ge [sflag:s19], $0x4000  }
0x19: {  	[sflag:s19] =	ssyncset.done $0x0  }
0x1a: {  	[sflag:s19] =	ssyncadd.s32 $0xFFFFC000  }
.LBB2_7:
0x1b: {  	s0 =	stileid.u32;
	s4 =	sadd.s32 $0x1, s4  }
0x1c: {  	[bflag:$0x0] =	sbarrier.arrive $0xFFFF;
	s0 =	sshll.u32 s0, $0x6;
	p0 =	sne.s32 s4, s15  }
.Ltmp1:
0x1d: {  	s1 =	sshrl.u32 s5, $0x3;
	s0 =	sor.u32 $0x1C04, s0;
	(pc) =	sbr.rel @!p0 .LBB2_8-.Ltmp1, $4  }
0x1e: {  	[hbm:s14], [sflag:s0] =	dma.local [spmem:s1], $0x2800  }
0x1f: {  	_ =	swait.ge [sflag:s19], $0x2800  }
0x20: {  	[sflag:s19] =	ssyncset.done $0x0  }
0x21: {  	[sflag:s19] =	ssyncadd.s32 $0xFFFFD800  }
.LBB2_1:
0x22: {  	s0 =	simm.s32 $0x0;
	s1 =	simm.s32 $0x200  }
.LBB2_2:
0x23: {  	p0 =	sne.s32 s1, $0xFE00;
	[tilespmem:s0+$0x2070] =	vst v0  }
0x24: {  	[tilespmem:s0+$0x2000] =	vst v0  }
0x25: {  	[tilespmem:s0+$0x2010] =	vst v0  }
.Ltmp2:
0x26: {  	[tilespmem:s0+$0x2020] =	vst v0;
	(pc) =	sbr.rel @p0 .LBB2_2-.Ltmp2, $4  }
0x27: {  	[tilespmem:s0+$0x2030] =	vst v0  }
0x28: {  	[tilespmem:s0+$0x2040] =	vst v0  }
0x29: {  	[tilespmem:s0+$0x2050] =	vst v0  }
0x2a: {  	[tilespmem:s0+$0x2060] =	vst v0;
	s0 =	sshra.s32 s1, $0x2;
	s1 =	sadd.s32 $0x200, s1  }
0x2b: {  	[tilespmem:s0+$0x2070] =	vst v0  }
0x2c: {  	[tilespmem:s0+$0x2000] =	vst v0  }
0x2d: {  	[tilespmem:s0+$0x2010] =	vst v0  }
0x2e: {  	[tilespmem:s0+$0x2020] =	vst v0  }
0x2f: {  	[tilespmem:s0+$0x2030] =	vst v0  }
0x30: {  	[tilespmem:s0+$0x2040] =	vst v0  }
0x31: {  	[tilespmem:s0+$0x2050] =	vst v0  }
0x32: {  	[tilespmem:s0+$0x2060] =	vst v0  }
0x33: {  	[spmem:s5] =	stream.linear.scatter [tilespmem:s18], [sflag:$0x4], $0x4000, $0x38;
	[tilespmem:$0x1E000] =	vst v63  }
0x34: {  	_ =	swait.ge [sflag:s19], $0x4000  }
0x35: {  	[sflag:s19] =	ssyncset.done $0x0  }
0x36: {  	[sflag:s19] =	ssyncadd.s32 $0xFFFFC000  }
0x37: {  	[spmem:s6] =	stream.linear.scatter [tilespmem:s18], [sflag:$0x4], $0x4000, $0x38;
	[tilespmem:$0x1E000] =	vst v63  }
0x38: {  	_ =	swait.ge [sflag:s19], $0x4000  }
0x39: {  	[sflag:s19] =	ssyncset.done $0x0  }
0x3a: {  	[sflag:s19] =	ssyncadd.s32 $0xFFFFC000  }
0x3b: {  	[spmem:s7] =	stream.linear.scatter [tilespmem:s18], [sflag:$0x4], $0x4000, $0x38;
	[tilespmem:$0x1E000] =	vst v63  }
0x3c: {  	_ =	swait.ge [sflag:s19], $0x4000  }
0x3d: {  	[sflag:s19] =	ssyncset.done $0x0  }
0x3e: {  	[sflag:s19] =	ssyncadd.s32 $0xFFFFC000  }
0x3f: {  	[spmem:s8] =	stream.linear.scatter [tilespmem:s18], [sflag:$0x4], $0x4000, $0x38;
	[tilespmem:$0x1E000] =	vst v63  }
0x40: {  	_ =	swait.ge [sflag:s19], $0x4000  }
0x41: {  	[sflag:s19] =	ssyncset.done $0x0  }
0x42: {  	[sflag:s19] =	ssyncadd.s32 $0xFFFFC000  }
0x43: {  	[spmem:s9] =	stream.linear.scatter [tilespmem:s18], [sflag:$0x4], $0x4000, $0x38;
	[tilespmem:$0x1E000] =	vst v63  }
0x44: {  	_ =	swait.ge [sflag:s19], $0x4000  }
0x45: {  	[sflag:s19] =	ssyncset.done $0x0  }
0x46: {  	[sflag:s19] =	ssyncadd.s32 $0xFFFFC000  }
0x47: {  	s29 =	simm.s32 $0x0;
	[bflag:$0x0] =	sbarrier.arrive $0xFFFF  }
0x48: {  	[tilespmem:s29], [sflag:$0x3] =	stream.linear.gather [hbm4b:s10+s29], $0x800, $0x38;
	[tilespmem:$0x1E000] =	vst v63  }
0x49: {  	s20 =	simm.s32 $0x800  }
0x4a: {  	[tilespmem:s20], [sflag:$0x3] =	stream.linear.gather [hbm4b:s11+s29], $0x800, $0x38;
	[tilespmem:$0x1E000] =	vst v63  }
0x4b: {  	_ =	swait.ge [sflag:s21], $0x800  }
0x4c: {  	[sflag:s21] =	ssyncset.done $0x0  }
0x4d: {  	[sflag:s21] =	ssyncadd.s32 $0xFFFFF800  }
0x4e: {  	_ =	swait.ge [sflag:s21], $0x800  }
0x4f: {  	[sflag:s21] =	ssyncset.done $0x0  }
0x50: {  	[sflag:s21] =	ssyncadd.s32 $0xFFFFF800  }
0x51: {  	[tilespmem:s18], [sflag:$0x1] =	stream.indirect.gather [hbm4b:s2+s22], $0x80, s29, s22, $0xb8;
	[tilespmem:$0x1E000] =	vst v63  }
0x52: {  	_ = 	snop  }
0x53: {  	[tilespmem:s23], [sflag:$0x2] =	stream.indirect.gather [hbm4b:s2+s22], $0x80, s22, s22, $0xb8;
	[tilespmem:$0x1E000] =	vst v63  }
0x54: {  	s24 =	simm.s32 $0x1000;
	s25 =	simm.s32 $0x1800  }
0x55: {  	[tilespmem:s24], [sflag:$0x3] =	stream.linear.gather [hbm4b:s12+s29], $0x800, $0x38;
	[tilespmem:$0x1E000] =	vst v63  }
0x56: {  	s30 =	simm.s32 $0x4000;
	s31 =	simm.s32 $0x0;
	s1 =	simm.s32 $0x0  }
0x57: {  	[tilespmem:s25], [sflag:$0x3] =	stream.linear.gather [hbm4b:s13+s29], $0x800, $0x38;
	[tilespmem:$0x1E000] =	vst v63  }
.LBB2_4:
0x58: {  	_ =	swait.ge [sflag:s26], $0x4000  }
0x59: {  	s20 =	sand.u32 $0x1000, s29;
	[sflag:s26] =	ssyncset.done $0x0  }
0x5a: {  	s0 =	sor.u32 $0x800, s20;
	[sflag:s26] =	ssyncadd.s32 $0xFFFFC000  }
0x5b: {  	[spmem:s3] =	stream.indirect.scatter.add.f32 [tilespmem:s18], [sflag:$0x4], $0x80, s0, s22, $0xb8;
	[tilespmem:$0x1E000] =	vst v63  }
0x5c: {  	_ =	swait.ge [sflag:s19], $0x4000  }
0x5d: {  	[sflag:s19] =	ssyncset.done $0x0  }
0x5e: {  	s24 =	sor.u32 $0x100, s20;
	[sflag:s19] =	ssyncadd.s32 $0xFFFFC000  }
0x5f: {  	[tilespmem:s18], [sflag:$0x1] =	stream.indirect.gather [hbm4b:s2+s22], $0x80, s24, s22, $0xb8;
	[tilespmem:$0x1E000] =	vst v63  }
0x60: {  	_ =	swait.ge [sflag:s28], $0x4000  }
0x61: {  	[sflag:s28] =	ssyncset.done $0x0  }
0x62: {  	s25 =	sor.u32 $0x880, s20;
	[sflag:s28] =	ssyncadd.s32 $0xFFFFC000  }
0x63: {  	[spmem:s3] =	stream.indirect.scatter.add.f32 [tilespmem:s23], [sflag:$0x4], $0x80, s25, s22, $0xb8;
	[tilespmem:$0x1E000] =	vst v63  }
0x64: {  	_ =	swait.ge [sflag:s19], $0x4000  }
0x65: {  	[sflag:s19] =	ssyncset.done $0x0  }
0x66: {  	s25 =	sor.u32 $0x180, s20;
	[sflag:s19] =	ssyncadd.s32 $0xFFFFC000  }
0x67: {  	[tilespmem:s23], [sflag:$0x2] =	stream.indirect.gather [hbm4b:s2+s22], $0x80, s25, s22, $0xb8;
	[tilespmem:$0x1E000] =	vst v63  }
0x68: {  	_ =	swait.ge [sflag:s26], $0x4000  }
0x69: {  	[sflag:s26] =	ssyncset.done $0x0  }
0x6a: {  	s25 =	sor.u32 $0x900, s20;
	[sflag:s26] =	ssyncadd.s32 $0xFFFFC000  }
0x6b: {  	[spmem:s3] =	stream.indirect.scatter.add.f32 [tilespmem:s18], [sflag:$0x4], $0x80, s25, s22, $0xb8;
	[tilespmem:$0x1E000] =	vst v63  }
0x6c: {  	_ =	swait.ge [sflag:s19], $0x4000  }
0x6d: {  	[sflag:s19] =	ssyncset.done $0x0  }
0x6e: {  	s25 =	sor.u32 $0x200, s20;
	[sflag:s19] =	ssyncadd.s32 $0xFFFFC000  }
0x6f: {  	[tilespmem:s18], [sflag:$0x1] =	stream.indirect.gather [hbm4b:s2+s22], $0x80, s25, s22, $0xb8;
	[tilespmem:$0x1E000] =	vst v63  }
0x70: {  	_ =	swait.ge [sflag:s28], $0x4000  }
0x71: {  	[sflag:s28] =	ssyncset.done $0x0  }
0x72: {  	s25 =	sor.u32 $0x980, s20;
	[sflag:s28] =	ssyncadd.s32 $0xFFFFC000  }
0x73: {  	[spmem:s3] =	stream.indirect.scatter.add.f32 [tilespmem:s23], [sflag:$0x4], $0x80, s25, s22, $0xb8;
	[tilespmem:$0x1E000] =	vst v63  }
0x74: {  	_ =	swait.ge [sflag:s19], $0x4000  }
0x75: {  	[sflag:s19] =	ssyncset.done $0x0  }
0x76: {  	s25 =	sor.u32 $0x280, s20;
	[sflag:s19] =	ssyncadd.s32 $0xFFFFC000  }
0x77: {  	[tilespmem:s23], [sflag:$0x2] =	stream.indirect.gather [hbm4b:s2+s22], $0x80, s25, s22, $0xb8;
	[tilespmem:$0x1E000] =	vst v63  }
0x78: {  	_ =	swait.ge [sflag:s26], $0x4000  }
0x79: {  	[sflag:s26] =	ssyncset.done $0x0  }
0x7a: {  	s25 =	sor.u32 $0xA00, s20;
	[sflag:s26] =	ssyncadd.s32 $0xFFFFC000  }
0x7b: {  	[spmem:s3] =	stream.indirect.scatter.add.f32 [tilespmem:s18], [sflag:$0x4], $0x80, s25, s22, $0xb8;
	[tilespmem:$0x1E000] =	vst v63  }
0x7c: {  	_ =	swait.ge [sflag:s19], $0x4000  }
0x7d: {  	[sflag:s19] =	ssyncset.done $0x0  }
0x7e: {  	s25 =	sor.u32 $0x300, s20;
	[sflag:s19] =	ssyncadd.s32 $0xFFFFC000  }
0x7f: {  	[tilespmem:s18], [sflag:$0x1] =	stream.indirect.gather [hbm4b:s2+s22], $0x80, s25, s22, $0xb8;
	[tilespmem:$0x1E000] =	vst v63  }
0x80: {  	_ =	swait.ge [sflag:s28], $0x4000  }
0x81: {  	[sflag:s28] =	ssyncset.done $0x0  }
0x82: {  	s25 =	sor.u32 $0xA80, s20;
	[sflag:s28] =	ssyncadd.s32 $0xFFFFC000  }
0x83: {  	[spmem:s3] =	stream.indirect.scatter.add.f32 [tilespmem:s23], [sflag:$0x4], $0x80, s25, s22, $0xb8;
	[tilespmem:$0x1E000] =	vst v63  }
0x84: {  	_ =	swait.ge [sflag:s19], $0x4000  }
0x85: {  	[sflag:s19] =	ssyncset.done $0x0  }
0x86: {  	s25 =	sor.u32 $0x380, s20;
	[sflag:s19] =	ssyncadd.s32 $0xFFFFC000  }
0x87: {  	[tilespmem:s23], [sflag:$0x2] =	stream.indirect.gather [hbm4b:s2+s22], $0x80, s25, s22, $0xb8;
	[tilespmem:$0x1E000] =	vst v63  }
0x88: {  	_ =	swait.ge [sflag:s26], $0x4000  }
0x89: {  	[sflag:s26] =	ssyncset.done $0x0  }
0x8a: {  	s25 =	sor.u32 $0xB00, s20;
	[sflag:s26] =	ssyncadd.s32 $0xFFFFC000  }
0x8b: {  	[spmem:s3] =	stream.indirect.scatter.add.f32 [tilespmem:s18], [sflag:$0x4], $0x80, s25, s22, $0xb8;
	[tilespmem:$0x1E000] =	vst v63  }
0x8c: {  	_ =	swait.ge [sflag:s19], $0x4000  }
0x8d: {  	[sflag:s19] =	ssyncset.done $0x0  }
0x8e: {  	s25 =	sor.u32 $0x400, s20;
	[sflag:s19] =	ssyncadd.s32 $0xFFFFC000  }
0x8f: {  	[tilespmem:s18], [sflag:$0x1] =	stream.indirect.gather [hbm4b:s2+s22], $0x80, s25, s22, $0xb8;
	[tilespmem:$0x1E000] =	vst v63  }
0x90: {  	_ =	swait.ge [sflag:s28], $0x4000  }
0x91: {  	[sflag:s28] =	ssyncset.done $0x0  }
0x92: {  	s25 =	sor.u32 $0xB80, s20;
	[sflag:s28] =	ssyncadd.s32 $0xFFFFC000  }
0x93: {  	[spmem:s3] =	stream.indirect.scatter.add.f32 [tilespmem:s23], [sflag:$0x4], $0x80, s25, s22, $0xb8;
	[tilespmem:$0x1E000] =	vst v63  }
0x94: {  	_ =	swait.ge [sflag:s19], $0x4000  }
0x95: {  	[sflag:s19] =	ssyncset.done $0x0  }
0x96: {  	s25 =	sor.u32 $0x480, s20;
	[sflag:s19] =	ssyncadd.s32 $0xFFFFC000  }
0x97: {  	[tilespmem:s23], [sflag:$0x2] =	stream.indirect.gather [hbm4b:s2+s22], $0x80, s25, s22, $0xb8;
	[tilespmem:$0x1E000] =	vst v63  }
0x98: {  	_ =	swait.ge [sflag:s26], $0x4000  }
0x99: {  	[sflag:s26] =	ssyncset.done $0x0  }
0x9a: {  	s25 =	sor.u32 $0xC00, s20;
	[sflag:s26] =	ssyncadd.s32 $0xFFFFC000  }
0x9b: {  	[spmem:s3] =	stream.indirect.scatter.add.f32 [tilespmem:s18], [sflag:$0x4], $0x80, s25, s22, $0xb8;
	[tilespmem:$0x1E000] =	vst v63  }
0x9c: {  	_ =	swait.ge [sflag:s19], $0x4000  }
0x9d: {  	[sflag:s19] =	ssyncset.done $0x0  }
0x9e: {  	s25 =	sor.u32 $0x500, s20;
	[sflag:s19] =	ssyncadd.s32 $0xFFFFC000  }
0x9f: {  	[tilespmem:s18], [sflag:$0x1] =	stream.indirect.gather [hbm4b:s2+s22], $0x80, s25, s22, $0xb8;
	[tilespmem:$0x1E000] =	vst v63  }
0xa0: {  	_ =	swait.ge [sflag:s28], $0x4000  }
0xa1: {  	[sflag:s28] =	ssyncset.done $0x0  }
0xa2: {  	s25 =	sor.u32 $0xC80, s20;
	[sflag:s28] =	ssyncadd.s32 $0xFFFFC000  }
0xa3: {  	[spmem:s3] =	stream.indirect.scatter.add.f32 [tilespmem:s23], [sflag:$0x4], $0x80, s25, s22, $0xb8;
	[tilespmem:$0x1E000] =	vst v63  }
0xa4: {  	_ =	swait.ge [sflag:s19], $0x4000  }
0xa5: {  	[sflag:s19] =	ssyncset.done $0x0  }
0xa6: {  	s25 =	sor.u32 $0x580, s20;
	[sflag:s19] =	ssyncadd.s32 $0xFFFFC000  }
0xa7: {  	[tilespmem:s23], [sflag:$0x2] =	stream.indirect.gather [hbm4b:s2+s22], $0x80, s25, s22, $0xb8;
	[tilespmem:$0x1E000] =	vst v63  }
0xa8: {  	_ =	swait.ge [sflag:s26], $0x4000  }
0xa9: {  	[sflag:s26] =	ssyncset.done $0x0  }
0xaa: {  	s25 =	sor.u32 $0xD00, s20;
	[sflag:s26] =	ssyncadd.s32 $0xFFFFC000  }
0xab: {  	[spmem:s3] =	stream.indirect.scatter.add.f32 [tilespmem:s18], [sflag:$0x4], $0x80, s25, s22, $0xb8;
	[tilespmem:$0x1E000] =	vst v63  }
0xac: {  	_ =	swait.ge [sflag:s19], $0x4000  }
0xad: {  	[sflag:s19] =	ssyncset.done $0x0  }
0xae: {  	s25 =	sor.u32 $0x600, s20;
	[sflag:s19] =	ssyncadd.s32 $0xFFFFC000  }
0xaf: {  	[tilespmem:s18], [sflag:$0x1] =	stream.indirect.gather [hbm4b:s2+s22], $0x80, s25, s22, $0xb8;
	[tilespmem:$0x1E000] =	vst v63  }
0xb0: {  	_ =	swait.ge [sflag:s28], $0x4000  }
0xb1: {  	[sflag:s28] =	ssyncset.done $0x0  }
0xb2: {  	s25 =	sor.u32 $0xD80, s20;
	[sflag:s28] =	ssyncadd.s32 $0xFFFFC000  }
0xb3: {  	[spmem:s3] =	stream.indirect.scatter.add.f32 [tilespmem:s23], [sflag:$0x4], $0x80, s25, s22, $0xb8;
	[tilespmem:$0x1E000] =	vst v63  }
0xb4: {  	_ =	swait.ge [sflag:s19], $0x4000  }
0xb5: {  	[sflag:s19] =	ssyncset.done $0x0  }
0xb6: {  	s25 =	sor.u32 $0x680, s20;
	[sflag:s19] =	ssyncadd.s32 $0xFFFFC000  }
0xb7: {  	[tilespmem:s23], [sflag:$0x2] =	stream.indirect.gather [hbm4b:s2+s22], $0x80, s25, s22, $0xb8;
	[tilespmem:$0x1E000] =	vst v63  }
0xb8: {  	_ =	swait.ge [sflag:s26], $0x4000  }
0xb9: {  	[sflag:s26] =	ssyncset.done $0x0  }
0xba: {  	s25 =	sor.u32 $0xE00, s20;
	[sflag:s26] =	ssyncadd.s32 $0xFFFFC000  }
0xbb: {  	[spmem:s3] =	stream.indirect.scatter.add.f32 [tilespmem:s18], [sflag:$0x4], $0x80, s25, s22, $0xb8;
	[tilespmem:$0x1E000] =	vst v63  }
0xbc: {  	_ =	swait.ge [sflag:s19], $0x4000  }
0xbd: {  	[sflag:s19] =	ssyncset.done $0x0  }
0xbe: {  	s25 =	sor.u32 $0x700, s20;
	[sflag:s19] =	ssyncadd.s32 $0xFFFFC000  }
0xbf: {  	[tilespmem:s18], [sflag:$0x1] =	stream.indirect.gather [hbm4b:s2+s22], $0x80, s25, s22, $0xb8;
	[tilespmem:$0x1E000] =	vst v63  }
0xc0: {  	_ =	swait.ge [sflag:s28], $0x4000  }
0xc1: {  	[sflag:s28] =	ssyncset.done $0x0  }
0xc2: {  	s25 =	sor.u32 $0xE80, s20;
	[sflag:s28] =	ssyncadd.s32 $0xFFFFC000  }
0xc3: {  	[spmem:s3] =	stream.indirect.scatter.add.f32 [tilespmem:s23], [sflag:$0x4], $0x80, s25, s22, $0xb8;
	[tilespmem:$0x1E000] =	vst v63  }
0xc4: {  	_ =	swait.ge [sflag:s19], $0x4000  }
0xc5: {  	[sflag:s19] =	ssyncset.done $0x0  }
0xc6: {  	s25 =	sor.u32 $0x780, s20;
	[sflag:s19] =	ssyncadd.s32 $0xFFFFC000  }
0xc7: {  	[tilespmem:s23], [sflag:$0x2] =	stream.indirect.gather [hbm4b:s2+s22], $0x80, s25, s22, $0xb8;
	[tilespmem:$0x1E000] =	vst v63  }
0xc8: {  	_ =	swait.ge [sflag:s26], $0x4000  }
0xc9: {  	p0 =	sne.s32 s31, $0x400;
	[sflag:s26] =	ssyncset.done $0x0  }
.Ltmp3:
0xca: {  	s25 =	sor.u32 $0xF00, s20;
	[sflag:s26] =	ssyncadd.s32 $0xFFFFC000;
	(pc) =	sbr.rel @!p0 .LBB2_5-.Ltmp3, $4  }
0xcb: {  	[spmem:s3] =	stream.indirect.scatter.add.f32 [tilespmem:s18], [sflag:$0x4], $0x80, s25, s22, $0xb8;
	[tilespmem:$0x1E000] =	vst v63  }
0xcc: {  	_ =	swait.ge [sflag:s19], $0x4000  }
0xcd: {  	[sflag:s19] =	ssyncset.done $0x0  }
0xce: {  	[sflag:s19] =	ssyncadd.s32 $0xFFFFC000  }
0xcf: {  	_ =	swait.ge [sflag:s21], $0x800  }
0xd0: {  	[sflag:s21] =	ssyncset.done $0x0  }
0xd1: {  	[sflag:s21] =	ssyncadd.s32 $0xFFFFF800  }
0xd2: {  	_ =	swait.ge [sflag:s21], $0x800  }
0xd3: {  	s24 =	sshrl.u32 s30, $0x2;
	[sflag:s21] =	ssyncset.done $0x0  }
0xd4: {  	s24 =	sand.u32 $0x1000, s24;
	[sflag:s21] =	ssyncadd.s32 $0xFFFFF800  }
0xd5: {  	[tilespmem:s18], [sflag:$0x1] =	stream.indirect.gather [hbm4b:s2+s22], $0x80, s24, s22, $0xb8;
	[tilespmem:$0x1E000] =	vst v63  }
0xd6: {  	_ =	swait.ge [sflag:s28], $0x4000  }
0xd7: {  	[sflag:s28] =	ssyncset.done $0x0  }
0xd8: {  	s25 =	sadd.s32 $0xF80, s20;
	[sflag:s28] =	ssyncadd.s32 $0xFFFFC000  }
0xd9: {  	[spmem:s3] =	stream.indirect.scatter.add.f32 [tilespmem:s23], [sflag:$0x4], $0x80, s25, s22, $0xb8;
	[tilespmem:$0x1E000] =	vst v63  }
0xda: {  	_ =	swait.ge [sflag:s19], $0x4000  }
0xdb: {  	[sflag:s19] =	ssyncset.done $0x0  }
0xdc: {  	p0 =	sgt.u32 s1, $0x2;
	s24 =	sor.u32 $0x80, s24;
	[sflag:s19] =	ssyncadd.s32 $0xFFFFC000  }
0xdd: {  	[tilespmem:s23], [sflag:$0x2] =	stream.indirect.gather [hbm4b:s2+s22], $0x80, s24, s22, $0xb8;
	[tilespmem:$0x1E000] =	vst v63  }
0xde: {  	s25 =	simm.s32 @!p0 $0x0;
	s24 =	sadd.s32 @!p0 s31, s17  }
0xdf: {  	[tilespmem:s20], [sflag:$0x3] =	stream.linear.gather @!p0 [hbm4b:s24+s25], $0x800, $0x38;
	[tilespmem:$0x1E000] =	vst v63  }
0xe0: {  	s20 =	sadd.s32 @!p0 s31, s16;
	s31 =	sadd.s32 $0x100, s31  }
0xe1: {  	[tilespmem:s0], [sflag:$0x3] =	stream.linear.gather @!p0 [hbm4b:s20+s25], $0x800, $0x38;
	[tilespmem:$0x1E000] =	vst v63  }
0xe2: {  	p0 =	sne.s32 s31, $0x500  }
.Ltmp4:
0xe3: {  	_ = 	snop;
	(pc) =	sbr.rel @p0 .LBB2_4-.Ltmp4, $4  }
.Ltmp5:
0xe4: {  	_ = 	snop;
	(pc) =	sbr.rel @!p0 .LBB2_7-.Ltmp5, $4  }
0xe5: {  	_ = 	snop  }
0xe6: {  	_ = 	snop  }
0xe7: {  	s30 =	sadd.s32 $0x4000, s30;
	s29 =	sadd.s32 $0x1000, s29;
	s1 =	sadd.s32 $0x1, s1  }
0xe8: {  	_ = 	snop  }
.LBB2_8:
0xe9: {  	_ =	sfence.sel $0x180000  }
0xea: {  	[bflag:$0x0] =	sbarrier.arrive $0xFFFF  }
0xeb: {  	_ =	strace $0x90000047  }
0xec: {  	s0 =	stileid.u32;
	[bflag:$0x2] =	sbarrier.arrive $0xFFFF  }
0xed: {  	p0 =	sne.s32 s0, $0x0;
	s0 =	rddreg [dreg:$0x4]  }
0xee: {  	s0 =	sadd.s32 @!p0 $0x100000, s0  }
0xef: {  	[sflag:s0] =	ssyncadd.tile.s32 @!p0 $0x1;
	_ =	shalt  }
.Lfunc_end2:
_tile_overlayer_lowered:
.L_overlay_start_2:
0xf0: {  	(tag) =	ssettag $0x2  }
0xf1: {  	s0 =	rddreg [dreg:$0x0];
	s2 =	stileid.u32  }
0xf2: {  	s1 =	rddreg [dreg:$0x1];
	p0 =	sne.s32 s2, $0x0  }
0xf3: {  	s3 =	rddreg [dreg:$0x2];
	[bflag:$0x3] =	sbarrier.arrive $0xFFFF;
	s2 =	simm.s32 @!p0 $0x1C04  }
0xf4: {  	[timem:s3], [sflag:s2] =	dma.local @!p0 [hbm:s0], s1  }
0xf5: {  	s0 =	simm.s32 @!p0 $0x4  }
0xf6: {  	_ =	swait.ge @!p0 [sflag:s0], s1  }
0xf7: {  	s1 =	ssub.s32 @!p0 $0x0, s1;
	[sflag:s0] =	ssyncset.done @!p0 $0x0  }
0xf8: {  	[sflag:s0] =	ssyncadd.s32 @!p0 s1  }
0xf9: {  	[bflag:$0x3] =	sbarrier.arrive $0xFFFF  }
0xfa: {  	_ =	shalt  }

</sc_bundles>
